<compile_context>
chip_gen: v7x
topology: tpu7x:2x2x1
jax: 0.10.2.dev20260603
libtpu: 0.0.44.dev20260713+nightly
codegen_flags: <defaults>
</compile_context>

<pallas_src>
import functools

import jax
import jax.numpy as jnp
from jax import lax
from jax.experimental import pallas as pl
from jax.experimental.pallas import tpu as pltpu
from jax.experimental.pallas import tpu_sc as plsc

N_NODES = 1000000
B = 16384
MEM = 64
EDGE = 16
TIME = 100
MSG = 100

NC = 2
NS = 16
NW = NC * NS
L = 16

TCOL = 128
CPW = 244
RANGE = CPW * TCOL
NCOV = 999936
W31R = NCOV - 31 * RANGE
RPAD = 31744
IDC = 4096
WCH = 128
NBUF = 5
GB = B // NW
BIG = 1 << 30


def _wid():
    return lax.axis_index("s") * NC + lax.axis_index("c")


def _gather_body(rows_hbm, src_hbm, dst_hbm, src_out, dst_out,
                 idx_v, rows_v, id_sem, g_sem):
    base = _wid() * GB
    for ids_hbm, out_hbm in ((src_hbm, src_out), (dst_hbm, dst_out)):
        pltpu.async_copy(ids_hbm.at[pl.ds(base, GB)], idx_v, id_sem).wait()
        pltpu.async_copy(rows_hbm.at[idx_v], rows_v, g_sem).wait()
        pltpu.sync_copy(rows_v, out_hbm.at[pl.ds(base, GB)])


def _scatter_body(mem_t, src_hbm, dst_hbm, vals_pad, out_t,
                  tab_v, lids_v, idbuf_v, evst_v, wrows_v, blk_v,
                  id_sem, wr_sem, in_sem, out_sem):
    wid = _wid()
    base = wid * RANGE
    myrange = jnp.where(wid == 31, W31R, RANGE)
    iota = lax.iota(jnp.int32, L)

    def init_body(i, _):
        tab_v[pl.ds(i * L, L)] = jnp.full((L,), -1, jnp.int32)
        return 0
    lax.fori_loop(0, RPAD // L, init_body, 0)

    for ids_hbm, ev_off in ((src_hbm, 0), (dst_hbm, B)):
        for c in range(B // IDC):
            pltpu.async_copy(ids_hbm.at[pl.ds(c * IDC, IDC)], idbuf_v,
                             id_sem).wait()

            def scan_body(k, _, ev0=ev_off + c * IDC):
                ids = idbuf_v[pl.ds(k * L, L)]
                lid = ids - base
                m = (lid >= 0) & (lid < myrange)
                ev = ev0 + k * L + iota
                key = jnp.where(m, lid * 32768 + ev, -1)
                skey, _u = plsc.sort_key_val(key, key, descending=True)
                slid = skey >> 15
                sev = skey & 32767
                prev = lax.gather(
                    slid, jnp.maximum(iota - 1, 0)[:, None],
                    dimension_numbers=lax.GatherDimensionNumbers(
                        offset_dims=(), collapsed_slice_dims=(0,),
                        start_index_map=(0,)),
                    slice_sizes=(1,),
                    mode=lax.GatherScatterMode.PROMISE_IN_BOUNDS)
                keep = (skey >= 0) & ((iota == 0) | (slid != prev))
                plsc.store_scatter(tab_v, [slid], sev, mask=keep)
                return 0
            lax.fori_loop(0, IDC // L, scan_body, 0)

    def compact(i, cnt_v):
        tv = tab_v[pl.ds(i * L, L)]
        m = tv >= 0
        pos = cnt_v + plsc.cumsum(m.astype(jnp.int32)) - 1
        plsc.store_scatter(lids_v, [pos], i * L + iota, mask=m)
        return cnt_v + plsc.all_reduce_population_count(m)
    cnt_v = lax.fori_loop(0, RPAD // L, compact, jnp.zeros((L,), jnp.int32))
    nwin = jnp.max(cnt_v)

    def stage(p):
        p = pl.multiple_of(p, WCH)
        for t in range(WCH // L):
            lv = jnp.clip(lids_v[pl.ds(p + t * L, L)], 0, myrange - 1)
            ev = jnp.maximum(plsc.load_gather(tab_v, [lv]), 0)
            evst_v[pl.ds(t * L, L)] = ev
        pltpu.async_copy(vals_pad.at[evst_v], wrows_v, wr_sem).wait()

    def lid_at(p):
        p16 = pl.multiple_of((p // L) * L, 8)
        v = lids_v[pl.ds(p16, L)]
        return jnp.max(jnp.where(iota == p - p16, v, -BIG))

    stage(0)
    cur0 = jnp.where(nwin > 0, lid_at(0), BIG)

    def patch_winners(p, cur, limit, bsel):
        def cond(st):
            return (st[0] < nwin) & (st[1] < limit)

        def body(st):
            p_, cur_ = st
            pp_v = jnp.full((L,), p_ % WCH, jnp.int32)
            lane_v = jnp.full((L,), cur_ & (TCOL - 1), jnp.int32)
            bv = jnp.full((L,), bsel, jnp.int32)
            for f0 in range(0, MEM, L):
                v = plsc.load_gather(wrows_v, [pp_v, f0 + iota])
                plsc.store_scatter(blk_v, [bv, f0 + iota, lane_v], v)
            p1 = p_ + 1

            @pl.when((p1 % WCH == 0) & (p1 < nwin))
            def _():
                stage(p1)
            cur1 = jnp.where(p1 < nwin, lid_at(p1), BIG)
            return (p1, cur1)
        return lax.while_loop(cond, body, (p, cur))

    basecol = wid * CPW
    ncols = jnp.where(wid == 31, 248, CPW)

    def start_in(c):
        off = (basecol + c) * TCOL
        pltpu.async_copy(mem_t.at[:, pl.ds(off, TCOL)],
                         blk_v.at[lax.rem(c, NBUF)], in_sem)

    def drain_in():
        pltpu.make_async_copy(mem_t.at[:, pl.ds(0, TCOL)], blk_v.at[0],
                              in_sem).wait()

    def drain_out():
        pltpu.make_async_copy(blk_v.at[0], out_t.at[:, pl.ds(0, TCOL)],
                              out_sem).wait()

    start_in(0)
    start_in(1)
    start_in(2)

    def col_body(c, st):
        p, cur = st
        drain_in()
        bsel = lax.rem(c, NBUF)
        p, cur = patch_winners(p, cur, (c + 1) * TCOL, bsel)
        pltpu.async_copy(blk_v.at[bsel],
                         out_t.at[:, pl.ds((basecol + c) * TCOL, TCOL)],
                         out_sem)

        @pl.when(c >= 2)
        def _():
            drain_out()

        @pl.when(c + 3 < ncols)
        def _():
            start_in(c + 3)
        return (p, cur)
    p, cur = lax.fori_loop(0, ncols, col_body, (0, cur0))
    drain_out()
    drain_out()


def _tc_body(sm_ref, dm_ref, se_ref, de_ref, ef_ref, ts_ref,
             twT_ref, tb_ref, w1_ref, b1_ref, w2_ref, b2_ref,
             wih_ref, whh_ref, bih_ref, bhh_ref, ow_ref, ob_ref,
             osrc_ref, odst_ref, vsrc_ref, vdst_ref):
    hi = lax.Precision.DEFAULT

    def dot_t(a, x):
        return lax.dot_general(a, x, (((0,), (0,)), ((), ())),
                               precision=hi,
                               preferred_element_type=jnp.float32)

    def dot_n(a, x):
        return jnp.dot(a, x, precision=hi,
                       preferred_element_type=jnp.float32)

    temb = jnp.cos(twT_ref[...] * ts_ref[...] + tb_ref[...])
    sm = sm_ref[...][:, :MEM].T
    dm = dm_ref[...][:, :MEM].T
    ef = ef_ref[...]
    xs = jnp.concatenate([sm, dm, ef, temb], axis=0)
    xd = jnp.concatenate([dm, sm, ef, temb], axis=0)
    w1 = w1_ref[...]
    w2 = w2_ref[...]
    b1 = b1_ref[...]
    b2 = b2_ref[...]
    s2d = dot_t(w2, jnp.maximum(dot_t(w1, xs) + b1, 0.0)) + b2
    d2s = dot_t(w2, jnp.maximum(dot_t(w1, xd) + b1, 0.0)) + b2

    wih = wih_ref[...]
    whh = whh_ref[...]
    bih = bih_ref[...]
    bhh = bhh_ref[...]

    def gru(x_t, h_t):
        gi = dot_n(wih, x_t) + bih
        gh = dot_n(whh, h_t) + bhh
        r = jax.nn.sigmoid(gi[0:MEM] + gh[0:MEM])
        z = jax.nn.sigmoid(gi[MEM:2 * MEM] + gh[MEM:2 * MEM])
        n = jnp.tanh(gi[2 * MEM:] + r * gh[2 * MEM:])
        return (1.0 - z) * n + z * h_t

    ns = gru(d2s, sm)
    nd = gru(s2d, dm)
    bk = ns.shape[1]
    zpad = jnp.zeros((bk, MEM), jnp.float32)
    vsrc_ref[...] = jnp.concatenate([ns.T, zpad], axis=1)
    vdst_ref[...] = jnp.concatenate([nd.T, zpad], axis=1)
    ow = ow_ref[...]
    ob = ob_ref[...]
    osrc_ref[...] = dot_t(ow, jnp.concatenate([ns, se_ref[...]], axis=0)) + ob
    odst_ref[...] = dot_t(ow, jnp.concatenate([nd, de_ref[...]], axis=0)) + ob


def kernel(src_node_embeddings, dst_node_embeddings, src_node_ids, dst_node_ids,
           edge_features, timestamps, memory, time_w, time_b,
           msg_W1, msg_b1, msg_W2, msg_b2,
           gru_w_ih, gru_w_hh, gru_b_ih, gru_b_hh, out_W, out_b):
    f32 = jnp.float32
    i32 = jnp.int32
    mesh = plsc.VectorSubcoreMesh(core_axis_name="c", subcore_axis_name="s")
    mem_t = memory.T

    def _fmt_body(mt_ref, o_ref):
        x = mt_ref[...]
        o_ref[...] = jnp.concatenate(
            [x.T, jnp.zeros((x.shape[1], MEM), jnp.float32)], axis=1)

    FBK = 8192
    mem_rows = pl.pallas_call(
        _fmt_body,
        grid=((N_NODES + FBK - 1) // FBK,),
        in_specs=[pl.BlockSpec((MEM, FBK), lambda i: (0, i))],
        out_specs=pl.BlockSpec((FBK, 2 * MEM), lambda i: (i, 0)),
        out_shape=jax.ShapeDtypeStruct((N_NODES, 2 * MEM), f32),
        compiler_params=pltpu.CompilerParams(
            dimension_semantics=("arbitrary",)),
    )(mem_t)

    gather = pl.kernel(
        _gather_body,
        out_type=(jax.ShapeDtypeStruct((B, 2 * MEM), f32),
                  jax.ShapeDtypeStruct((B, 2 * MEM), f32)),
        mesh=mesh,
        scratch_types=(pltpu.VMEM((GB,), i32),
                       pltpu.VMEM((GB, 2 * MEM), f32),
                       pltpu.SemaphoreType.DMA,
                       pltpu.SemaphoreType.DMA),
    )
    sm_n, dm_n = gather(mem_rows, src_node_ids, dst_node_ids)

    bk = 2048
    grid = B // bk
    col = lambda i: (0, i)
    row = lambda i: (i, 0)
    rep = lambda i: (0, 0)
    osrc, odst, vsrc, vdst = pl.pallas_call(
        _tc_body,
        grid=(grid,),
        in_specs=[
            pl.BlockSpec((bk, 2 * MEM), row),
            pl.BlockSpec((bk, 2 * MEM), row),
            pl.BlockSpec((MEM, bk), col),
            pl.BlockSpec((MEM, bk), col),
            pl.BlockSpec((EDGE, bk), col),
            pl.BlockSpec((1, bk), col),
            pl.BlockSpec((TIME, 1), rep),
            pl.BlockSpec((TIME, 1), rep),
            pl.BlockSpec((2 * MEM + EDGE + TIME, MSG), rep),
            pl.BlockSpec((MSG, 1), rep),
            pl.BlockSpec((MSG, MSG), rep),
            pl.BlockSpec((MSG, 1), rep),
            pl.BlockSpec((3 * MEM, MSG), rep),
            pl.BlockSpec((3 * MEM, MEM), rep),
            pl.BlockSpec((3 * MEM, 1), rep),
            pl.BlockSpec((3 * MEM, 1), rep),
            pl.BlockSpec((2 * MEM, MEM), rep),
            pl.BlockSpec((MEM, 1), rep),
        ],
        out_specs=[
            pl.BlockSpec((MEM, bk), col),
            pl.BlockSpec((MEM, bk), col),
            pl.BlockSpec((bk, 2 * MEM), row),
            pl.BlockSpec((bk, 2 * MEM), row),
        ],
        out_shape=[
            jax.ShapeDtypeStruct((MEM, B), f32),
            jax.ShapeDtypeStruct((MEM, B), f32),
            jax.ShapeDtypeStruct((B, 2 * MEM), f32),
            jax.ShapeDtypeStruct((B, 2 * MEM), f32),
        ],
        compiler_params=pltpu.CompilerParams(
            dimension_semantics=("arbitrary",)),
    )(sm_n, dm_n, src_node_embeddings.T, dst_node_embeddings.T,
      edge_features.T, timestamps.reshape(1, B),
      time_w.reshape(TIME, 1), time_b.reshape(TIME, 1),
      msg_W1, msg_b1.reshape(MSG, 1), msg_W2, msg_b2.reshape(MSG, 1),
      gru_w_ih, gru_w_hh, gru_b_ih.reshape(3 * MEM, 1),
      gru_b_hh.reshape(3 * MEM, 1), out_W, out_b.reshape(MEM, 1))

    vals_pad = jnp.concatenate([vsrc, vdst], axis=0)
    output = jnp.concatenate([osrc.T, odst.T], axis=0)

    scatter = pl.kernel(
        _scatter_body,
        out_type=jax.ShapeDtypeStruct((MEM, N_NODES), f32),
        mesh=mesh,
        compiler_params=pltpu.CompilerParams(needs_layout_passes=False),
        scratch_types=(pltpu.VMEM((RPAD,), i32),
                       pltpu.VMEM((RPAD,), i32),
                       pltpu.VMEM((IDC,), i32),
                       pltpu.VMEM((WCH,), i32),
                       pltpu.VMEM((WCH, 2 * MEM), f32),
                       pltpu.VMEM((NBUF, MEM, TCOL), f32),
                       pltpu.SemaphoreType.DMA,
                       pltpu.SemaphoreType.DMA,
                       pltpu.SemaphoreType.DMA,
                       pltpu.SemaphoreType.DMA),
    )
    out_t = scatter(mem_t, src_node_ids, dst_node_ids, vals_pad)

    ntail = N_NODES - NCOV
    tail_mem = lax.slice(memory, (NCOV, 0), (N_NODES, MEM))
    ids2 = jnp.concatenate([src_node_ids, dst_node_ids])
    eidx = jnp.arange(2 * B, dtype=i32)
    tl = ids2 - NCOV
    ttab = jnp.full((ntail,), -1, i32).at[tl].max(eidx, mode="drop")
    twin = (tl >= 0) & (ttab[jnp.clip(tl, 0, ntail - 1)] == eidx)
    safe = jnp.where(twin, tl, ntail)
    tvals = jnp.concatenate([vsrc, vdst], axis=0)[:, :MEM]
    tail_new = tail_mem.at[safe].set(tvals, mode="drop")

    def _tail_body(big_ref, tail_ref, out_ref):
        out_ref[...] = tail_ref[...]

    tail_pad = jnp.concatenate(
        [tail_new.T, jnp.zeros((MEM, TCOL - ntail), f32)], axis=1)
    out_full = pl.pallas_call(
        _tail_body,
        grid=(1,),
        in_specs=[pl.BlockSpec(memory_space=pl.ANY),
                  pl.BlockSpec((MEM, TCOL), lambda i: (0, 0))],
        out_specs=pl.BlockSpec((MEM, TCOL), lambda i: (0, NCOV // TCOL)),
        out_shape=jax.ShapeDtypeStruct((MEM, N_NODES), f32),
        input_output_aliases={0: 0},
    )(out_t, tail_pad)
    return output, out_full.T

# --- scband reference (transcript-rebuilt; emitter-appended) ---
"""Pipeline reference for scband-integrated-tgnlayer-70557722738859 (READ-ONLY COPY).

The authoritative reference and input builder live on the scoring server;
editing this copy changes nothing except your own understanding.
"""

import jax, jax.numpy as jnp
import numpy as np

N_NODES = 1000000
B = 16384
MEM = 64
EDGE = 16
TIME = 100
MSG = 100


def setup_inputs(seed: int = 0) -> dict:
    key = jax.random.key(seed)
    ks = jax.random.split(key, 16)
    inp = {}
    inp["src_node_embeddings"] = jax.random.normal(ks[0], (B, MEM), jnp.float32)
    inp["dst_node_embeddings"] = jax.random.normal(ks[1], (B, MEM), jnp.float32)
    inp["src_node_ids"] = jax.random.randint(ks[2], (B,), 0, N_NODES, jnp.int32)
    inp["dst_node_ids"] = jax.random.randint(ks[3], (B,), 0, N_NODES, jnp.int32)
    inp["edge_features"] = jax.random.normal(ks[4], (B, EDGE), jnp.float32)
    inp["timestamps"] = jax.random.uniform(ks[5], (B,), jnp.float32) * 1000.0
    inp["memory"] = jax.random.normal(ks[6], (N_NODES, MEM), jnp.float32) * 0.02
    inp["time_w"] = jax.random.normal(ks[7], (1, TIME), jnp.float32)
    inp["time_b"] = jax.random.normal(ks[8], (TIME,), jnp.float32)
    inp["msg_W1"] = jax.random.normal(ks[9], (2 * MEM + EDGE + TIME, MSG), jnp.float32) * 0.05
    inp["msg_b1"] = jnp.zeros((MSG,), jnp.float32)
    inp["msg_W2"] = jax.random.normal(ks[10], (MSG, MSG), jnp.float32) * 0.05
    inp["msg_b2"] = jnp.zeros((MSG,), jnp.float32)
    inp["gru_w_ih"] = jax.random.normal(ks[11], (3 * MEM, MSG), jnp.float32) * 0.05
    inp["gru_w_hh"] = jax.random.normal(ks[12], (3 * MEM, MEM), jnp.float32) * 0.05
    inp["gru_b_ih"] = jnp.zeros((3 * MEM,), jnp.float32)
    inp["gru_b_hh"] = jnp.zeros((3 * MEM,), jnp.float32)
    inp["out_W"] = jax.random.normal(ks[13], (2 * MEM, MEM), jnp.float32) * 0.05
    inp["out_b"] = jnp.zeros((MEM,), jnp.float32)
    return inp


def _gru_cell(x, h, w_ih, w_hh, b_ih, b_hh):
    # PyTorch GRUCell semantics
    gi = x @ w_ih.T + b_ih
    gh = h @ w_hh.T + b_hh
    i_r, i_z, i_n = jnp.split(gi, 3, axis=1)
    h_r, h_z, h_n = jnp.split(gh, 3, axis=1)
    r = jax.nn.sigmoid(i_r + h_r)
    z = jax.nn.sigmoid(i_z + h_z)
    n = jnp.tanh(i_n + r * h_n)
    return (1.0 - z) * n + z * h


def reference(src_node_embeddings, dst_node_embeddings, src_node_ids, dst_node_ids,
              edge_features, timestamps, memory, time_w, time_b,
              msg_W1, msg_b1, msg_W2, msg_b2,
              gru_w_ih, gru_w_hh, gru_b_ih, gru_b_hh, out_W, out_b):
    # memory_bank.get_memory -> row gather
    src_mem = jnp.take(memory, src_node_ids, axis=0)
    dst_mem = jnp.take(memory, dst_node_ids, axis=0)
    # TimeEncoder: cos(Linear(t))
    time_emb = jnp.cos(timestamps[:, None] @ time_w + time_b)
    # message function (Linear -> ReLU -> (dropout=identity in eval) -> Linear)
    s2d_in = jnp.concatenate([src_mem, dst_mem, edge_features, time_emb], axis=1)
    s2d = jax.nn.relu(s2d_in @ msg_W1 + msg_b1) @ msg_W2 + msg_b2
    d2s_in = jnp.concatenate([dst_mem, src_mem, edge_features, time_emb], axis=1)
    d2s = jax.nn.relu(d2s_in @ msg_W1 + msg_b1) @ msg_W2 + msg_b2
    # GRU memory updater
    new_src = _gru_cell(d2s, src_mem, gru_w_ih, gru_w_hh, gru_b_ih, gru_b_hh)
    new_dst = _gru_cell(s2d, dst_mem, gru_w_ih, gru_w_hh, gru_b_ih, gru_b_hh)
    # memory_bank.update_memory -> scatter-overwrite (dst writes after src, matching call order)
    new_memory = memory.at[src_node_ids].set(new_src)
    new_memory = new_memory.at[dst_node_ids].set(new_dst)
    # output projection (embeddings already have memory_dim, so enhanced_feat_proj path is skipped)
    src_out = jnp.concatenate([new_src, src_node_embeddings], axis=1) @ out_W + out_b
    dst_out = jnp.concatenate([new_dst, dst_node_embeddings], axis=1) @ out_W + out_b
    output = jnp.concatenate([src_out, dst_out], axis=0)
    # dropout_layer is identity at inference
    return output, new_memory

if __name__ == "__main__":
    import jax
    _d = setup_inputs()
    print(jax.jit(kernel)(*tuple(_d.values())))

</pallas_src>

<mosaic_0001>
#map = affine_map<(d0, d1) -> (0, 0)>
#map1 = affine_map<(d0, d1) -> (0)>
module attributes {stable_mosaic.version = 14 : i64} {
  func.func @_scatter_body(%arg0: i32, %arg1: i32, %arg2: memref<64x1000000xf32, #tpu.memory_space<hbm>>, %arg3: memref<16384xi32, #tpu.memory_space<hbm>>, %arg4: memref<16384xi32, #tpu.memory_space<hbm>>, %arg5: memref<32768x128xf32, #tpu.memory_space<hbm>>, %arg6: memref<64x1000000xf32, #tpu.memory_space<hbm>>, %arg7: memref<31744xi32, #tpu.memory_space<vmem>>, %arg8: memref<31744xi32, #tpu.memory_space<vmem>>, %arg9: memref<4096xi32, #tpu.memory_space<vmem>>, %arg10: memref<128xi32, #tpu.memory_space<vmem>>, %arg11: memref<128x128xf32, #tpu.memory_space<vmem>>, %arg12: memref<5x64x128xf32, #tpu.memory_space<vmem>>, %arg13: memref<!tpu.dma_semaphore, #tpu.memory_space<semaphore_mem>>, %arg14: memref<!tpu.dma_semaphore, #tpu.memory_space<semaphore_mem>>, %arg15: memref<!tpu.dma_semaphore, #tpu.memory_space<semaphore_mem>>, %arg16: memref<!tpu.dma_semaphore, #tpu.memory_space<semaphore_mem>>) attributes {dimension_semantics = [#tpu.dimension_semantics<core_parallel>, #tpu.dimension_semantics<subcore_parallel>], iteration_bounds = array<i64: 2, 16>, scalar_prefetch = 0 : i64, scratch_operands = 10 : i64, tpu.core_type = #tpu.core_type<sc_vector_subcore>, window_params = [{transform_indices = #map}, {transform_indices = #map1}, {transform_indices = #map1}, {transform_indices = #map}, {transform_indices = #map}]} {
    %mul3A = arith.constant 2 : i32
    %mul3A_0 = arith.muli %arg1, %mul3A : i32
    %add3A = arith.addi %mul3A_0, %arg0 : i32
    %mul3A_1 = arith.constant 31232 : i32
    %mul3A_2 = arith.muli %add3A, %mul3A_1 : i32
    %eq3A = arith.constant 31 : i32
    %eq3A_3 = arith.cmpi eq, %add3A, %eq3A : i32
    %jit3A = arith.constant 31744 : i32
    %jit3A_4 = arith.constant 31232 : i32
    %select_n3A = arith.select %eq3A_3, %jit3A, %jit3A_4 : i32
    %iota3A = tpu.iota {dimensions = array<i32: 0>} : vector<16xi32>
    %scan3A = arith.constant 0 : i32
    %scan3A_5 = arith.constant 0 : i32
    %scan3A_6 = arith.constant 1984 : i32
    %scan3A_7 = arith.addi %scan3A_5, %scan3A_6 : i32
    %scan3A_8 = arith.constant 1 : i32
    %scan3A_9 = scf.for %scan3A_406 = %scan3A_5 to %scan3A_7 step %scan3A_8 iter_args(%scan3A_407 = %scan3A) -> (i32)  : i32 {
      %broadcast_in_dim3A_408 = arith.constant -1 : i32
      %broadcast_in_dim3A_409 = vector.broadcast %broadcast_in_dim3A_408 : i32 to vector<16xi32>
      %mul3A_410 = arith.constant 16 : i32
      %mul3A_411 = arith.muli %scan3A_406, %mul3A_410 : i32
      %swap3A_412 = arith.index_cast %mul3A_411 : i32 to index
      %swap3A_413 = tpu.vector_load %arg7[%swap3A_412] {strides = array<i32>} : memref<31744xi32, #tpu.memory_space<vmem>>, vector<16xi32>,
      tpu.vector_store %arg7[%swap3A_412], %broadcast_in_dim3A_409 {strides = array<i32>} : memref<31744xi32, #tpu.memory_space<vmem>>, vector<16xi32>,
      %scan3A_414 = arith.constant 0 : i32
      scf.yield %scan3A_414 : i32
    }
    %scan3A_10 = arith.constant 1984 : i32
    %dma_start3A = arith.constant 0 : i32
    %dma_start3A_11 = tpu.memref_slice %arg3[%dma_start3A] : memref<16384xi32, #tpu.memory_space<hbm>> -> memref<4096xi32, #tpu.memory_space<hbm>>
    %dma_start3A_12 = arith.constant 0 : i32
    %dma_start3A_13 = tpu.memref_slice %arg3[%dma_start3A_12] : memref<16384xi32, #tpu.memory_space<hbm>> -> memref<4096xi32, #tpu.memory_space<hbm>>
    tpu.enqueue_dma source(%dma_start3A_13 : memref<4096xi32, #tpu.memory_space<hbm>>) target(%arg9 : memref<4096xi32, #tpu.memory_space<vmem>>) target_semaphore(%arg13 : memref<!tpu.dma_semaphore, #tpu.memory_space<semaphore_mem>>)
    %dma_wait3A = arith.constant 0 : i32
    %dma_wait3A_14 = tpu.memref_slice %arg3[%dma_wait3A] : memref<16384xi32, #tpu.memory_space<hbm>> -> memref<4096xi32, #tpu.memory_space<hbm>>
    %dma_wait3A_15 = arith.constant 0 : i32
    %dma_wait3A_16 = tpu.memref_slice %arg3[%dma_wait3A_15] : memref<16384xi32, #tpu.memory_space<hbm>> -> memref<4096xi32, #tpu.memory_space<hbm>>
    tpu.wait_dma2 semaphore(%arg13 : memref<!tpu.dma_semaphore, #tpu.memory_space<semaphore_mem>>) src(%dma_wait3A_16 : memref<4096xi32, #tpu.memory_space<hbm>>) dst(%arg9 : memref<4096xi32, #tpu.memory_space<vmem>>)
    %scan3A_17 = arith.constant 0 : i32
    %scan3A_18 = arith.constant 0 : i32
    %scan3A_19 = arith.constant 256 : i32
    %scan3A_20 = arith.addi %scan3A_18, %scan3A_19 : i32
    %scan3A_21 = arith.constant 1 : i32
    %scan3A_22 = scf.for %scan3A_406 = %scan3A_18 to %scan3A_20 step %scan3A_21 iter_args(%scan3A_407 = %scan3A_17) -> (i32)  : i32 {
      %mul3A_408 = arith.constant 16 : i32
      %mul3A_409 = arith.muli %scan3A_406, %mul3A_408 : i32
      %get3A_410 = arith.index_cast %mul3A_409 : i32 to index
      %get3A_411 = tpu.vector_load %arg9[%get3A_410] {strides = array<i32>} : memref<4096xi32, #tpu.memory_space<vmem>>, vector<16xi32>,
      %sub3A_412 = vector.broadcast %mul3A_2 : i32 to vector<16xi32>
      %sub3A_413 = arith.subi %get3A_411, %sub3A_412 : vector<16xi32>
      %ge3A = arith.constant 0 : i32
      %ge3A_414 = vector.broadcast %ge3A : i32 to vector<16xi32>
      %ge3A_415 = arith.cmpi sge, %sub3A_413, %ge3A_414 : vector<16xi32>
      %lt3A = vector.broadcast %select_n3A : i32 to vector<16xi32>
      %lt3A_416 = arith.cmpi slt, %sub3A_413, %lt3A : vector<16xi32>
      %and3A = arith.andi %ge3A_415, %lt3A_416 : vector<16xi1>
      %mul3A_417 = arith.constant 16 : i32
      %mul3A_418 = arith.muli %scan3A_406, %mul3A_417 : i32
      %add3A_419 = arith.constant 0 : i32
      %add3A_420 = arith.addi %add3A_419, %mul3A_418 : i32
      %add3A_421 = vector.broadcast %add3A_420 : i32 to vector<16xi32>
      %add3A_422 = arith.addi %add3A_421, %iota3A : vector<16xi32>
      %mul3A_423 = arith.constant 32768 : i32
      %mul3A_424 = vector.broadcast %mul3A_423 : i32 to vector<16xi32>
      %mul3A_425 = arith.muli %sub3A_413, %mul3A_424 : vector<16xi32>
      %add3A_426 = arith.addi %mul3A_425, %add3A_422 : vector<16xi32>
      %jit3A_427 = arith.constant -1 : i32
      %broadcast_in_dim3A_428 = vector.broadcast %jit3A_427 : i32 to vector<16xi32>
      %select_n3A_429 = arith.select %and3A, %add3A_426, %broadcast_in_dim3A_428 : vector<16xi1>, vector<16xi32>
      %masked_sort3A = arith.constant dense<true> : vector<16xi1>
      %masked_sort3A_430 = arith.constant -2147483648 : i32
      %masked_sort3A_431 = vector.broadcast %masked_sort3A_430 : i32 to vector<16xi32>
      %masked_sort3A_432 = arith.xori %select_n3A_429, %masked_sort3A_431 : vector<16xi32>
      %masked_sort3A_433, %masked_sort3A_434, %masked_sort3A_435 = tpu.sort %masked_sort3A_432, %select_n3A_429 masked %masked_sort3A {descending = true} : (vector<16xi32>, vector<16xi32>, vector<16xi1>) -> (vector<16xi1>, vector<16xi32>, vector<16xi32>)
      %masked_sort3A_436 = arith.xori %masked_sort3A_434, %masked_sort3A_431 : vector<16xi32>
      %shift_right_arithmetic3A = arith.constant 15 : i32
      %shift_right_arithmetic3A_437 = vector.broadcast %shift_right_arithmetic3A : i32 to vector<16xi32>
      %shift_right_arithmetic3A_438 = arith.shrsi %masked_sort3A_436, %shift_right_arithmetic3A_437 : vector<16xi32>
      %and3A_439 = arith.constant 32767 : i32
      %and3A_440 = vector.broadcast %and3A_439 : i32 to vector<16xi32>
      %and3A_441 = arith.andi %masked_sort3A_436, %and3A_440 : vector<16xi32>
      %sub3A_442 = arith.constant 1 : i32
      %sub3A_443 = vector.broadcast %sub3A_442 : i32 to vector<16xi32>
      %sub3A_444 = arith.subi %iota3A, %sub3A_443 : vector<16xi32>
      %max3A_445 = arith.constant 0 : i32
      %max3A_446 = vector.broadcast %max3A_445 : i32 to vector<16xi32>
      %max3A_447 = arith.maxsi %sub3A_444, %max3A_446 : vector<16xi32>
      %broadcast_in_dim3A_448 = vector.shape_cast %max3A_447 : vector<16xi32> to vector<16x1xi32>
      %gather3A_449 = vector.shape_cast %broadcast_in_dim3A_448 : vector<16x1xi32> to vector<16xi32>
      %gather3A_450 = tpu.dynamic_gather %shift_right_arithmetic3A_438[%gather3A_449] in [0] : vector<16xi32>, vector<16xi32> -> vector<16xi32>
      %ge3A_451 = arith.constant 0 : i32
      %ge3A_452 = vector.broadcast %ge3A_451 : i32 to vector<16xi32>
      %ge3A_453 = arith.cmpi sge, %masked_sort3A_436, %ge3A_452 : vector<16xi32>
      %eq3A_454 = arith.constant 0 : i32
      %eq3A_455 = vector.broadcast %eq3A_454 : i32 to vector<16xi32>
      %eq3A_456 = arith.cmpi eq, %iota3A, %eq3A_455 : vector<16xi32>
      %ne3A = arith.cmpi ne, %shift_right_arithmetic3A_438, %gather3A_450 : vector<16xi32>
      %or3A = arith.ori %eq3A_456, %ne3A : vector<16xi1>
      %and3A_457 = arith.andi %ge3A_453, %or3A : vector<16xi1>
      tpu.vector_store_idx %arg7[%shift_right_arithmetic3A_438], %and3A_441 masked %and3A_457 : memref<31744xi32, #tpu.memory_space<vmem>>[vector<16xi32>], vector<16xi32>, vector<16xi1>
      %scan3A_458 = arith.constant 0 : i32
      scf.yield %scan3A_458 : i32
    }
    %scan3A_23 = arith.constant 256 : i32
    %dma_start3A_24 = arith.constant 4096 : i32
    %dma_start3A_25 = tpu.memref_slice %arg3[%dma_start3A_24] : memref<16384xi32, #tpu.memory_space<hbm>> -> memref<4096xi32, #tpu.memory_space<hbm>>
    %dma_start3A_26 = arith.constant 4096 : i32
    %dma_start3A_27 = tpu.memref_slice %arg3[%dma_start3A_26] : memref<16384xi32, #tpu.memory_space<hbm>> -> memref<4096xi32, #tpu.memory_space<hbm>>
    tpu.enqueue_dma source(%dma_start3A_27 : memref<4096xi32, #tpu.memory_space<hbm>>) target(%arg9 : memref<4096xi32, #tpu.memory_space<vmem>>) target_semaphore(%arg13 : memref<!tpu.dma_semaphore, #tpu.memory_space<semaphore_mem>>)
    %dma_wait3A_28 = arith.constant 4096 : i32
    %dma_wait3A_29 = tpu.memref_slice %arg3[%dma_wait3A_28] : memref<16384xi32, #tpu.memory_space<hbm>> -> memref<4096xi32, #tpu.memory_space<hbm>>
    %dma_wait3A_30 = arith.constant 4096 : i32
    %dma_wait3A_31 = tpu.memref_slice %arg3[%dma_wait3A_30] : memref<16384xi32, #tpu.memory_space<hbm>> -> memref<4096xi32, #tpu.memory_space<hbm>>
    tpu.wait_dma2 semaphore(%arg13 : memref<!tpu.dma_semaphore, #tpu.memory_space<semaphore_mem>>) src(%dma_wait3A_31 : memref<4096xi32, #tpu.memory_space<hbm>>) dst(%arg9 : memref<4096xi32, #tpu.memory_space<vmem>>)
    %scan3A_32 = arith.constant 0 : i32
    %scan3A_33 = arith.constant 0 : i32
    %scan3A_34 = arith.constant 256 : i32
    %scan3A_35 = arith.addi %scan3A_33, %scan3A_34 : i32
    %scan3A_36 = arith.constant 1 : i32
    %scan3A_37 = scf.for %scan3A_406 = %scan3A_33 to %scan3A_35 step %scan3A_36 iter_args(%scan3A_407 = %scan3A_32) -> (i32)  : i32 {
      %mul3A_408 = arith.constant 16 : i32
      %mul3A_409 = arith.muli %scan3A_406, %mul3A_408 : i32
      %get3A_410 = arith.index_cast %mul3A_409 : i32 to index
      %get3A_411 = tpu.vector_load %arg9[%get3A_410] {strides = array<i32>} : memref<4096xi32, #tpu.memory_space<vmem>>, vector<16xi32>,
      %sub3A_412 = vector.broadcast %mul3A_2 : i32 to vector<16xi32>
      %sub3A_413 = arith.subi %get3A_411, %sub3A_412 : vector<16xi32>
      %ge3A = arith.constant 0 : i32
      %ge3A_414 = vector.broadcast %ge3A : i32 to vector<16xi32>
      %ge3A_415 = arith.cmpi sge, %sub3A_413, %ge3A_414 : vector<16xi32>
      %lt3A = vector.broadcast %select_n3A : i32 to vector<16xi32>
      %lt3A_416 = arith.cmpi slt, %sub3A_413, %lt3A : vector<16xi32>
      %and3A = arith.andi %ge3A_415, %lt3A_416 : vector<16xi1>
      %mul3A_417 = arith.constant 16 : i32
      %mul3A_418 = arith.muli %scan3A_406, %mul3A_417 : i32
      %add3A_419 = arith.constant 4096 : i32
      %add3A_420 = arith.addi %add3A_419, %mul3A_418 : i32
      %add3A_421 = vector.broadcast %add3A_420 : i32 to vector<16xi32>
      %add3A_422 = arith.addi %add3A_421, %iota3A : vector<16xi32>
      %mul3A_423 = arith.constant 32768 : i32
      %mul3A_424 = vector.broadcast %mul3A_423 : i32 to vector<16xi32>
      %mul3A_425 = arith.muli %sub3A_413, %mul3A_424 : vector<16xi32>
      %add3A_426 = arith.addi %mul3A_425, %add3A_422 : vector<16xi32>
      %jit3A_427 = arith.constant -1 : i32
      %broadcast_in_dim3A_428 = vector.broadcast %jit3A_427 : i32 to vector<16xi32>
      %select_n3A_429 = arith.select %and3A, %add3A_426, %broadcast_in_dim3A_428 : vector<16xi1>, vector<16xi32>
      %masked_sort3A = arith.constant dense<true> : vector<16xi1>
      %masked_sort3A_430 = arith.constant -2147483648 : i32
      %masked_sort3A_431 = vector.broadcast %masked_sort3A_430 : i32 to vector<16xi32>
      %masked_sort3A_432 = arith.xori %select_n3A_429, %masked_sort3A_431 : vector<16xi32>
      %masked_sort3A_433, %masked_sort3A_434, %masked_sort3A_435 = tpu.sort %masked_sort3A_432, %select_n3A_429 masked %masked_sort3A {descending = true} : (vector<16xi32>, vector<16xi32>, vector<16xi1>) -> (vector<16xi1>, vector<16xi32>, vector<16xi32>)
      %masked_sort3A_436 = arith.xori %masked_sort3A_434, %masked_sort3A_431 : vector<16xi32>
      %shift_right_arithmetic3A = arith.constant 15 : i32
      %shift_right_arithmetic3A_437 = vector.broadcast %shift_right_arithmetic3A : i32 to vector<16xi32>
      %shift_right_arithmetic3A_438 = arith.shrsi %masked_sort3A_436, %shift_right_arithmetic3A_437 : vector<16xi32>
      %and3A_439 = arith.constant 32767 : i32
      %and3A_440 = vector.broadcast %and3A_439 : i32 to vector<16xi32>
      %and3A_441 = arith.andi %masked_sort3A_436, %and3A_440 : vector<16xi32>
      %sub3A_442 = arith.constant 1 : i32
      %sub3A_443 = vector.broadcast %sub3A_442 : i32 to vector<16xi32>
      %sub3A_444 = arith.subi %iota3A, %sub3A_443 : vector<16xi32>
      %max3A_445 = arith.constant 0 : i32
      %max3A_446 = vector.broadcast %max3A_445 : i32 to vector<16xi32>
      %max3A_447 = arith.maxsi %sub3A_444, %max3A_446 : vector<16xi32>
      %broadcast_in_dim3A_448 = vector.shape_cast %max3A_447 : vector<16xi32> to vector<16x1xi32>
      %gather3A_449 = vector.shape_cast %broadcast_in_dim3A_448 : vector<16x1xi32> to vector<16xi32>
      %gather3A_450 = tpu.dynamic_gather %shift_right_arithmetic3A_438[%gather3A_449] in [0] : vector<16xi32>, vector<16xi32> -> vector<16xi32>
      %ge3A_451 = arith.constant 0 : i32
      %ge3A_452 = vector.broadcast %ge3A_451 : i32 to vector<16xi32>
      %ge3A_453 = arith.cmpi sge, %masked_sort3A_436, %ge3A_452 : vector<16xi32>
      %eq3A_454 = arith.constant 0 : i32
      %eq3A_455 = vector.broadcast %eq3A_454 : i32 to vector<16xi32>
      %eq3A_456 = arith.cmpi eq, %iota3A, %eq3A_455 : vector<16xi32>
      %ne3A = arith.cmpi ne, %shift_right_arithmetic3A_438, %gather3A_450 : vector<16xi32>
      %or3A = arith.ori %eq3A_456, %ne3A : vector<16xi1>
      %and3A_457 = arith.andi %ge3A_453, %or3A : vector<16xi1>
      tpu.vector_store_idx %arg7[%shift_right_arithmetic3A_438], %and3A_441 masked %and3A_457 : memref<31744xi32, #tpu.memory_space<vmem>>[vector<16xi32>], vector<16xi32>, vector<16xi1>
      %scan3A_458 = arith.constant 0 : i32
      scf.yield %scan3A_458 : i32
    }
    %scan3A_38 = arith.constant 256 : i32
    %dma_start3A_39 = arith.constant 8192 : i32
    %dma_start3A_40 = tpu.memref_slice %arg3[%dma_start3A_39] : memref<16384xi32, #tpu.memory_space<hbm>> -> memref<4096xi32, #tpu.memory_space<hbm>>
    %dma_start3A_41 = arith.constant 8192 : i32
    %dma_start3A_42 = tpu.memref_slice %arg3[%dma_start3A_41] : memref<16384xi32, #tpu.memory_space<hbm>> -> memref<4096xi32, #tpu.memory_space<hbm>>
    tpu.enqueue_dma source(%dma_start3A_42 : memref<4096xi32, #tpu.memory_space<hbm>>) target(%arg9 : memref<4096xi32, #tpu.memory_space<vmem>>) target_semaphore(%arg13 : memref<!tpu.dma_semaphore, #tpu.memory_space<semaphore_mem>>)
    %dma_wait3A_43 = arith.constant 8192 : i32
    %dma_wait3A_44 = tpu.memref_slice %arg3[%dma_wait3A_43] : memref<16384xi32, #tpu.memory_space<hbm>> -> memref<4096xi32, #tpu.memory_space<hbm>>
    %dma_wait3A_45 = arith.constant 8192 : i32
    %dma_wait3A_46 = tpu.memref_slice %arg3[%dma_wait3A_45] : memref<16384xi32, #tpu.memory_space<hbm>> -> memref<4096xi32, #tpu.memory_space<hbm>>
    tpu.wait_dma2 semaphore(%arg13 : memref<!tpu.dma_semaphore, #tpu.memory_space<semaphore_mem>>) src(%dma_wait3A_46 : memref<4096xi32, #tpu.memory_space<hbm>>) dst(%arg9 : memref<4096xi32, #tpu.memory_space<vmem>>)
    %scan3A_47 = arith.constant 0 : i32
    %scan3A_48 = arith.constant 0 : i32
    %scan3A_49 = arith.constant 256 : i32
    %scan3A_50 = arith.addi %scan3A_48, %scan3A_49 : i32
    %scan3A_51 = arith.constant 1 : i32
    %scan3A_52 = scf.for %scan3A_406 = %scan3A_48 to %scan3A_50 step %scan3A_51 iter_args(%scan3A_407 = %scan3A_47) -> (i32)  : i32 {
      %mul3A_408 = arith.constant 16 : i32
      %mul3A_409 = arith.muli %scan3A_406, %mul3A_408 : i32
      %get3A_410 = arith.index_cast %mul3A_409 : i32 to index
      %get3A_411 = tpu.vector_load %arg9[%get3A_410] {strides = array<i32>} : memref<4096xi32, #tpu.memory_space<vmem>>, vector<16xi32>,
      %sub3A_412 = vector.broadcast %mul3A_2 : i32 to vector<16xi32>
      %sub3A_413 = arith.subi %get3A_411, %sub3A_412 : vector<16xi32>
      %ge3A = arith.constant 0 : i32
      %ge3A_414 = vector.broadcast %ge3A : i32 to vector<16xi32>
      %ge3A_415 = arith.cmpi sge, %sub3A_413, %ge3A_414 : vector<16xi32>
      %lt3A = vector.broadcast %select_n3A : i32 to vector<16xi32>
      %lt3A_416 = arith.cmpi slt, %sub3A_413, %lt3A : vector<16xi32>
      %and3A = arith.andi %ge3A_415, %lt3A_416 : vector<16xi1>
      %mul3A_417 = arith.constant 16 : i32
      %mul3A_418 = arith.muli %scan3A_406, %mul3A_417 : i32
      %add3A_419 = arith.constant 8192 : i32
      %add3A_420 = arith.addi %add3A_419, %mul3A_418 : i32
      %add3A_421 = vector.broadcast %add3A_420 : i32 to vector<16xi32>
      %add3A_422 = arith.addi %add3A_421, %iota3A : vector<16xi32>
      %mul3A_423 = arith.constant 32768 : i32
      %mul3A_424 = vector.broadcast %mul3A_423 : i32 to vector<16xi32>
      %mul3A_425 = arith.muli %sub3A_413, %mul3A_424 : vector<16xi32>
      %add3A_426 = arith.addi %mul3A_425, %add3A_422 : vector<16xi32>
      %jit3A_427 = arith.constant -1 : i32
      %broadcast_in_dim3A_428 = vector.broadcast %jit3A_427 : i32 to vector<16xi32>
      %select_n3A_429 = arith.select %and3A, %add3A_426, %broadcast_in_dim3A_428 : vector<16xi1>, vector<16xi32>
      %masked_sort3A = arith.constant dense<true> : vector<16xi1>
      %masked_sort3A_430 = arith.constant -2147483648 : i32
      %masked_sort3A_431 = vector.broadcast %masked_sort3A_430 : i32 to vector<16xi32>
      %masked_sort3A_432 = arith.xori %select_n3A_429, %masked_sort3A_431 : vector<16xi32>
      %masked_sort3A_433, %masked_sort3A_434, %masked_sort3A_435 = tpu.sort %masked_sort3A_432, %select_n3A_429 masked %masked_sort3A {descending = true} : (vector<16xi32>, vector<16xi32>, vector<16xi1>) -> (vector<16xi1>, vector<16xi32>, vector<16xi32>)
      %masked_sort3A_436 = arith.xori %masked_sort3A_434, %masked_sort3A_431 : vector<16xi32>
      %shift_right_arithmetic3A = arith.constant 15 : i32
      %shift_right_arithmetic3A_437 = vector.broadcast %shift_right_arithmetic3A : i32 to vector<16xi32>
      %shift_right_arithmetic3A_438 = arith.shrsi %masked_sort3A_436, %shift_right_arithmetic3A_437 : vector<16xi32>
      %and3A_439 = arith.constant 32767 : i32
      %and3A_440 = vector.broadcast %and3A_439 : i32 to vector<16xi32>
      %and3A_441 = arith.andi %masked_sort3A_436, %and3A_440 : vector<16xi32>
      %sub3A_442 = arith.constant 1 : i32
      %sub3A_443 = vector.broadcast %sub3A_442 : i32 to vector<16xi32>
      %sub3A_444 = arith.subi %iota3A, %sub3A_443 : vector<16xi32>
      %max3A_445 = arith.constant 0 : i32
      %max3A_446 = vector.broadcast %max3A_445 : i32 to vector<16xi32>
      %max3A_447 = arith.maxsi %sub3A_444, %max3A_446 : vector<16xi32>
      %broadcast_in_dim3A_448 = vector.shape_cast %max3A_447 : vector<16xi32> to vector<16x1xi32>
      %gather3A_449 = vector.shape_cast %broadcast_in_dim3A_448 : vector<16x1xi32> to vector<16xi32>
      %gather3A_450 = tpu.dynamic_gather %shift_right_arithmetic3A_438[%gather3A_449] in [0] : vector<16xi32>, vector<16xi32> -> vector<16xi32>
      %ge3A_451 = arith.constant 0 : i32
      %ge3A_452 = vector.broadcast %ge3A_451 : i32 to vector<16xi32>
      %ge3A_453 = arith.cmpi sge, %masked_sort3A_436, %ge3A_452 : vector<16xi32>
      %eq3A_454 = arith.constant 0 : i32
      %eq3A_455 = vector.broadcast %eq3A_454 : i32 to vector<16xi32>
      %eq3A_456 = arith.cmpi eq, %iota3A, %eq3A_455 : vector<16xi32>
      %ne3A = arith.cmpi ne, %shift_right_arithmetic3A_438, %gather3A_450 : vector<16xi32>
      %or3A = arith.ori %eq3A_456, %ne3A : vector<16xi1>
      %and3A_457 = arith.andi %ge3A_453, %or3A : vector<16xi1>
      tpu.vector_store_idx %arg7[%shift_right_arithmetic3A_438], %and3A_441 masked %and3A_457 : memref<31744xi32, #tpu.memory_space<vmem>>[vector<16xi32>], vector<16xi32>, vector<16xi1>
      %scan3A_458 = arith.constant 0 : i32
      scf.yield %scan3A_458 : i32
    }
    %scan3A_53 = arith.constant 256 : i32
    %dma_start3A_54 = arith.constant 12288 : i32
    %dma_start3A_55 = tpu.memref_slice %arg3[%dma_start3A_54] : memref<16384xi32, #tpu.memory_space<hbm>> -> memref<4096xi32, #tpu.memory_space<hbm>>
    %dma_start3A_56 = arith.constant 12288 : i32
    %dma_start3A_57 = tpu.memref_slice %arg3[%dma_start3A_56] : memref<16384xi32, #tpu.memory_space<hbm>> -> memref<4096xi32, #tpu.memory_space<hbm>>
    tpu.enqueue_dma source(%dma_start3A_57 : memref<4096xi32, #tpu.memory_space<hbm>>) target(%arg9 : memref<4096xi32, #tpu.memory_space<vmem>>) target_semaphore(%arg13 : memref<!tpu.dma_semaphore, #tpu.memory_space<semaphore_mem>>)
    %dma_wait3A_58 = arith.constant 12288 : i32
    %dma_wait3A_59 = tpu.memref_slice %arg3[%dma_wait3A_58] : memref<16384xi32, #tpu.memory_space<hbm>> -> memref<4096xi32, #tpu.memory_space<hbm>>
    %dma_wait3A_60 = arith.constant 12288 : i32
    %dma_wait3A_61 = tpu.memref_slice %arg3[%dma_wait3A_60] : memref<16384xi32, #tpu.memory_space<hbm>> -> memref<4096xi32, #tpu.memory_space<hbm>>
    tpu.wait_dma2 semaphore(%arg13 : memref<!tpu.dma_semaphore, #tpu.memory_space<semaphore_mem>>) src(%dma_wait3A_61 : memref<4096xi32, #tpu.memory_space<hbm>>) dst(%arg9 : memref<4096xi32, #tpu.memory_space<vmem>>)
    %scan3A_62 = arith.constant 0 : i32
    %scan3A_63 = arith.constant 0 : i32
    %scan3A_64 = arith.constant 256 : i32
    %scan3A_65 = arith.addi %scan3A_63, %scan3A_64 : i32
    %scan3A_66 = arith.constant 1 : i32
    %scan3A_67 = scf.for %scan3A_406 = %scan3A_63 to %scan3A_65 step %scan3A_66 iter_args(%scan3A_407 = %scan3A_62) -> (i32)  : i32 {
      %mul3A_408 = arith.constant 16 : i32
      %mul3A_409 = arith.muli %scan3A_406, %mul3A_408 : i32
      %get3A_410 = arith.index_cast %mul3A_409 : i32 to index
      %get3A_411 = tpu.vector_load %arg9[%get3A_410] {strides = array<i32>} : memref<4096xi32, #tpu.memory_space<vmem>>, vector<16xi32>,
      %sub3A_412 = vector.broadcast %mul3A_2 : i32 to vector<16xi32>
      %sub3A_413 = arith.subi %get3A_411, %sub3A_412 : vector<16xi32>
      %ge3A = arith.constant 0 : i32
      %ge3A_414 = vector.broadcast %ge3A : i32 to vector<16xi32>
      %ge3A_415 = arith.cmpi sge, %sub3A_413, %ge3A_414 : vector<16xi32>
      %lt3A = vector.broadcast %select_n3A : i32 to vector<16xi32>
      %lt3A_416 = arith.cmpi slt, %sub3A_413, %lt3A : vector<16xi32>
      %and3A = arith.andi %ge3A_415, %lt3A_416 : vector<16xi1>
      %mul3A_417 = arith.constant 16 : i32
      %mul3A_418 = arith.muli %scan3A_406, %mul3A_417 : i32
      %add3A_419 = arith.constant 12288 : i32
      %add3A_420 = arith.addi %add3A_419, %mul3A_418 : i32
      %add3A_421 = vector.broadcast %add3A_420 : i32 to vector<16xi32>
      %add3A_422 = arith.addi %add3A_421, %iota3A : vector<16xi32>
      %mul3A_423 = arith.constant 32768 : i32
      %mul3A_424 = vector.broadcast %mul3A_423 : i32 to vector<16xi32>
      %mul3A_425 = arith.muli %sub3A_413, %mul3A_424 : vector<16xi32>
      %add3A_426 = arith.addi %mul3A_425, %add3A_422 : vector<16xi32>
      %jit3A_427 = arith.constant -1 : i32
      %broadcast_in_dim3A_428 = vector.broadcast %jit3A_427 : i32 to vector<16xi32>
      %select_n3A_429 = arith.select %and3A, %add3A_426, %broadcast_in_dim3A_428 : vector<16xi1>, vector<16xi32>
      %masked_sort3A = arith.constant dense<true> : vector<16xi1>
      %masked_sort3A_430 = arith.constant -2147483648 : i32
      %masked_sort3A_431 = vector.broadcast %masked_sort3A_430 : i32 to vector<16xi32>
      %masked_sort3A_432 = arith.xori %select_n3A_429, %masked_sort3A_431 : vector<16xi32>
      %masked_sort3A_433, %masked_sort3A_434, %masked_sort3A_435 = tpu.sort %masked_sort3A_432, %select_n3A_429 masked %masked_sort3A {descending = true} : (vector<16xi32>, vector<16xi32>, vector<16xi1>) -> (vector<16xi1>, vector<16xi32>, vector<16xi32>)
      %masked_sort3A_436 = arith.xori %masked_sort3A_434, %masked_sort3A_431 : vector<16xi32>
      %shift_right_arithmetic3A = arith.constant 15 : i32
      %shift_right_arithmetic3A_437 = vector.broadcast %shift_right_arithmetic3A : i32 to vector<16xi32>
      %shift_right_arithmetic3A_438 = arith.shrsi %masked_sort3A_436, %shift_right_arithmetic3A_437 : vector<16xi32>
      %and3A_439 = arith.constant 32767 : i32
      %and3A_440 = vector.broadcast %and3A_439 : i32 to vector<16xi32>
      %and3A_441 = arith.andi %masked_sort3A_436, %and3A_440 : vector<16xi32>
      %sub3A_442 = arith.constant 1 : i32
      %sub3A_443 = vector.broadcast %sub3A_442 : i32 to vector<16xi32>
      %sub3A_444 = arith.subi %iota3A, %sub3A_443 : vector<16xi32>
      %max3A_445 = arith.constant 0 : i32
      %max3A_446 = vector.broadcast %max3A_445 : i32 to vector<16xi32>
      %max3A_447 = arith.maxsi %sub3A_444, %max3A_446 : vector<16xi32>
      %broadcast_in_dim3A_448 = vector.shape_cast %max3A_447 : vector<16xi32> to vector<16x1xi32>
      %gather3A_449 = vector.shape_cast %broadcast_in_dim3A_448 : vector<16x1xi32> to vector<16xi32>
      %gather3A_450 = tpu.dynamic_gather %shift_right_arithmetic3A_438[%gather3A_449] in [0] : vector<16xi32>, vector<16xi32> -> vector<16xi32>
      %ge3A_451 = arith.constant 0 : i32
      %ge3A_452 = vector.broadcast %ge3A_451 : i32 to vector<16xi32>
      %ge3A_453 = arith.cmpi sge, %masked_sort3A_436, %ge3A_452 : vector<16xi32>
      %eq3A_454 = arith.constant 0 : i32
      %eq3A_455 = vector.broadcast %eq3A_454 : i32 to vector<16xi32>
      %eq3A_456 = arith.cmpi eq, %iota3A, %eq3A_455 : vector<16xi32>
      %ne3A = arith.cmpi ne, %shift_right_arithmetic3A_438, %gather3A_450 : vector<16xi32>
      %or3A = arith.ori %eq3A_456, %ne3A : vector<16xi1>
      %and3A_457 = arith.andi %ge3A_453, %or3A : vector<16xi1>
      tpu.vector_store_idx %arg7[%shift_right_arithmetic3A_438], %and3A_441 masked %and3A_457 : memref<31744xi32, #tpu.memory_space<vmem>>[vector<16xi32>], vector<16xi32>, vector<16xi1>
      %scan3A_458 = arith.constant 0 : i32
      scf.yield %scan3A_458 : i32
    }
    %scan3A_68 = arith.constant 256 : i32
    %dma_start3A_69 = arith.constant 0 : i32
    %dma_start3A_70 = tpu.memref_slice %arg4[%dma_start3A_69] : memref<16384xi32, #tpu.memory_space<hbm>> -> memref<4096xi32, #tpu.memory_space<hbm>>
    %dma_start3A_71 = arith.constant 0 : i32
    %dma_start3A_72 = tpu.memref_slice %arg4[%dma_start3A_71] : memref<16384xi32, #tpu.memory_space<hbm>> -> memref<4096xi32, #tpu.memory_space<hbm>>
    tpu.enqueue_dma source(%dma_start3A_72 : memref<4096xi32, #tpu.memory_space<hbm>>) target(%arg9 : memref<4096xi32, #tpu.memory_space<vmem>>) target_semaphore(%arg13 : memref<!tpu.dma_semaphore, #tpu.memory_space<semaphore_mem>>)
    %dma_wait3A_73 = arith.constant 0 : i32
    %dma_wait3A_74 = tpu.memref_slice %arg4[%dma_wait3A_73] : memref<16384xi32, #tpu.memory_space<hbm>> -> memref<4096xi32, #tpu.memory_space<hbm>>
    %dma_wait3A_75 = arith.constant 0 : i32
    %dma_wait3A_76 = tpu.memref_slice %arg4[%dma_wait3A_75] : memref<16384xi32, #tpu.memory_space<hbm>> -> memref<4096xi32, #tpu.memory_space<hbm>>
    tpu.wait_dma2 semaphore(%arg13 : memref<!tpu.dma_semaphore, #tpu.memory_space<semaphore_mem>>) src(%dma_wait3A_76 : memref<4096xi32, #tpu.memory_space<hbm>>) dst(%arg9 : memref<4096xi32, #tpu.memory_space<vmem>>)
    %scan3A_77 = arith.constant 0 : i32
    %scan3A_78 = arith.constant 0 : i32
    %scan3A_79 = arith.constant 256 : i32
    %scan3A_80 = arith.addi %scan3A_78, %scan3A_79 : i32
    %scan3A_81 = arith.constant 1 : i32
    %scan3A_82 = scf.for %scan3A_406 = %scan3A_78 to %scan3A_80 step %scan3A_81 iter_args(%scan3A_407 = %scan3A_77) -> (i32)  : i32 {
      %mul3A_408 = arith.constant 16 : i32
      %mul3A_409 = arith.muli %scan3A_406, %mul3A_408 : i32
      %get3A_410 = arith.index_cast %mul3A_409 : i32 to index
      %get3A_411 = tpu.vector_load %arg9[%get3A_410] {strides = array<i32>} : memref<4096xi32, #tpu.memory_space<vmem>>, vector<16xi32>,
      %sub3A_412 = vector.broadcast %mul3A_2 : i32 to vector<16xi32>
      %sub3A_413 = arith.subi %get3A_411, %sub3A_412 : vector<16xi32>
      %ge3A = arith.constant 0 : i32
      %ge3A_414 = vector.broadcast %ge3A : i32 to vector<16xi32>
      %ge3A_415 = arith.cmpi sge, %sub3A_413, %ge3A_414 : vector<16xi32>
      %lt3A = vector.broadcast %select_n3A : i32 to vector<16xi32>
      %lt3A_416 = arith.cmpi slt, %sub3A_413, %lt3A : vector<16xi32>
      %and3A = arith.andi %ge3A_415, %lt3A_416 : vector<16xi1>
      %mul3A_417 = arith.constant 16 : i32
      %mul3A_418 = arith.muli %scan3A_406, %mul3A_417 : i32
      %add3A_419 = arith.constant 16384 : i32
      %add3A_420 = arith.addi %add3A_419, %mul3A_418 : i32
      %add3A_421 = vector.broadcast %add3A_420 : i32 to vector<16xi32>
      %add3A_422 = arith.addi %add3A_421, %iota3A : vector<16xi32>
      %mul3A_423 = arith.constant 32768 : i32
      %mul3A_424 = vector.broadcast %mul3A_423 : i32 to vector<16xi32>
      %mul3A_425 = arith.muli %sub3A_413, %mul3A_424 : vector<16xi32>
      %add3A_426 = arith.addi %mul3A_425, %add3A_422 : vector<16xi32>
      %jit3A_427 = arith.constant -1 : i32
      %broadcast_in_dim3A_428 = vector.broadcast %jit3A_427 : i32 to vector<16xi32>
      %select_n3A_429 = arith.select %and3A, %add3A_426, %broadcast_in_dim3A_428 : vector<16xi1>, vector<16xi32>
      %masked_sort3A = arith.constant dense<true> : vector<16xi1>
      %masked_sort3A_430 = arith.constant -2147483648 : i32
      %masked_sort3A_431 = vector.broadcast %masked_sort3A_430 : i32 to vector<16xi32>
      %masked_sort3A_432 = arith.xori %select_n3A_429, %masked_sort3A_431 : vector<16xi32>
      %masked_sort3A_433, %masked_sort3A_434, %masked_sort3A_435 = tpu.sort %masked_sort3A_432, %select_n3A_429 masked %masked_sort3A {descending = true} : (vector<16xi32>, vector<16xi32>, vector<16xi1>) -> (vector<16xi1>, vector<16xi32>, vector<16xi32>)
      %masked_sort3A_436 = arith.xori %masked_sort3A_434, %masked_sort3A_431 : vector<16xi32>
      %shift_right_arithmetic3A = arith.constant 15 : i32
      %shift_right_arithmetic3A_437 = vector.broadcast %shift_right_arithmetic3A : i32 to vector<16xi32>
      %shift_right_arithmetic3A_438 = arith.shrsi %masked_sort3A_436, %shift_right_arithmetic3A_437 : vector<16xi32>
      %and3A_439 = arith.constant 32767 : i32
      %and3A_440 = vector.broadcast %and3A_439 : i32 to vector<16xi32>
      %and3A_441 = arith.andi %masked_sort3A_436, %and3A_440 : vector<16xi32>
      %sub3A_442 = arith.constant 1 : i32
      %sub3A_443 = vector.broadcast %sub3A_442 : i32 to vector<16xi32>
      %sub3A_444 = arith.subi %iota3A, %sub3A_443 : vector<16xi32>
      %max3A_445 = arith.constant 0 : i32
      %max3A_446 = vector.broadcast %max3A_445 : i32 to vector<16xi32>
      %max3A_447 = arith.maxsi %sub3A_444, %max3A_446 : vector<16xi32>
      %broadcast_in_dim3A_448 = vector.shape_cast %max3A_447 : vector<16xi32> to vector<16x1xi32>
      %gather3A_449 = vector.shape_cast %broadcast_in_dim3A_448 : vector<16x1xi32> to vector<16xi32>
      %gather3A_450 = tpu.dynamic_gather %shift_right_arithmetic3A_438[%gather3A_449] in [0] : vector<16xi32>, vector<16xi32> -> vector<16xi32>
      %ge3A_451 = arith.constant 0 : i32
      %ge3A_452 = vector.broadcast %ge3A_451 : i32 to vector<16xi32>
      %ge3A_453 = arith.cmpi sge, %masked_sort3A_436, %ge3A_452 : vector<16xi32>
      %eq3A_454 = arith.constant 0 : i32
      %eq3A_455 = vector.broadcast %eq3A_454 : i32 to vector<16xi32>
      %eq3A_456 = arith.cmpi eq, %iota3A, %eq3A_455 : vector<16xi32>
      %ne3A = arith.cmpi ne, %shift_right_arithmetic3A_438, %gather3A_450 : vector<16xi32>
      %or3A = arith.ori %eq3A_456, %ne3A : vector<16xi1>
      %and3A_457 = arith.andi %ge3A_453, %or3A : vector<16xi1>
      tpu.vector_store_idx %arg7[%shift_right_arithmetic3A_438], %and3A_441 masked %and3A_457 : memref<31744xi32, #tpu.memory_space<vmem>>[vector<16xi32>], vector<16xi32>, vector<16xi1>
      %scan3A_458 = arith.constant 0 : i32
      scf.yield %scan3A_458 : i32
    }
    %scan3A_83 = arith.constant 256 : i32
    %dma_start3A_84 = arith.constant 4096 : i32
    %dma_start3A_85 = tpu.memref_slice %arg4[%dma_start3A_84] : memref<16384xi32, #tpu.memory_space<hbm>> -> memref<4096xi32, #tpu.memory_space<hbm>>
    %dma_start3A_86 = arith.constant 4096 : i32
    %dma_start3A_87 = tpu.memref_slice %arg4[%dma_start3A_86] : memref<16384xi32, #tpu.memory_space<hbm>> -> memref<4096xi32, #tpu.memory_space<hbm>>
    tpu.enqueue_dma source(%dma_start3A_87 : memref<4096xi32, #tpu.memory_space<hbm>>) target(%arg9 : memref<4096xi32, #tpu.memory_space<vmem>>) target_semaphore(%arg13 : memref<!tpu.dma_semaphore, #tpu.memory_space<semaphore_mem>>)
    %dma_wait3A_88 = arith.constant 4096 : i32
    %dma_wait3A_89 = tpu.memref_slice %arg4[%dma_wait3A_88] : memref<16384xi32, #tpu.memory_space<hbm>> -> memref<4096xi32, #tpu.memory_space<hbm>>
    %dma_wait3A_90 = arith.constant 4096 : i32
    %dma_wait3A_91 = tpu.memref_slice %arg4[%dma_wait3A_90] : memref<16384xi32, #tpu.memory_space<hbm>> -> memref<4096xi32, #tpu.memory_space<hbm>>
    tpu.wait_dma2 semaphore(%arg13 : memref<!tpu.dma_semaphore, #tpu.memory_space<semaphore_mem>>) src(%dma_wait3A_91 : memref<4096xi32, #tpu.memory_space<hbm>>) dst(%arg9 : memref<4096xi32, #tpu.memory_space<vmem>>)
    %scan3A_92 = arith.constant 0 : i32
    %scan3A_93 = arith.constant 0 : i32
    %scan3A_94 = arith.constant 256 : i32
    %scan3A_95 = arith.addi %scan3A_93, %scan3A_94 : i32
    %scan3A_96 = arith.constant 1 : i32
    %scan3A_97 = scf.for %scan3A_406 = %scan3A_93 to %scan3A_95 step %scan3A_96 iter_args(%scan3A_407 = %scan3A_92) -> (i32)  : i32 {
      %mul3A_408 = arith.constant 16 : i32
      %mul3A_409 = arith.muli %scan3A_406, %mul3A_408 : i32
      %get3A_410 = arith.index_cast %mul3A_409 : i32 to index
      %get3A_411 = tpu.vector_load %arg9[%get3A_410] {strides = array<i32>} : memref<4096xi32, #tpu.memory_space<vmem>>, vector<16xi32>,
      %sub3A_412 = vector.broadcast %mul3A_2 : i32 to vector<16xi32>
      %sub3A_413 = arith.subi %get3A_411, %sub3A_412 : vector<16xi32>
      %ge3A = arith.constant 0 : i32
      %ge3A_414 = vector.broadcast %ge3A : i32 to vector<16xi32>
      %ge3A_415 = arith.cmpi sge, %sub3A_413, %ge3A_414 : vector<16xi32>
      %lt3A = vector.broadcast %select_n3A : i32 to vector<16xi32>
      %lt3A_416 = arith.cmpi slt, %sub3A_413, %lt3A : vector<16xi32>
      %and3A = arith.andi %ge3A_415, %lt3A_416 : vector<16xi1>
      %mul3A_417 = arith.constant 16 : i32
      %mul3A_418 = arith.muli %scan3A_406, %mul3A_417 : i32
      %add3A_419 = arith.constant 20480 : i32
      %add3A_420 = arith.addi %add3A_419, %mul3A_418 : i32
      %add3A_421 = vector.broadcast %add3A_420 : i32 to vector<16xi32>
      %add3A_422 = arith.addi %add3A_421, %iota3A : vector<16xi32>
      %mul3A_423 = arith.constant 32768 : i32
      %mul3A_424 = vector.broadcast %mul3A_423 : i32 to vector<16xi32>
      %mul3A_425 = arith.muli %sub3A_413, %mul3A_424 : vector<16xi32>
      %add3A_426 = arith.addi %mul3A_425, %add3A_422 : vector<16xi32>
      %jit3A_427 = arith.constant -1 : i32
      %broadcast_in_dim3A_428 = vector.broadcast %jit3A_427 : i32 to vector<16xi32>
      %select_n3A_429 = arith.select %and3A, %add3A_426, %broadcast_in_dim3A_428 : vector<16xi1>, vector<16xi32>
      %masked_sort3A = arith.constant dense<true> : vector<16xi1>
      %masked_sort3A_430 = arith.constant -2147483648 : i32
      %masked_sort3A_431 = vector.broadcast %masked_sort3A_430 : i32 to vector<16xi32>
      %masked_sort3A_432 = arith.xori %select_n3A_429, %masked_sort3A_431 : vector<16xi32>
      %masked_sort3A_433, %masked_sort3A_434, %masked_sort3A_435 = tpu.sort %masked_sort3A_432, %select_n3A_429 masked %masked_sort3A {descending = true} : (vector<16xi32>, vector<16xi32>, vector<16xi1>) -> (vector<16xi1>, vector<16xi32>, vector<16xi32>)
      %masked_sort3A_436 = arith.xori %masked_sort3A_434, %masked_sort3A_431 : vector<16xi32>
      %shift_right_arithmetic3A = arith.constant 15 : i32
      %shift_right_arithmetic3A_437 = vector.broadcast %shift_right_arithmetic3A : i32 to vector<16xi32>
      %shift_right_arithmetic3A_438 = arith.shrsi %masked_sort3A_436, %shift_right_arithmetic3A_437 : vector<16xi32>
      %and3A_439 = arith.constant 32767 : i32
      %and3A_440 = vector.broadcast %and3A_439 : i32 to vector<16xi32>
      %and3A_441 = arith.andi %masked_sort3A_436, %and3A_440 : vector<16xi32>
      %sub3A_442 = arith.constant 1 : i32
      %sub3A_443 = vector.broadcast %sub3A_442 : i32 to vector<16xi32>
      %sub3A_444 = arith.subi %iota3A, %sub3A_443 : vector<16xi32>
      %max3A_445 = arith.constant 0 : i32
      %max3A_446 = vector.broadcast %max3A_445 : i32 to vector<16xi32>
      %max3A_447 = arith.maxsi %sub3A_444, %max3A_446 : vector<16xi32>
      %broadcast_in_dim3A_448 = vector.shape_cast %max3A_447 : vector<16xi32> to vector<16x1xi32>
      %gather3A_449 = vector.shape_cast %broadcast_in_dim3A_448 : vector<16x1xi32> to vector<16xi32>
      %gather3A_450 = tpu.dynamic_gather %shift_right_arithmetic3A_438[%gather3A_449] in [0] : vector<16xi32>, vector<16xi32> -> vector<16xi32>
      %ge3A_451 = arith.constant 0 : i32
      %ge3A_452 = vector.broadcast %ge3A_451 : i32 to vector<16xi32>
      %ge3A_453 = arith.cmpi sge, %masked_sort3A_436, %ge3A_452 : vector<16xi32>
      %eq3A_454 = arith.constant 0 : i32
      %eq3A_455 = vector.broadcast %eq3A_454 : i32 to vector<16xi32>
      %eq3A_456 = arith.cmpi eq, %iota3A, %eq3A_455 : vector<16xi32>
      %ne3A = arith.cmpi ne, %shift_right_arithmetic3A_438, %gather3A_450 : vector<16xi32>
      %or3A = arith.ori %eq3A_456, %ne3A : vector<16xi1>
      %and3A_457 = arith.andi %ge3A_453, %or3A : vector<16xi1>
      tpu.vector_store_idx %arg7[%shift_right_arithmetic3A_438], %and3A_441 masked %and3A_457 : memref<31744xi32, #tpu.memory_space<vmem>>[vector<16xi32>], vector<16xi32>, vector<16xi1>
      %scan3A_458 = arith.constant 0 : i32
      scf.yield %scan3A_458 : i32
    }
    %scan3A_98 = arith.constant 256 : i32
    %dma_start3A_99 = arith.constant 8192 : i32
    %dma_start3A_100 = tpu.memref_slice %arg4[%dma_start3A_99] : memref<16384xi32, #tpu.memory_space<hbm>> -> memref<4096xi32, #tpu.memory_space<hbm>>
    %dma_start3A_101 = arith.constant 8192 : i32
    %dma_start3A_102 = tpu.memref_slice %arg4[%dma_start3A_101] : memref<16384xi32, #tpu.memory_space<hbm>> -> memref<4096xi32, #tpu.memory_space<hbm>>
    tpu.enqueue_dma source(%dma_start3A_102 : memref<4096xi32, #tpu.memory_space<hbm>>) target(%arg9 : memref<4096xi32, #tpu.memory_space<vmem>>) target_semaphore(%arg13 : memref<!tpu.dma_semaphore, #tpu.memory_space<semaphore_mem>>)
    %dma_wait3A_103 = arith.constant 8192 : i32
    %dma_wait3A_104 = tpu.memref_slice %arg4[%dma_wait3A_103] : memref<16384xi32, #tpu.memory_space<hbm>> -> memref<4096xi32, #tpu.memory_space<hbm>>
    %dma_wait3A_105 = arith.constant 8192 : i32
    %dma_wait3A_106 = tpu.memref_slice %arg4[%dma_wait3A_105] : memref<16384xi32, #tpu.memory_space<hbm>> -> memref<4096xi32, #tpu.memory_space<hbm>>
    tpu.wait_dma2 semaphore(%arg13 : memref<!tpu.dma_semaphore, #tpu.memory_space<semaphore_mem>>) src(%dma_wait3A_106 : memref<4096xi32, #tpu.memory_space<hbm>>) dst(%arg9 : memref<4096xi32, #tpu.memory_space<vmem>>)
    %scan3A_107 = arith.constant 0 : i32
    %scan3A_108 = arith.constant 0 : i32
    %scan3A_109 = arith.constant 256 : i32
    %scan3A_110 = arith.addi %scan3A_108, %scan3A_109 : i32
    %scan3A_111 = arith.constant 1 : i32
    %scan3A_112 = scf.for %scan3A_406 = %scan3A_108 to %scan3A_110 step %scan3A_111 iter_args(%scan3A_407 = %scan3A_107) -> (i32)  : i32 {
      %mul3A_408 = arith.constant 16 : i32
      %mul3A_409 = arith.muli %scan3A_406, %mul3A_408 : i32
      %get3A_410 = arith.index_cast %mul3A_409 : i32 to index
      %get3A_411 = tpu.vector_load %arg9[%get3A_410] {strides = array<i32>} : memref<4096xi32, #tpu.memory_space<vmem>>, vector<16xi32>,
      %sub3A_412 = vector.broadcast %mul3A_2 : i32 to vector<16xi32>
      %sub3A_413 = arith.subi %get3A_411, %sub3A_412 : vector<16xi32>
      %ge3A = arith.constant 0 : i32
      %ge3A_414 = vector.broadcast %ge3A : i32 to vector<16xi32>
      %ge3A_415 = arith.cmpi sge, %sub3A_413, %ge3A_414 : vector<16xi32>
      %lt3A = vector.broadcast %select_n3A : i32 to vector<16xi32>
      %lt3A_416 = arith.cmpi slt, %sub3A_413, %lt3A : vector<16xi32>
      %and3A = arith.andi %ge3A_415, %lt3A_416 : vector<16xi1>
      %mul3A_417 = arith.constant 16 : i32
      %mul3A_418 = arith.muli %scan3A_406, %mul3A_417 : i32
      %add3A_419 = arith.constant 24576 : i32
      %add3A_420 = arith.addi %add3A_419, %mul3A_418 : i32
      %add3A_421 = vector.broadcast %add3A_420 : i32 to vector<16xi32>
      %add3A_422 = arith.addi %add3A_421, %iota3A : vector<16xi32>
      %mul3A_423 = arith.constant 32768 : i32
      %mul3A_424 = vector.broadcast %mul3A_423 : i32 to vector<16xi32>
      %mul3A_425 = arith.muli %sub3A_413, %mul3A_424 : vector<16xi32>
      %add3A_426 = arith.addi %mul3A_425, %add3A_422 : vector<16xi32>
      %jit3A_427 = arith.constant -1 : i32
      %broadcast_in_dim3A_428 = vector.broadcast %jit3A_427 : i32 to vector<16xi32>
      %select_n3A_429 = arith.select %and3A, %add3A_426, %broadcast_in_dim3A_428 : vector<16xi1>, vector<16xi32>
      %masked_sort3A = arith.constant dense<true> : vector<16xi1>
      %masked_sort3A_430 = arith.constant -2147483648 : i32
      %masked_sort3A_431 = vector.broadcast %masked_sort3A_430 : i32 to vector<16xi32>
      %masked_sort3A_432 = arith.xori %select_n3A_429, %masked_sort3A_431 : vector<16xi32>
      %masked_sort3A_433, %masked_sort3A_434, %masked_sort3A_435 = tpu.sort %masked_sort3A_432, %select_n3A_429 masked %masked_sort3A {descending = true} : (vector<16xi32>, vector<16xi32>, vector<16xi1>) -> (vector<16xi1>, vector<16xi32>, vector<16xi32>)
      %masked_sort3A_436 = arith.xori %masked_sort3A_434, %masked_sort3A_431 : vector<16xi32>
      %shift_right_arithmetic3A = arith.constant 15 : i32
      %shift_right_arithmetic3A_437 = vector.broadcast %shift_right_arithmetic3A : i32 to vector<16xi32>
      %shift_right_arithmetic3A_438 = arith.shrsi %masked_sort3A_436, %shift_right_arithmetic3A_437 : vector<16xi32>
      %and3A_439 = arith.constant 32767 : i32
      %and3A_440 = vector.broadcast %and3A_439 : i32 to vector<16xi32>
      %and3A_441 = arith.andi %masked_sort3A_436, %and3A_440 : vector<16xi32>
      %sub3A_442 = arith.constant 1 : i32
      %sub3A_443 = vector.broadcast %sub3A_442 : i32 to vector<16xi32>
      %sub3A_444 = arith.subi %iota3A, %sub3A_443 : vector<16xi32>
      %max3A_445 = arith.constant 0 : i32
      %max3A_446 = vector.broadcast %max3A_445 : i32 to vector<16xi32>
      %max3A_447 = arith.maxsi %sub3A_444, %max3A_446 : vector<16xi32>
      %broadcast_in_dim3A_448 = vector.shape_cast %max3A_447 : vector<16xi32> to vector<16x1xi32>
      %gather3A_449 = vector.shape_cast %broadcast_in_dim3A_448 : vector<16x1xi32> to vector<16xi32>
      %gather3A_450 = tpu.dynamic_gather %shift_right_arithmetic3A_438[%gather3A_449] in [0] : vector<16xi32>, vector<16xi32> -> vector<16xi32>
      %ge3A_451 = arith.constant 0 : i32
      %ge3A_452 = vector.broadcast %ge3A_451 : i32 to vector<16xi32>
      %ge3A_453 = arith.cmpi sge, %masked_sort3A_436, %ge3A_452 : vector<16xi32>
      %eq3A_454 = arith.constant 0 : i32
      %eq3A_455 = vector.broadcast %eq3A_454 : i32 to vector<16xi32>
      %eq3A_456 = arith.cmpi eq, %iota3A, %eq3A_455 : vector<16xi32>
      %ne3A = arith.cmpi ne, %shift_right_arithmetic3A_438, %gather3A_450 : vector<16xi32>
      %or3A = arith.ori %eq3A_456, %ne3A : vector<16xi1>
      %and3A_457 = arith.andi %ge3A_453, %or3A : vector<16xi1>
      tpu.vector_store_idx %arg7[%shift_right_arithmetic3A_438], %and3A_441 masked %and3A_457 : memref<31744xi32, #tpu.memory_space<vmem>>[vector<16xi32>], vector<16xi32>, vector<16xi1>
      %scan3A_458 = arith.constant 0 : i32
      scf.yield %scan3A_458 : i32
    }
    %scan3A_113 = arith.constant 256 : i32
    %dma_start3A_114 = arith.constant 12288 : i32
    %dma_start3A_115 = tpu.memref_slice %arg4[%dma_start3A_114] : memref<16384xi32, #tpu.memory_space<hbm>> -> memref<4096xi32, #tpu.memory_space<hbm>>
    %dma_start3A_116 = arith.constant 12288 : i32
    %dma_start3A_117 = tpu.memref_slice %arg4[%dma_start3A_116] : memref<16384xi32, #tpu.memory_space<hbm>> -> memref<4096xi32, #tpu.memory_space<hbm>>
    tpu.enqueue_dma source(%dma_start3A_117 : memref<4096xi32, #tpu.memory_space<hbm>>) target(%arg9 : memref<4096xi32, #tpu.memory_space<vmem>>) target_semaphore(%arg13 : memref<!tpu.dma_semaphore, #tpu.memory_space<semaphore_mem>>)
    %dma_wait3A_118 = arith.constant 12288 : i32
    %dma_wait3A_119 = tpu.memref_slice %arg4[%dma_wait3A_118] : memref<16384xi32, #tpu.memory_space<hbm>> -> memref<4096xi32, #tpu.memory_space<hbm>>
    %dma_wait3A_120 = arith.constant 12288 : i32
    %dma_wait3A_121 = tpu.memref_slice %arg4[%dma_wait3A_120] : memref<16384xi32, #tpu.memory_space<hbm>> -> memref<4096xi32, #tpu.memory_space<hbm>>
    tpu.wait_dma2 semaphore(%arg13 : memref<!tpu.dma_semaphore, #tpu.memory_space<semaphore_mem>>) src(%dma_wait3A_121 : memref<4096xi32, #tpu.memory_space<hbm>>) dst(%arg9 : memref<4096xi32, #tpu.memory_space<vmem>>)
    %scan3A_122 = arith.constant 0 : i32
    %scan3A_123 = arith.constant 0 : i32
    %scan3A_124 = arith.constant 256 : i32
    %scan3A_125 = arith.addi %scan3A_123, %scan3A_124 : i32
    %scan3A_126 = arith.constant 1 : i32
    %scan3A_127 = scf.for %scan3A_406 = %scan3A_123 to %scan3A_125 step %scan3A_126 iter_args(%scan3A_407 = %scan3A_122) -> (i32)  : i32 {
      %mul3A_408 = arith.constant 16 : i32
      %mul3A_409 = arith.muli %scan3A_406, %mul3A_408 : i32
      %get3A_410 = arith.index_cast %mul3A_409 : i32 to index
      %get3A_411 = tpu.vector_load %arg9[%get3A_410] {strides = array<i32>} : memref<4096xi32, #tpu.memory_space<vmem>>, vector<16xi32>,
      %sub3A_412 = vector.broadcast %mul3A_2 : i32 to vector<16xi32>
      %sub3A_413 = arith.subi %get3A_411, %sub3A_412 : vector<16xi32>
      %ge3A = arith.constant 0 : i32
      %ge3A_414 = vector.broadcast %ge3A : i32 to vector<16xi32>
      %ge3A_415 = arith.cmpi sge, %sub3A_413, %ge3A_414 : vector<16xi32>
      %lt3A = vector.broadcast %select_n3A : i32 to vector<16xi32>
      %lt3A_416 = arith.cmpi slt, %sub3A_413, %lt3A : vector<16xi32>
      %and3A = arith.andi %ge3A_415, %lt3A_416 : vector<16xi1>
      %mul3A_417 = arith.constant 16 : i32
      %mul3A_418 = arith.muli %scan3A_406, %mul3A_417 : i32
      %add3A_419 = arith.constant 28672 : i32
      %add3A_420 = arith.addi %add3A_419, %mul3A_418 : i32
      %add3A_421 = vector.broadcast %add3A_420 : i32 to vector<16xi32>
      %add3A_422 = arith.addi %add3A_421, %iota3A : vector<16xi32>
      %mul3A_423 = arith.constant 32768 : i32
      %mul3A_424 = vector.broadcast %mul3A_423 : i32 to vector<16xi32>
      %mul3A_425 = arith.muli %sub3A_413, %mul3A_424 : vector<16xi32>
      %add3A_426 = arith.addi %mul3A_425, %add3A_422 : vector<16xi32>
      %jit3A_427 = arith.constant -1 : i32
      %broadcast_in_dim3A_428 = vector.broadcast %jit3A_427 : i32 to vector<16xi32>
      %select_n3A_429 = arith.select %and3A, %add3A_426, %broadcast_in_dim3A_428 : vector<16xi1>, vector<16xi32>
      %masked_sort3A = arith.constant dense<true> : vector<16xi1>
      %masked_sort3A_430 = arith.constant -2147483648 : i32
      %masked_sort3A_431 = vector.broadcast %masked_sort3A_430 : i32 to vector<16xi32>
      %masked_sort3A_432 = arith.xori %select_n3A_429, %masked_sort3A_431 : vector<16xi32>
      %masked_sort3A_433, %masked_sort3A_434, %masked_sort3A_435 = tpu.sort %masked_sort3A_432, %select_n3A_429 masked %masked_sort3A {descending = true} : (vector<16xi32>, vector<16xi32>, vector<16xi1>) -> (vector<16xi1>, vector<16xi32>, vector<16xi32>)
      %masked_sort3A_436 = arith.xori %masked_sort3A_434, %masked_sort3A_431 : vector<16xi32>
      %shift_right_arithmetic3A = arith.constant 15 : i32
      %shift_right_arithmetic3A_437 = vector.broadcast %shift_right_arithmetic3A : i32 to vector<16xi32>
      %shift_right_arithmetic3A_438 = arith.shrsi %masked_sort3A_436, %shift_right_arithmetic3A_437 : vector<16xi32>
      %and3A_439 = arith.constant 32767 : i32
      %and3A_440 = vector.broadcast %and3A_439 : i32 to vector<16xi32>
      %and3A_441 = arith.andi %masked_sort3A_436, %and3A_440 : vector<16xi32>
      %sub3A_442 = arith.constant 1 : i32
      %sub3A_443 = vector.broadcast %sub3A_442 : i32 to vector<16xi32>
      %sub3A_444 = arith.subi %iota3A, %sub3A_443 : vector<16xi32>
      %max3A_445 = arith.constant 0 : i32
      %max3A_446 = vector.broadcast %max3A_445 : i32 to vector<16xi32>
      %max3A_447 = arith.maxsi %sub3A_444, %max3A_446 : vector<16xi32>
      %broadcast_in_dim3A_448 = vector.shape_cast %max3A_447 : vector<16xi32> to vector<16x1xi32>
      %gather3A_449 = vector.shape_cast %broadcast_in_dim3A_448 : vector<16x1xi32> to vector<16xi32>
      %gather3A_450 = tpu.dynamic_gather %shift_right_arithmetic3A_438[%gather3A_449] in [0] : vector<16xi32>, vector<16xi32> -> vector<16xi32>
      %ge3A_451 = arith.constant 0 : i32
      %ge3A_452 = vector.broadcast %ge3A_451 : i32 to vector<16xi32>
      %ge3A_453 = arith.cmpi sge, %masked_sort3A_436, %ge3A_452 : vector<16xi32>
      %eq3A_454 = arith.constant 0 : i32
      %eq3A_455 = vector.broadcast %eq3A_454 : i32 to vector<16xi32>
      %eq3A_456 = arith.cmpi eq, %iota3A, %eq3A_455 : vector<16xi32>
      %ne3A = arith.cmpi ne, %shift_right_arithmetic3A_438, %gather3A_450 : vector<16xi32>
      %or3A = arith.ori %eq3A_456, %ne3A : vector<16xi1>
      %and3A_457 = arith.andi %ge3A_453, %or3A : vector<16xi1>
      tpu.vector_store_idx %arg7[%shift_right_arithmetic3A_438], %and3A_441 masked %and3A_457 : memref<31744xi32, #tpu.memory_space<vmem>>[vector<16xi32>], vector<16xi32>, vector<16xi1>
      %scan3A_458 = arith.constant 0 : i32
      scf.yield %scan3A_458 : i32
    }
    %scan3A_128 = arith.constant 256 : i32
    %broadcast_in_dim3A = arith.constant 0 : i32
    %broadcast_in_dim3A_129 = vector.broadcast %broadcast_in_dim3A : i32 to vector<16xi32>
    %scan3A_130 = arith.constant 0 : i32
    %scan3A_131 = arith.constant 1984 : i32
    %scan3A_132 = arith.addi %scan3A_130, %scan3A_131 : i32
    %scan3A_133 = arith.constant 1 : i32
    %scan3A_134 = scf.for %scan3A_406 = %scan3A_130 to %scan3A_132 step %scan3A_133 iter_args(%scan3A_407 = %broadcast_in_dim3A_129) -> (vector<16xi32>)  : i32 {
      %mul3A_408 = arith.constant 16 : i32
      %mul3A_409 = arith.muli %scan3A_406, %mul3A_408 : i32
      %get3A_410 = arith.index_cast %mul3A_409 : i32 to index
      %get3A_411 = tpu.vector_load %arg7[%get3A_410] {strides = array<i32>} : memref<31744xi32, #tpu.memory_space<vmem>>, vector<16xi32>,
      %ge3A = arith.constant 0 : i32
      %ge3A_412 = vector.broadcast %ge3A : i32 to vector<16xi32>
      %ge3A_413 = arith.cmpi sge, %get3A_411, %ge3A_412 : vector<16xi32>
      %convert_element_type3A = arith.extui %ge3A_413 : vector<16xi1> to vector<16xi32>
      %broadcast_in_dim3A_414 = arith.constant true
      %broadcast_in_dim3A_415 = vector.broadcast %broadcast_in_dim3A_414 : i1 to vector<16xi1>
      %masked_cumsum3A = tpu.scan <sum>, %convert_element_type3A masked %broadcast_in_dim3A_415 : vector<16xi32>, vector<16xi1> -> vector<16xi32>
      %add3A_416 = arith.addi %scan3A_407, %masked_cumsum3A : vector<16xi32>
      %sub3A_417 = arith.constant 1 : i32
      %sub3A_418 = vector.broadcast %sub3A_417 : i32 to vector<16xi32>
      %sub3A_419 = arith.subi %add3A_416, %sub3A_418 : vector<16xi32>
      %mul3A_420 = arith.constant 16 : i32
      %mul3A_421 = arith.muli %scan3A_406, %mul3A_420 : i32
      %add3A_422 = vector.broadcast %mul3A_421 : i32 to vector<16xi32>
      %add3A_423 = arith.addi %add3A_422, %iota3A : vector<16xi32>
      tpu.vector_store_idx %arg8[%sub3A_419], %add3A_423 masked %ge3A_413 : memref<31744xi32, #tpu.memory_space<vmem>>[vector<16xi32>], vector<16xi32>, vector<16xi1>
      %all_reduce_population_count3A = tpu.all_reduce %ge3A_413 {dim = 0 : i64, kind = #tpu.reduction_kind<sum>} : vector<16xi1> -> vector<16xi32>
      %add3A_424 = arith.addi %scan3A_407, %all_reduce_population_count3A : vector<16xi32>
      scf.yield %add3A_424 : vector<16xi32>
    }
    %scan3A_135 = arith.constant 1984 : i32
    %reduce_max3A = arith.constant true
    %reduce_max3A_136 = vector.broadcast %reduce_max3A : i1 to vector<16xi1>
    %reduce_max3A_137 = arith.constant -2147483648 : i32
    %reduce_max3A_138 = vector.broadcast %reduce_max3A_137 : i32 to vector<16xi32>
    %reduce_max3A_139 = arith.xori %scan3A_134, %reduce_max3A_138 : vector<16xi32>
    %reduce_max3A_140 = tpu.scan <max>, %reduce_max3A_139 masked %reduce_max3A_136 : vector<16xi32>, vector<16xi1> -> vector<16xi32>
    %reduce_max3A_141 = arith.xori %reduce_max3A_140, %reduce_max3A_138 : vector<16xi32>
    %reduce_max3A_142 = vector.extract %reduce_max3A_141[15] : i32 from vector<16xi32>
    %multiple_of3A = arith.constant 0 : i32
    %multiple_of3A_143 = tpu.assume_multiple %multiple_of3A, 128 : i32
    %add3A_144 = arith.constant 0 : i32
    %add3A_145 = arith.addi %multiple_of3A_143, %add3A_144 : i32
    %get3A = arith.index_cast %add3A_145 : i32 to index
    %get3A_146 = tpu.vector_load %arg8[%get3A] {strides = array<i32>} : memref<31744xi32, #tpu.memory_space<vmem>>, vector<16xi32>,
    %sub3A = arith.constant 1 : i32
    %sub3A_147 = arith.subi %select_n3A, %sub3A : i32
    %jit3A_148 = arith.constant 0 : i32
    %max3A = vector.broadcast %jit3A_148 : i32 to vector<16xi32>
    %max3A_149 = arith.maxsi %max3A, %get3A_146 : vector<16xi32>
    %min3A = vector.broadcast %sub3A_147 : i32 to vector<16xi32>
    %min3A_150 = arith.minsi %min3A, %max3A_149 : vector<16xi32>
    %gather3A = tpu.vector_load_idx %arg7[%min3A_150] : memref<31744xi32, #tpu.memory_space<vmem>>[vector<16xi32>], vector<16xi32>,
    %max3A_151 = arith.constant 0 : i32
    %max3A_152 = vector.broadcast %max3A_151 : i32 to vector<16xi32>
    %max3A_153 = arith.maxsi %gather3A, %max3A_152 : vector<16xi32>
    %swap3A = arith.constant 0 : index
    %swap3A_154 = tpu.vector_load %arg10[%swap3A] {strides = array<i32>} : memref<128xi32, #tpu.memory_space<vmem>>, vector<16xi32>,
    tpu.vector_store %arg10[%swap3A], %max3A_153 {strides = array<i32>} : memref<128xi32, #tpu.memory_space<vmem>>, vector<16xi32>,
    %add3A_155 = arith.constant 16 : i32
    %add3A_156 = arith.addi %multiple_of3A_143, %add3A_155 : i32
    %get3A_157 = arith.index_cast %add3A_156 : i32 to index
    %get3A_158 = tpu.vector_load %arg8[%get3A_157] {strides = array<i32>} : memref<31744xi32, #tpu.memory_space<vmem>>, vector<16xi32>,
    %sub3A_159 = arith.constant 1 : i32
    %sub3A_160 = arith.subi %select_n3A, %sub3A_159 : i32
    %jit3A_161 = arith.constant 0 : i32
    %max3A_162 = vector.broadcast %jit3A_161 : i32 to vector<16xi32>
    %max3A_163 = arith.maxsi %max3A_162, %get3A_158 : vector<16xi32>
    %min3A_164 = vector.broadcast %sub3A_160 : i32 to vector<16xi32>
    %min3A_165 = arith.minsi %min3A_164, %max3A_163 : vector<16xi32>
    %gather3A_166 = tpu.vector_load_idx %arg7[%min3A_165] : memref<31744xi32, #tpu.memory_space<vmem>>[vector<16xi32>], vector<16xi32>,
    %max3A_167 = arith.constant 0 : i32
    %max3A_168 = vector.broadcast %max3A_167 : i32 to vector<16xi32>
    %max3A_169 = arith.maxsi %gather3A_166, %max3A_168 : vector<16xi32>
    %swap3A_170 = arith.constant 16 : index
    %swap3A_171 = tpu.vector_load %arg10[%swap3A_170] {strides = array<i32>} : memref<128xi32, #tpu.memory_space<vmem>>, vector<16xi32>,
    tpu.vector_store %arg10[%swap3A_170], %max3A_169 {strides = array<i32>} : memref<128xi32, #tpu.memory_space<vmem>>, vector<16xi32>,
    %add3A_172 = arith.constant 32 : i32
    %add3A_173 = arith.addi %multiple_of3A_143, %add3A_172 : i32
    %get3A_174 = arith.index_cast %add3A_173 : i32 to index
    %get3A_175 = tpu.vector_load %arg8[%get3A_174] {strides = array<i32>} : memref<31744xi32, #tpu.memory_space<vmem>>, vector<16xi32>,
    %sub3A_176 = arith.constant 1 : i32
    %sub3A_177 = arith.subi %select_n3A, %sub3A_176 : i32
    %jit3A_178 = arith.constant 0 : i32
    %max3A_179 = vector.broadcast %jit3A_178 : i32 to vector<16xi32>
    %max3A_180 = arith.maxsi %max3A_179, %get3A_175 : vector<16xi32>
    %min3A_181 = vector.broadcast %sub3A_177 : i32 to vector<16xi32>
    %min3A_182 = arith.minsi %min3A_181, %max3A_180 : vector<16xi32>
    %gather3A_183 = tpu.vector_load_idx %arg7[%min3A_182] : memref<31744xi32, #tpu.memory_space<vmem>>[vector<16xi32>], vector<16xi32>,
    %max3A_184 = arith.constant 0 : i32
    %max3A_185 = vector.broadcast %max3A_184 : i32 to vector<16xi32>
    %max3A_186 = arith.maxsi %gather3A_183, %max3A_185 : vector<16xi32>
    %swap3A_187 = arith.constant 32 : index
    %swap3A_188 = tpu.vector_load %arg10[%swap3A_187] {strides = array<i32>} : memref<128xi32, #tpu.memory_space<vmem>>, vector<16xi32>,
    tpu.vector_store %arg10[%swap3A_187], %max3A_186 {strides = array<i32>} : memref<128xi32, #tpu.memory_space<vmem>>, vector<16xi32>,
    %add3A_189 = arith.constant 48 : i32
    %add3A_190 = arith.addi %multiple_of3A_143, %add3A_189 : i32
    %get3A_191 = arith.index_cast %add3A_190 : i32 to index
    %get3A_192 = tpu.vector_load %arg8[%get3A_191] {strides = array<i32>} : memref<31744xi32, #tpu.memory_space<vmem>>, vector<16xi32>,
    %sub3A_193 = arith.constant 1 : i32
    %sub3A_194 = arith.subi %select_n3A, %sub3A_193 : i32
    %jit3A_195 = arith.constant 0 : i32
    %max3A_196 = vector.broadcast %jit3A_195 : i32 to vector<16xi32>
    %max3A_197 = arith.maxsi %max3A_196, %get3A_192 : vector<16xi32>
    %min3A_198 = vector.broadcast %sub3A_194 : i32 to vector<16xi32>
    %min3A_199 = arith.minsi %min3A_198, %max3A_197 : vector<16xi32>
    %gather3A_200 = tpu.vector_load_idx %arg7[%min3A_199] : memref<31744xi32, #tpu.memory_space<vmem>>[vector<16xi32>], vector<16xi32>,
    %max3A_201 = arith.constant 0 : i32
    %max3A_202 = vector.broadcast %max3A_201 : i32 to vector<16xi32>
    %max3A_203 = arith.maxsi %gather3A_200, %max3A_202 : vector<16xi32>
    %swap3A_204 = arith.constant 48 : index
    %swap3A_205 = tpu.vector_load %arg10[%swap3A_204] {strides = array<i32>} : memref<128xi32, #tpu.memory_space<vmem>>, vector<16xi32>,
    tpu.vector_store %arg10[%swap3A_204], %max3A_203 {strides = array<i32>} : memref<128xi32, #tpu.memory_space<vmem>>, vector<16xi32>,
    %add3A_206 = arith.constant 64 : i32
    %add3A_207 = arith.addi %multiple_of3A_143, %add3A_206 : i32
    %get3A_208 = arith.index_cast %add3A_207 : i32 to index
    %get3A_209 = tpu.vector_load %arg8[%get3A_208] {strides = array<i32>} : memref<31744xi32, #tpu.memory_space<vmem>>, vector<16xi32>,
    %sub3A_210 = arith.constant 1 : i32
    %sub3A_211 = arith.subi %select_n3A, %sub3A_210 : i32
    %jit3A_212 = arith.constant 0 : i32
    %max3A_213 = vector.broadcast %jit3A_212 : i32 to vector<16xi32>
    %max3A_214 = arith.maxsi %max3A_213, %get3A_209 : vector<16xi32>
    %min3A_215 = vector.broadcast %sub3A_211 : i32 to vector<16xi32>
    %min3A_216 = arith.minsi %min3A_215, %max3A_214 : vector<16xi32>
    %gather3A_217 = tpu.vector_load_idx %arg7[%min3A_216] : memref<31744xi32, #tpu.memory_space<vmem>>[vector<16xi32>], vector<16xi32>,
    %max3A_218 = arith.constant 0 : i32
    %max3A_219 = vector.broadcast %max3A_218 : i32 to vector<16xi32>
    %max3A_220 = arith.maxsi %gather3A_217, %max3A_219 : vector<16xi32>
    %swap3A_221 = arith.constant 64 : index
    %swap3A_222 = tpu.vector_load %arg10[%swap3A_221] {strides = array<i32>} : memref<128xi32, #tpu.memory_space<vmem>>, vector<16xi32>,
    tpu.vector_store %arg10[%swap3A_221], %max3A_220 {strides = array<i32>} : memref<128xi32, #tpu.memory_space<vmem>>, vector<16xi32>,
    %add3A_223 = arith.constant 80 : i32
    %add3A_224 = arith.addi %multiple_of3A_143, %add3A_223 : i32
    %get3A_225 = arith.index_cast %add3A_224 : i32 to index
    %get3A_226 = tpu.vector_load %arg8[%get3A_225] {strides = array<i32>} : memref<31744xi32, #tpu.memory_space<vmem>>, vector<16xi32>,
    %sub3A_227 = arith.constant 1 : i32
    %sub3A_228 = arith.subi %select_n3A, %sub3A_227 : i32
    %jit3A_229 = arith.constant 0 : i32
    %max3A_230 = vector.broadcast %jit3A_229 : i32 to vector<16xi32>
    %max3A_231 = arith.maxsi %max3A_230, %get3A_226 : vector<16xi32>
    %min3A_232 = vector.broadcast %sub3A_228 : i32 to vector<16xi32>
    %min3A_233 = arith.minsi %min3A_232, %max3A_231 : vector<16xi32>
    %gather3A_234 = tpu.vector_load_idx %arg7[%min3A_233] : memref<31744xi32, #tpu.memory_space<vmem>>[vector<16xi32>], vector<16xi32>,
    %max3A_235 = arith.constant 0 : i32
    %max3A_236 = vector.broadcast %max3A_235 : i32 to vector<16xi32>
    %max3A_237 = arith.maxsi %gather3A_234, %max3A_236 : vector<16xi32>
    %swap3A_238 = arith.constant 80 : index
    %swap3A_239 = tpu.vector_load %arg10[%swap3A_238] {strides = array<i32>} : memref<128xi32, #tpu.memory_space<vmem>>, vector<16xi32>,
    tpu.vector_store %arg10[%swap3A_238], %max3A_237 {strides = array<i32>} : memref<128xi32, #tpu.memory_space<vmem>>, vector<16xi32>,
    %add3A_240 = arith.constant 96 : i32
    %add3A_241 = arith.addi %multiple_of3A_143, %add3A_240 : i32
    %get3A_242 = arith.index_cast %add3A_241 : i32 to index
    %get3A_243 = tpu.vector_load %arg8[%get3A_242] {strides = array<i32>} : memref<31744xi32, #tpu.memory_space<vmem>>, vector<16xi32>,
    %sub3A_244 = arith.constant 1 : i32
    %sub3A_245 = arith.subi %select_n3A, %sub3A_244 : i32
    %jit3A_246 = arith.constant 0 : i32
    %max3A_247 = vector.broadcast %jit3A_246 : i32 to vector<16xi32>
    %max3A_248 = arith.maxsi %max3A_247, %get3A_243 : vector<16xi32>
    %min3A_249 = vector.broadcast %sub3A_245 : i32 to vector<16xi32>
    %min3A_250 = arith.minsi %min3A_249, %max3A_248 : vector<16xi32>
    %gather3A_251 = tpu.vector_load_idx %arg7[%min3A_250] : memref<31744xi32, #tpu.memory_space<vmem>>[vector<16xi32>], vector<16xi32>,
    %max3A_252 = arith.constant 0 : i32
    %max3A_253 = vector.broadcast %max3A_252 : i32 to vector<16xi32>
    %max3A_254 = arith.maxsi %gather3A_251, %max3A_253 : vector<16xi32>
    %swap3A_255 = arith.constant 96 : index
    %swap3A_256 = tpu.vector_load %arg10[%swap3A_255] {strides = array<i32>} : memref<128xi32, #tpu.memory_space<vmem>>, vector<16xi32>,
    tpu.vector_store %arg10[%swap3A_255], %max3A_254 {strides = array<i32>} : memref<128xi32, #tpu.memory_space<vmem>>, vector<16xi32>,
    %add3A_257 = arith.constant 112 : i32
    %add3A_258 = arith.addi %multiple_of3A_143, %add3A_257 : i32
    %get3A_259 = arith.index_cast %add3A_258 : i32 to index
    %get3A_260 = tpu.vector_load %arg8[%get3A_259] {strides = array<i32>} : memref<31744xi32, #tpu.memory_space<vmem>>, vector<16xi32>,
    %sub3A_261 = arith.constant 1 : i32
    %sub3A_262 = arith.subi %select_n3A, %sub3A_261 : i32
    %jit3A_263 = arith.constant 0 : i32
    %max3A_264 = vector.broadcast %jit3A_263 : i32 to vector<16xi32>
    %max3A_265 = arith.maxsi %max3A_264, %get3A_260 : vector<16xi32>
    %min3A_266 = vector.broadcast %sub3A_262 : i32 to vector<16xi32>
    %min3A_267 = arith.minsi %min3A_266, %max3A_265 : vector<16xi32>
    %gather3A_268 = tpu.vector_load_idx %arg7[%min3A_267] : memref<31744xi32, #tpu.memory_space<vmem>>[vector<16xi32>], vector<16xi32>,
    %max3A_269 = arith.constant 0 : i32
    %max3A_270 = vector.broadcast %max3A_269 : i32 to vector<16xi32>
    %max3A_271 = arith.maxsi %gather3A_268, %max3A_270 : vector<16xi32>
    %swap3A_272 = arith.constant 112 : index
    %swap3A_273 = tpu.vector_load %arg10[%swap3A_272] {strides = array<i32>} : memref<128xi32, #tpu.memory_space<vmem>>, vector<16xi32>,
    tpu.vector_store %arg10[%swap3A_272], %max3A_271 {strides = array<i32>} : memref<128xi32, #tpu.memory_space<vmem>>, vector<16xi32>,
    %dma_start3A_274 = arith.constant 0 : i32
    %dma_start3A_275 = arith.constant 0 : i32
    %dma_start3A_276 = tpu.memref_slice %arg5[%dma_start3A_274, %dma_start3A_275] : memref<32768x128xf32, #tpu.memory_space<hbm>> -> memref<32768x128xf32, #tpu.memory_space<hbm>>
    tpu.enqueue_indirect_dma source(%dma_start3A_276 : memref<32768x128xf32, #tpu.memory_space<hbm>>) target(%arg11 : memref<128x128xf32, #tpu.memory_space<vmem>>) offsets(%arg10 : memref<128xi32, #tpu.memory_space<vmem>>) semaphore(%arg14 : memref<!tpu.dma_semaphore, #tpu.memory_space<semaphore_mem>>)
    %dma_wait3A_277 = arith.constant 0 : i32
    %dma_wait3A_278 = arith.constant 0 : i32
    %dma_wait3A_279 = tpu.memref_slice %arg5[%dma_wait3A_277, %dma_wait3A_278] : memref<32768x128xf32, #tpu.memory_space<hbm>> -> memref<32768x128xf32, #tpu.memory_space<hbm>>
    tpu.wait_indirect_dma semaphore(%arg14 : memref<!tpu.dma_semaphore, #tpu.memory_space<semaphore_mem>>) src(%dma_wait3A_279 : memref<32768x128xf32, #tpu.memory_space<hbm>>) dst(%arg11 : memref<128x128xf32, #tpu.memory_space<vmem>>)
    %gt3A = arith.constant 0 : i32
    %gt3A_280 = arith.cmpi sgt, %reduce_max3A_142, %gt3A : i32
    %multiple_of3A_281 = arith.constant 0 : i32
    %multiple_of3A_282 = tpu.assume_multiple %multiple_of3A_281, 8 : i32
    %get3A_283 = arith.index_cast %multiple_of3A_282 : i32 to index
    %get3A_284 = tpu.vector_load %arg8[%get3A_283] {strides = array<i32>} : memref<31744xi32, #tpu.memory_space<vmem>>, vector<16xi32>,
    %sub3A_285 = arith.constant 0 : i32
    %sub3A_286 = arith.subi %sub3A_285, %multiple_of3A_282 : i32
    %eq3A_287 = vector.broadcast %sub3A_286 : i32 to vector<16xi32>
    %eq3A_288 = arith.cmpi eq, %iota3A, %eq3A_287 : vector<16xi32>
    %jit3A_289 = arith.constant -1073741824 : i32
    %broadcast_in_dim3A_290 = vector.broadcast %jit3A_289 : i32 to vector<16xi32>
    %select_n3A_291 = arith.select %eq3A_288, %get3A_284, %broadcast_in_dim3A_290 : vector<16xi1>, vector<16xi32>
    %reduce_max3A_292 = arith.constant true
    %reduce_max3A_293 = vector.broadcast %reduce_max3A_292 : i1 to vector<16xi1>
    %reduce_max3A_294 = arith.constant -2147483648 : i32
    %reduce_max3A_295 = vector.broadcast %reduce_max3A_294 : i32 to vector<16xi32>
    %reduce_max3A_296 = arith.xori %select_n3A_291, %reduce_max3A_295 : vector<16xi32>
    %reduce_max3A_297 = tpu.scan <max>, %reduce_max3A_296 masked %reduce_max3A_293 : vector<16xi32>, vector<16xi1> -> vector<16xi32>
    %reduce_max3A_298 = arith.xori %reduce_max3A_297, %reduce_max3A_295 : vector<16xi32>
    %reduce_max3A_299 = vector.extract %reduce_max3A_298[15] : i32 from vector<16xi32>
    %jit3A_300 = arith.constant 1073741824 : i32
    %select_n3A_301 = arith.select %gt3A_280, %reduce_max3A_299, %jit3A_300 : i32
    %mul3A_302 = arith.constant 244 : i32
    %mul3A_303 = arith.muli %add3A, %mul3A_302 : i32
    %eq3A_304 = arith.constant 31 : i32
    %eq3A_305 = arith.cmpi eq, %add3A, %eq3A_304 : i32
    %jit3A_306 = arith.constant 248 : i32
    %jit3A_307 = arith.constant 244 : i32
    %select_n3A_308 = arith.select %eq3A_305, %jit3A_306, %jit3A_307 : i32
    %add3A_309 = arith.constant 0 : i32
    %add3A_310 = arith.addi %mul3A_303, %add3A_309 : i32
    %mul3A_311 = arith.constant 128 : i32
    %mul3A_312 = arith.muli %add3A_310, %mul3A_311 : i32
    %rem3A = arith.constant 0 : i32
    %rem3A_313 = arith.constant 5 : i32
    %rem3A_314 = arith.remsi %rem3A, %rem3A_313 : i32
    %dma_start3A_315 = arith.constant 0 : i32
    %dma_start3A_316 = arith.constant 0 : i32
    %dma_start3A_317 = tpu.memref_slice %arg12[%rem3A_314, %dma_start3A_315, %dma_start3A_316] : memref<5x64x128xf32, #tpu.memory_space<vmem>> -> memref<1x64x128xf32, #tpu.memory_space<vmem>>
    %dma_start3A_318 = tpu.memref_squeeze %dma_start3A_317 : memref<1x64x128xf32, #tpu.memory_space<vmem>> -> memref<64x128xf32, #tpu.memory_space<vmem>>
    %dma_start3A_319 = arith.constant 0 : i32
    %dma_start3A_320 = tpu.memref_slice %arg2[%dma_start3A_319, %mul3A_312] : memref<64x1000000xf32, #tpu.memory_space<hbm>> -> memref<64x128xf32, #tpu.memory_space<hbm>>
    %dma_start3A_321 = arith.constant 0 : i32
    %dma_start3A_322 = arith.constant 0 : i32
    %dma_start3A_323 = tpu.memref_slice %arg12[%rem3A_314, %dma_start3A_321, %dma_start3A_322] : memref<5x64x128xf32, #tpu.memory_space<vmem>> -> memref<1x64x128xf32, #tpu.memory_space<vmem>>
    %dma_start3A_324 = tpu.memref_squeeze %dma_start3A_323 : memref<1x64x128xf32, #tpu.memory_space<vmem>> -> memref<64x128xf32, #tpu.memory_space<vmem>>
    %dma_start3A_325 = arith.constant 0 : i32
    %dma_start3A_326 = tpu.memref_slice %arg2[%dma_start3A_325, %mul3A_312] : memref<64x1000000xf32, #tpu.memory_space<hbm>> -> memref<64x128xf32, #tpu.memory_space<hbm>>
    tpu.enqueue_dma source(%dma_start3A_326 : memref<64x128xf32, #tpu.memory_space<hbm>>) target(%dma_start3A_324 : memref<64x128xf32, #tpu.memory_space<vmem>>) target_semaphore(%arg15 : memref<!tpu.dma_semaphore, #tpu.memory_space<semaphore_mem>>)
    %add3A_327 = arith.constant 1 : i32
    %add3A_328 = arith.addi %mul3A_303, %add3A_327 : i32
    %mul3A_329 = arith.constant 128 : i32
    %mul3A_330 = arith.muli %add3A_328, %mul3A_329 : i32
    %rem3A_331 = arith.constant 1 : i32
    %rem3A_332 = arith.constant 5 : i32
    %rem3A_333 = arith.remsi %rem3A_331, %rem3A_332 : i32
    %dma_start3A_334 = arith.constant 0 : i32
    %dma_start3A_335 = arith.constant 0 : i32
    %dma_start3A_336 = tpu.memref_slice %arg12[%rem3A_333, %dma_start3A_334, %dma_start3A_335] : memref<5x64x128xf32, #tpu.memory_space<vmem>> -> memref<1x64x128xf32, #tpu.memory_space<vmem>>
    %dma_start3A_337 = tpu.memref_squeeze %dma_start3A_336 : memref<1x64x128xf32, #tpu.memory_space<vmem>> -> memref<64x128xf32, #tpu.memory_space<vmem>>
    %dma_start3A_338 = arith.constant 0 : i32
    %dma_start3A_339 = tpu.memref_slice %arg2[%dma_start3A_338, %mul3A_330] : memref<64x1000000xf32, #tpu.memory_space<hbm>> -> memref<64x128xf32, #tpu.memory_space<hbm>>
    %dma_start3A_340 = arith.constant 0 : i32
    %dma_start3A_341 = arith.constant 0 : i32
    %dma_start3A_342 = tpu.memref_slice %arg12[%rem3A_333, %dma_start3A_340, %dma_start3A_341] : memref<5x64x128xf32, #tpu.memory_space<vmem>> -> memref<1x64x128xf32, #tpu.memory_space<vmem>>
    %dma_start3A_343 = tpu.memref_squeeze %dma_start3A_342 : memref<1x64x128xf32, #tpu.memory_space<vmem>> -> memref<64x128xf32, #tpu.memory_space<vmem>>
    %dma_start3A_344 = arith.constant 0 : i32
    %dma_start3A_345 = tpu.memref_slice %arg2[%dma_start3A_344, %mul3A_330] : memref<64x1000000xf32, #tpu.memory_space<hbm>> -> memref<64x128xf32, #tpu.memory_space<hbm>>
    tpu.enqueue_dma source(%dma_start3A_345 : memref<64x128xf32, #tpu.memory_space<hbm>>) target(%dma_start3A_343 : memref<64x128xf32, #tpu.memory_space<vmem>>) target_semaphore(%arg15 : memref<!tpu.dma_semaphore, #tpu.memory_space<semaphore_mem>>)
    %add3A_346 = arith.constant 2 : i32
    %add3A_347 = arith.addi %mul3A_303, %add3A_346 : i32
    %mul3A_348 = arith.constant 128 : i32
    %mul3A_349 = arith.muli %add3A_347, %mul3A_348 : i32
    %rem3A_350 = arith.constant 2 : i32
    %rem3A_351 = arith.constant 5 : i32
    %rem3A_352 = arith.remsi %rem3A_350, %rem3A_351 : i32
    %dma_start3A_353 = arith.constant 0 : i32
    %dma_start3A_354 = arith.constant 0 : i32
    %dma_start3A_355 = tpu.memref_slice %arg12[%rem3A_352, %dma_start3A_353, %dma_start3A_354] : memref<5x64x128xf32, #tpu.memory_space<vmem>> -> memref<1x64x128xf32, #tpu.memory_space<vmem>>
    %dma_start3A_356 = tpu.memref_squeeze %dma_start3A_355 : memref<1x64x128xf32, #tpu.memory_space<vmem>> -> memref<64x128xf32, #tpu.memory_space<vmem>>
    %dma_start3A_357 = arith.constant 0 : i32
    %dma_start3A_358 = tpu.memref_slice %arg2[%dma_start3A_357, %mul3A_349] : memref<64x1000000xf32, #tpu.memory_space<hbm>> -> memref<64x128xf32, #tpu.memory_space<hbm>>
    %dma_start3A_359 = arith.constant 0 : i32
    %dma_start3A_360 = arith.constant 0 : i32
    %dma_start3A_361 = tpu.memref_slice %arg12[%rem3A_352, %dma_start3A_359, %dma_start3A_360] : memref<5x64x128xf32, #tpu.memory_space<vmem>> -> memref<1x64x128xf32, #tpu.memory_space<vmem>>
    %dma_start3A_362 = tpu.memref_squeeze %dma_start3A_361 : memref<1x64x128xf32, #tpu.memory_space<vmem>> -> memref<64x128xf32, #tpu.memory_space<vmem>>
    %dma_start3A_363 = arith.constant 0 : i32
    %dma_start3A_364 = tpu.memref_slice %arg2[%dma_start3A_363, %mul3A_349] : memref<64x1000000xf32, #tpu.memory_space<hbm>> -> memref<64x128xf32, #tpu.memory_space<hbm>>
    tpu.enqueue_dma source(%dma_start3A_364 : memref<64x128xf32, #tpu.memory_space<hbm>>) target(%dma_start3A_362 : memref<64x128xf32, #tpu.memory_space<vmem>>) target_semaphore(%arg15 : memref<!tpu.dma_semaphore, #tpu.memory_space<semaphore_mem>>)
    %while3A = arith.constant 0 : i32
    %while3A_365 = arith.constant 0 : i32
    %while3A_366 = arith.subi %select_n3A_308, %while3A : i32
    %while3A_367 = arith.addi %while3A, %while3A_366 : i32
    %while3A_368 = arith.constant 1 : i32
    %while3A_369 = arith.divsi %while3A_366, %while3A_368 : i32
    %while3A_370 = arith.muli %while3A_369, %while3A_368 : i32
    %while3A_371 = arith.addi %while3A, %while3A_370 : i32
    %while3A_372 = arith.constant 1 : i32
    %while3A_373:2 = scf.for %while3A_406 = %while3A to %while3A_371 step %while3A_372 iter_args(%while3A_407 = %while3A_365, %while3A_408 = %select_n3A_301) -> (i32, i32)  : i32 {
      %dma_wait3A_409 = arith.constant 0 : i32
      %dma_wait3A_410 = arith.constant 0 : i32
      %dma_wait3A_411 = arith.constant 0 : i32
      %dma_wait3A_412 = tpu.memref_slice %arg12[%dma_wait3A_409, %dma_wait3A_410, %dma_wait3A_411] : memref<5x64x128xf32, #tpu.memory_space<vmem>> -> memref<1x64x128xf32, #tpu.memory_space<vmem>>
      %dma_wait3A_413 = tpu.memref_squeeze %dma_wait3A_412 : memref<1x64x128xf32, #tpu.memory_space<vmem>> -> memref<64x128xf32, #tpu.memory_space<vmem>>
      %dma_wait3A_414 = arith.constant 0 : i32
      %dma_wait3A_415 = arith.constant 0 : i32
      %dma_wait3A_416 = tpu.memref_slice %arg2[%dma_wait3A_414, %dma_wait3A_415] : memref<64x1000000xf32, #tpu.memory_space<hbm>> -> memref<64x128xf32, #tpu.memory_space<hbm>>
      %dma_wait3A_417 = arith.constant 0 : i32
      %dma_wait3A_418 = arith.constant 0 : i32
      %dma_wait3A_419 = tpu.memref_slice %arg12[%dma_wait3A_409, %dma_wait3A_417, %dma_wait3A_418] : memref<5x64x128xf32, #tpu.memory_space<vmem>> -> memref<1x64x128xf32, #tpu.memory_space<vmem>>
      %dma_wait3A_420 = tpu.memref_squeeze %dma_wait3A_419 : memref<1x64x128xf32, #tpu.memory_space<vmem>> -> memref<64x128xf32, #tpu.memory_space<vmem>>
      %dma_wait3A_421 = arith.constant 0 : i32
      %dma_wait3A_422 = arith.constant 0 : i32
      %dma_wait3A_423 = tpu.memref_slice %arg2[%dma_wait3A_421, %dma_wait3A_422] : memref<64x1000000xf32, #tpu.memory_space<hbm>> -> memref<64x128xf32, #tpu.memory_space<hbm>>
      tpu.wait_dma2 semaphore(%arg15 : memref<!tpu.dma_semaphore, #tpu.memory_space<semaphore_mem>>) src(%dma_wait3A_423 : memref<64x128xf32, #tpu.memory_space<hbm>>) dst(%dma_wait3A_420 : memref<64x128xf32, #tpu.memory_space<vmem>>)
      %rem3A_424 = arith.constant 5 : i32
      %rem3A_425 = arith.remsi %while3A_406, %rem3A_424 : i32
      %add3A_426 = arith.constant 1 : i32
      %add3A_427 = arith.addi %while3A_406, %add3A_426 : i32
      %mul3A_428 = arith.constant 128 : i32
      %mul3A_429 = arith.muli %add3A_427, %mul3A_428 : i32
      %while3A_430:2 = scf.while (%while3A_453 = %while3A_407, %while3A_454 = %while3A_408) : (i32, i32) -> (i32, i32) {
        %lt3A_455 = arith.cmpi slt, %while3A_453, %reduce_max3A_142 : i32
        %lt3A_456 = arith.cmpi slt, %while3A_454, %mul3A_429 : i32
        %and3A = arith.andi %lt3A_455, %lt3A_456 : i1
        scf.condition(%and3A) %while3A_453, %while3A_454 : i32, i32
      } do {
      ^bb0(%while3A_453: i32, %while3A_454: i32):
        %jit3A_455 = arith.constant 128 : i32
        %eq3A_456 = arith.constant 0 : i32
        %eq3A_457 = arith.cmpi eq, %jit3A_455, %eq3A_456 : i32
        %jit3A_458 = arith.constant 1 : i32
        %select_n3A_459 = arith.select %eq3A_457, %jit3A_458, %jit3A_455 : i32
        %rem3A_460 = arith.remsi %while3A_453, %select_n3A_459 : i32
        %ne3A = arith.constant 0 : i32
        %ne3A_461 = arith.cmpi ne, %rem3A_460, %ne3A : i32
        %lt3A_462 = arith.constant 0 : i32
        %lt3A_463 = arith.cmpi slt, %rem3A_460, %lt3A_462 : i32
        %lt3A_464 = arith.constant 0 : i32
        %lt3A_465 = arith.cmpi slt, %select_n3A_459, %lt3A_464 : i32
        %ne3A_466 = arith.xori %lt3A_463, %lt3A_465 : i1
        %and3A = arith.andi %ne3A_466, %ne3A_461 : i1
        %add3A_467 = arith.addi %rem3A_460, %select_n3A_459 : i32
        %select_n3A_468 = arith.select %and3A, %add3A_467, %rem3A_460 : i32
        %broadcast_in_dim3A_469 = vector.broadcast %select_n3A_468 : i32 to vector<16xi32>
        %and3A_470 = arith.constant 127 : i32
        %and3A_471 = arith.andi %while3A_454, %and3A_470 : i32
        %broadcast_in_dim3A_472 = vector.broadcast %and3A_471 : i32 to vector<16xi32>
        %broadcast_in_dim3A_473 = vector.broadcast %rem3A_425 : i32 to vector<16xi32>
        %add3A_474 = arith.constant 0 : i32
        %add3A_475 = vector.broadcast %add3A_474 : i32 to vector<16xi32>
        %add3A_476 = arith.addi %add3A_475, %iota3A : vector<16xi32>
        %gather3A_477 = tpu.vector_load_idx %arg11[%broadcast_in_dim3A_469, %add3A_476] : memref<128x128xf32, #tpu.memory_space<vmem>>[vector<16xi32>, vector<16xi32>], vector<16xf32>,
        %add3A_478 = arith.constant 0 : i32
        %add3A_479 = vector.broadcast %add3A_478 : i32 to vector<16xi32>
        %add3A_480 = arith.addi %add3A_479, %iota3A : vector<16xi32>
        tpu.vector_store_idx %arg12[%broadcast_in_dim3A_473, %add3A_480, %broadcast_in_dim3A_472], %gather3A_477 : memref<5x64x128xf32, #tpu.memory_space<vmem>>[vector<16xi32>, vector<16xi32>, vector<16xi32>], vector<16xf32>,
        %add3A_481 = arith.constant 16 : i32
        %add3A_482 = vector.broadcast %add3A_481 : i32 to vector<16xi32>
        %add3A_483 = arith.addi %add3A_482, %iota3A : vector<16xi32>
        %gather3A_484 = tpu.vector_load_idx %arg11[%broadcast_in_dim3A_469, %add3A_483] : memref<128x128xf32, #tpu.memory_space<vmem>>[vector<16xi32>, vector<16xi32>], vector<16xf32>,
        %add3A_485 = arith.constant 16 : i32
        %add3A_486 = vector.broadcast %add3A_485 : i32 to vector<16xi32>
        %add3A_487 = arith.addi %add3A_486, %iota3A : vector<16xi32>
        tpu.vector_store_idx %arg12[%broadcast_in_dim3A_473, %add3A_487, %broadcast_in_dim3A_472], %gather3A_484 : memref<5x64x128xf32, #tpu.memory_space<vmem>>[vector<16xi32>, vector<16xi32>, vector<16xi32>], vector<16xf32>,
        %add3A_488 = arith.constant 32 : i32
        %add3A_489 = vector.broadcast %add3A_488 : i32 to vector<16xi32>
        %add3A_490 = arith.addi %add3A_489, %iota3A : vector<16xi32>
        %gather3A_491 = tpu.vector_load_idx %arg11[%broadcast_in_dim3A_469, %add3A_490] : memref<128x128xf32, #tpu.memory_space<vmem>>[vector<16xi32>, vector<16xi32>], vector<16xf32>,
        %add3A_492 = arith.constant 32 : i32
        %add3A_493 = vector.broadcast %add3A_492 : i32 to vector<16xi32>
        %add3A_494 = arith.addi %add3A_493, %iota3A : vector<16xi32>
        tpu.vector_store_idx %arg12[%broadcast_in_dim3A_473, %add3A_494, %broadcast_in_dim3A_472], %gather3A_491 : memref<5x64x128xf32, #tpu.memory_space<vmem>>[vector<16xi32>, vector<16xi32>, vector<16xi32>], vector<16xf32>,
        %add3A_495 = arith.constant 48 : i32
        %add3A_496 = vector.broadcast %add3A_495 : i32 to vector<16xi32>
        %add3A_497 = arith.addi %add3A_496, %iota3A : vector<16xi32>
        %gather3A_498 = tpu.vector_load_idx %arg11[%broadcast_in_dim3A_469, %add3A_497] : memref<128x128xf32, #tpu.memory_space<vmem>>[vector<16xi32>, vector<16xi32>], vector<16xf32>,
        %add3A_499 = arith.constant 48 : i32
        %add3A_500 = vector.broadcast %add3A_499 : i32 to vector<16xi32>
        %add3A_501 = arith.addi %add3A_500, %iota3A : vector<16xi32>
        tpu.vector_store_idx %arg12[%broadcast_in_dim3A_473, %add3A_501, %broadcast_in_dim3A_472], %gather3A_498 : memref<5x64x128xf32, #tpu.memory_space<vmem>>[vector<16xi32>, vector<16xi32>, vector<16xi32>], vector<16xf32>,
        %add3A_502 = arith.constant 1 : i32
        %add3A_503 = arith.addi %while3A_453, %add3A_502 : i32
        %jit3A_504 = arith.constant 128 : i32
        %eq3A_505 = arith.constant 0 : i32
        %eq3A_506 = arith.cmpi eq, %jit3A_504, %eq3A_505 : i32
        %jit3A_507 = arith.constant 1 : i32
        %select_n3A_508 = arith.select %eq3A_506, %jit3A_507, %jit3A_504 : i32
        %rem3A_509 = arith.remsi %add3A_503, %select_n3A_508 : i32
        %ne3A_510 = arith.constant 0 : i32
        %ne3A_511 = arith.cmpi ne, %rem3A_509, %ne3A_510 : i32
        %lt3A_512 = arith.constant 0 : i32
        %lt3A_513 = arith.cmpi slt, %rem3A_509, %lt3A_512 : i32
        %lt3A_514 = arith.constant 0 : i32
        %lt3A_515 = arith.cmpi slt, %select_n3A_508, %lt3A_514 : i32
        %ne3A_516 = arith.xori %lt3A_513, %lt3A_515 : i1
        %and3A_517 = arith.andi %ne3A_516, %ne3A_511 : i1
        %add3A_518 = arith.addi %rem3A_509, %select_n3A_508 : i32
        %select_n3A_519 = arith.select %and3A_517, %add3A_518, %rem3A_509 : i32
        %eq3A_520 = arith.constant 0 : i32
        %eq3A_521 = arith.cmpi eq, %select_n3A_519, %eq3A_520 : i32
        %lt3A_522 = arith.cmpi slt, %add3A_503, %reduce_max3A_142 : i32
        %and3A_523 = arith.andi %eq3A_521, %lt3A_522 : i1
        %convert_element_type3A_524 = arith.extui %and3A_523 : i1 to i32
        %cond3A_525 = arith.constant 0 : i32
        %cond3A_526 = arith.cmpi ne, %convert_element_type3A_524, %cond3A_525 : i32
        scf.if %cond3A_526 {
          %multiple_of3A_571 = tpu.assume_multiple %add3A_503, 128 : i32
          %add3A_572 = arith.constant 0 : i32
          %add3A_573 = arith.addi %multiple_of3A_571, %add3A_572 : i32
          %get3A_574 = arith.index_cast %add3A_573 : i32 to index
          %get3A_575 = tpu.vector_load %arg8[%get3A_574] {strides = array<i32>} : memref<31744xi32, #tpu.memory_space<vmem>>, vector<16xi32>,
          %sub3A_576 = arith.constant 1 : i32
          %sub3A_577 = arith.subi %select_n3A, %sub3A_576 : i32
          %jit3A_578 = arith.constant 0 : i32
          %max3A_579 = vector.broadcast %jit3A_578 : i32 to vector<16xi32>
          %max3A_580 = arith.maxsi %max3A_579, %get3A_575 : vector<16xi32>
          %min3A_581 = vector.broadcast %sub3A_577 : i32 to vector<16xi32>
          %min3A_582 = arith.minsi %min3A_581, %max3A_580 : vector<16xi32>
          %gather3A_583 = tpu.vector_load_idx %arg7[%min3A_582] : memref<31744xi32, #tpu.memory_space<vmem>>[vector<16xi32>], vector<16xi32>,
          %max3A_584 = arith.constant 0 : i32
          %max3A_585 = vector.broadcast %max3A_584 : i32 to vector<16xi32>
          %max3A_586 = arith.maxsi %gather3A_583, %max3A_585 : vector<16xi32>
          %swap3A_587 = arith.constant 0 : index
          %swap3A_588 = tpu.vector_load %arg10[%swap3A_587] {strides = array<i32>} : memref<128xi32, #tpu.memory_space<vmem>>, vector<16xi32>,
          tpu.vector_store %arg10[%swap3A_587], %max3A_586 {strides = array<i32>} : memref<128xi32, #tpu.memory_space<vmem>>, vector<16xi32>,
          %add3A_589 = arith.constant 16 : i32
          %add3A_590 = arith.addi %multiple_of3A_571, %add3A_589 : i32
          %get3A_591 = arith.index_cast %add3A_590 : i32 to index
          %get3A_592 = tpu.vector_load %arg8[%get3A_591] {strides = array<i32>} : memref<31744xi32, #tpu.memory_space<vmem>>, vector<16xi32>,
          %sub3A_593 = arith.constant 1 : i32
          %sub3A_594 = arith.subi %select_n3A, %sub3A_593 : i32
          %jit3A_595 = arith.constant 0 : i32
          %max3A_596 = vector.broadcast %jit3A_595 : i32 to vector<16xi32>
          %max3A_597 = arith.maxsi %max3A_596, %get3A_592 : vector<16xi32>
          %min3A_598 = vector.broadcast %sub3A_594 : i32 to vector<16xi32>
          %min3A_599 = arith.minsi %min3A_598, %max3A_597 : vector<16xi32>
          %gather3A_600 = tpu.vector_load_idx %arg7[%min3A_599] : memref<31744xi32, #tpu.memory_space<vmem>>[vector<16xi32>], vector<16xi32>,
          %max3A_601 = arith.constant 0 : i32
          %max3A_602 = vector.broadcast %max3A_601 : i32 to vector<16xi32>
          %max3A_603 = arith.maxsi %gather3A_600, %max3A_602 : vector<16xi32>
          %swap3A_604 = arith.constant 16 : index
          %swap3A_605 = tpu.vector_load %arg10[%swap3A_604] {strides = array<i32>} : memref<128xi32, #tpu.memory_space<vmem>>, vector<16xi32>,
          tpu.vector_store %arg10[%swap3A_604], %max3A_603 {strides = array<i32>} : memref<128xi32, #tpu.memory_space<vmem>>, vector<16xi32>,
          %add3A_606 = arith.constant 32 : i32
          %add3A_607 = arith.addi %multiple_of3A_571, %add3A_606 : i32
          %get3A_608 = arith.index_cast %add3A_607 : i32 to index
          %get3A_609 = tpu.vector_load %arg8[%get3A_608] {strides = array<i32>} : memref<31744xi32, #tpu.memory_space<vmem>>, vector<16xi32>,
          %sub3A_610 = arith.constant 1 : i32
          %sub3A_611 = arith.subi %select_n3A, %sub3A_610 : i32
          %jit3A_612 = arith.constant 0 : i32
          %max3A_613 = vector.broadcast %jit3A_612 : i32 to vector<16xi32>
          %max3A_614 = arith.maxsi %max3A_613, %get3A_609 : vector<16xi32>
          %min3A_615 = vector.broadcast %sub3A_611 : i32 to vector<16xi32>
          %min3A_616 = arith.minsi %min3A_615, %max3A_614 : vector<16xi32>
          %gather3A_617 = tpu.vector_load_idx %arg7[%min3A_616] : memref<31744xi32, #tpu.memory_space<vmem>>[vector<16xi32>], vector<16xi32>,
          %max3A_618 = arith.constant 0 : i32
          %max3A_619 = vector.broadcast %max3A_618 : i32 to vector<16xi32>
          %max3A_620 = arith.maxsi %gather3A_617, %max3A_619 : vector<16xi32>
          %swap3A_621 = arith.constant 32 : index
          %swap3A_622 = tpu.vector_load %arg10[%swap3A_621] {strides = array<i32>} : memref<128xi32, #tpu.memory_space<vmem>>, vector<16xi32>,
          tpu.vector_store %arg10[%swap3A_621], %max3A_620 {strides = array<i32>} : memref<128xi32, #tpu.memory_space<vmem>>, vector<16xi32>,
          %add3A_623 = arith.constant 48 : i32
          %add3A_624 = arith.addi %multiple_of3A_571, %add3A_623 : i32
          %get3A_625 = arith.index_cast %add3A_624 : i32 to index
          %get3A_626 = tpu.vector_load %arg8[%get3A_625] {strides = array<i32>} : memref<31744xi32, #tpu.memory_space<vmem>>, vector<16xi32>,
          %sub3A_627 = arith.constant 1 : i32
          %sub3A_628 = arith.subi %select_n3A, %sub3A_627 : i32
          %jit3A_629 = arith.constant 0 : i32
          %max3A_630 = vector.broadcast %jit3A_629 : i32 to vector<16xi32>
          %max3A_631 = arith.maxsi %max3A_630, %get3A_626 : vector<16xi32>
          %min3A_632 = vector.broadcast %sub3A_628 : i32 to vector<16xi32>
          %min3A_633 = arith.minsi %min3A_632, %max3A_631 : vector<16xi32>
          %gather3A_634 = tpu.vector_load_idx %arg7[%min3A_633] : memref<31744xi32, #tpu.memory_space<vmem>>[vector<16xi32>], vector<16xi32>,
          %max3A_635 = arith.constant 0 : i32
          %max3A_636 = vector.broadcast %max3A_635 : i32 to vector<16xi32>
          %max3A_637 = arith.maxsi %gather3A_634, %max3A_636 : vector<16xi32>
          %swap3A_638 = arith.constant 48 : index
          %swap3A_639 = tpu.vector_load %arg10[%swap3A_638] {strides = array<i32>} : memref<128xi32, #tpu.memory_space<vmem>>, vector<16xi32>,
          tpu.vector_store %arg10[%swap3A_638], %max3A_637 {strides = array<i32>} : memref<128xi32, #tpu.memory_space<vmem>>, vector<16xi32>,
          %add3A_640 = arith.constant 64 : i32
          %add3A_641 = arith.addi %multiple_of3A_571, %add3A_640 : i32
          %get3A_642 = arith.index_cast %add3A_641 : i32 to index
          %get3A_643 = tpu.vector_load %arg8[%get3A_642] {strides = array<i32>} : memref<31744xi32, #tpu.memory_space<vmem>>, vector<16xi32>,
          %sub3A_644 = arith.constant 1 : i32
          %sub3A_645 = arith.subi %select_n3A, %sub3A_644 : i32
          %jit3A_646 = arith.constant 0 : i32
          %max3A_647 = vector.broadcast %jit3A_646 : i32 to vector<16xi32>
          %max3A_648 = arith.maxsi %max3A_647, %get3A_643 : vector<16xi32>
          %min3A_649 = vector.broadcast %sub3A_645 : i32 to vector<16xi32>
          %min3A_650 = arith.minsi %min3A_649, %max3A_648 : vector<16xi32>
          %gather3A_651 = tpu.vector_load_idx %arg7[%min3A_650] : memref<31744xi32, #tpu.memory_space<vmem>>[vector<16xi32>], vector<16xi32>,
          %max3A_652 = arith.constant 0 : i32
          %max3A_653 = vector.broadcast %max3A_652 : i32 to vector<16xi32>
          %max3A_654 = arith.maxsi %gather3A_651, %max3A_653 : vector<16xi32>
          %swap3A_655 = arith.constant 64 : index
          %swap3A_656 = tpu.vector_load %arg10[%swap3A_655] {strides = array<i32>} : memref<128xi32, #tpu.memory_space<vmem>>, vector<16xi32>,
          tpu.vector_store %arg10[%swap3A_655], %max3A_654 {strides = array<i32>} : memref<128xi32, #tpu.memory_space<vmem>>, vector<16xi32>,
          %add3A_657 = arith.constant 80 : i32
          %add3A_658 = arith.addi %multiple_of3A_571, %add3A_657 : i32
          %get3A_659 = arith.index_cast %add3A_658 : i32 to index
          %get3A_660 = tpu.vector_load %arg8[%get3A_659] {strides = array<i32>} : memref<31744xi32, #tpu.memory_space<vmem>>, vector<16xi32>,
          %sub3A_661 = arith.constant 1 : i32
          %sub3A_662 = arith.subi %select_n3A, %sub3A_661 : i32
          %jit3A_663 = arith.constant 0 : i32
          %max3A_664 = vector.broadcast %jit3A_663 : i32 to vector<16xi32>
          %max3A_665 = arith.maxsi %max3A_664, %get3A_660 : vector<16xi32>
          %min3A_666 = vector.broadcast %sub3A_662 : i32 to vector<16xi32>
          %min3A_667 = arith.minsi %min3A_666, %max3A_665 : vector<16xi32>
          %gather3A_668 = tpu.vector_load_idx %arg7[%min3A_667] : memref<31744xi32, #tpu.memory_space<vmem>>[vector<16xi32>], vector<16xi32>,
          %max3A_669 = arith.constant 0 : i32
          %max3A_670 = vector.broadcast %max3A_669 : i32 to vector<16xi32>
          %max3A_671 = arith.maxsi %gather3A_668, %max3A_670 : vector<16xi32>
          %swap3A_672 = arith.constant 80 : index
          %swap3A_673 = tpu.vector_load %arg10[%swap3A_672] {strides = array<i32>} : memref<128xi32, #tpu.memory_space<vmem>>, vector<16xi32>,
          tpu.vector_store %arg10[%swap3A_672], %max3A_671 {strides = array<i32>} : memref<128xi32, #tpu.memory_space<vmem>>, vector<16xi32>,
          %add3A_674 = arith.constant 96 : i32
          %add3A_675 = arith.addi %multiple_of3A_571, %add3A_674 : i32
          %get3A_676 = arith.index_cast %add3A_675 : i32 to index
          %get3A_677 = tpu.vector_load %arg8[%get3A_676] {strides = array<i32>} : memref<31744xi32, #tpu.memory_space<vmem>>, vector<16xi32>,
          %sub3A_678 = arith.constant 1 : i32
          %sub3A_679 = arith.subi %select_n3A, %sub3A_678 : i32
          %jit3A_680 = arith.constant 0 : i32
          %max3A_681 = vector.broadcast %jit3A_680 : i32 to vector<16xi32>
          %max3A_682 = arith.maxsi %max3A_681, %get3A_677 : vector<16xi32>
          %min3A_683 = vector.broadcast %sub3A_679 : i32 to vector<16xi32>
          %min3A_684 = arith.minsi %min3A_683, %max3A_682 : vector<16xi32>
          %gather3A_685 = tpu.vector_load_idx %arg7[%min3A_684] : memref<31744xi32, #tpu.memory_space<vmem>>[vector<16xi32>], vector<16xi32>,
          %max3A_686 = arith.constant 0 : i32
          %max3A_687 = vector.broadcast %max3A_686 : i32 to vector<16xi32>
          %max3A_688 = arith.maxsi %gather3A_685, %max3A_687 : vector<16xi32>
          %swap3A_689 = arith.constant 96 : index
          %swap3A_690 = tpu.vector_load %arg10[%swap3A_689] {strides = array<i32>} : memref<128xi32, #tpu.memory_space<vmem>>, vector<16xi32>,
          tpu.vector_store %arg10[%swap3A_689], %max3A_688 {strides = array<i32>} : memref<128xi32, #tpu.memory_space<vmem>>, vector<16xi32>,
          %add3A_691 = arith.constant 112 : i32
          %add3A_692 = arith.addi %multiple_of3A_571, %add3A_691 : i32
          %get3A_693 = arith.index_cast %add3A_692 : i32 to index
          %get3A_694 = tpu.vector_load %arg8[%get3A_693] {strides = array<i32>} : memref<31744xi32, #tpu.memory_space<vmem>>, vector<16xi32>,
          %sub3A_695 = arith.constant 1 : i32
          %sub3A_696 = arith.subi %select_n3A, %sub3A_695 : i32
          %jit3A_697 = arith.constant 0 : i32
          %max3A_698 = vector.broadcast %jit3A_697 : i32 to vector<16xi32>
          %max3A_699 = arith.maxsi %max3A_698, %get3A_694 : vector<16xi32>
          %min3A_700 = vector.broadcast %sub3A_696 : i32 to vector<16xi32>
          %min3A_701 = arith.minsi %min3A_700, %max3A_699 : vector<16xi32>
          %gather3A_702 = tpu.vector_load_idx %arg7[%min3A_701] : memref<31744xi32, #tpu.memory_space<vmem>>[vector<16xi32>], vector<16xi32>,
          %max3A_703 = arith.constant 0 : i32
          %max3A_704 = vector.broadcast %max3A_703 : i32 to vector<16xi32>
          %max3A_705 = arith.maxsi %gather3A_702, %max3A_704 : vector<16xi32>
          %swap3A_706 = arith.constant 112 : index
          %swap3A_707 = tpu.vector_load %arg10[%swap3A_706] {strides = array<i32>} : memref<128xi32, #tpu.memory_space<vmem>>, vector<16xi32>,
          tpu.vector_store %arg10[%swap3A_706], %max3A_705 {strides = array<i32>} : memref<128xi32, #tpu.memory_space<vmem>>, vector<16xi32>,
          %dma_start3A_708 = arith.constant 0 : i32
          %dma_start3A_709 = arith.constant 0 : i32
          %dma_start3A_710 = tpu.memref_slice %arg5[%dma_start3A_708, %dma_start3A_709] : memref<32768x128xf32, #tpu.memory_space<hbm>> -> memref<32768x128xf32, #tpu.memory_space<hbm>>
          tpu.enqueue_indirect_dma source(%dma_start3A_710 : memref<32768x128xf32, #tpu.memory_space<hbm>>) target(%arg11 : memref<128x128xf32, #tpu.memory_space<vmem>>) offsets(%arg10 : memref<128xi32, #tpu.memory_space<vmem>>) semaphore(%arg14 : memref<!tpu.dma_semaphore, #tpu.memory_space<semaphore_mem>>)
          %dma_wait3A_711 = arith.constant 0 : i32
          %dma_wait3A_712 = arith.constant 0 : i32
          %dma_wait3A_713 = tpu.memref_slice %arg5[%dma_wait3A_711, %dma_wait3A_712] : memref<32768x128xf32, #tpu.memory_space<hbm>> -> memref<32768x128xf32, #tpu.memory_space<hbm>>
          tpu.wait_indirect_dma semaphore(%arg14 : memref<!tpu.dma_semaphore, #tpu.memory_space<semaphore_mem>>) src(%dma_wait3A_713 : memref<32768x128xf32, #tpu.memory_space<hbm>>) dst(%arg11 : memref<128x128xf32, #tpu.memory_space<vmem>>)
        } else {
        }
        %lt3A_527 = arith.cmpi slt, %add3A_503, %reduce_max3A_142 : i32
        %jit3A_528 = arith.constant 16 : i32
        %div3A = arith.divsi %add3A_503, %jit3A_528 : i32
        %sign3A = arith.constant 0 : i32
        %sign3A_529 = arith.cmpi sgt, %add3A_503, %sign3A : i32
        %sign3A_530 = arith.extui %sign3A_529 : i1 to i32
        %sign3A_531 = arith.constant 0 : i32
        %sign3A_532 = arith.cmpi slt, %add3A_503, %sign3A_531 : i32
        %sign3A_533 = arith.extui %sign3A_532 : i1 to i32
        %sign3A_534 = arith.subi %sign3A_530, %sign3A_533 : i32
        %sign3A_535 = arith.constant 0 : i32
        %sign3A_536 = arith.cmpi sgt, %jit3A_528, %sign3A_535 : i32
        %sign3A_537 = arith.extui %sign3A_536 : i1 to i32
        %sign3A_538 = arith.constant 0 : i32
        %sign3A_539 = arith.cmpi slt, %jit3A_528, %sign3A_538 : i32
        %sign3A_540 = arith.extui %sign3A_539 : i1 to i32
        %sign3A_541 = arith.subi %sign3A_537, %sign3A_540 : i32
        %ne3A_542 = arith.cmpi ne, %sign3A_534, %sign3A_541 : i32
        %rem3A_543 = arith.remsi %add3A_503, %jit3A_528 : i32
        %ne3A_544 = arith.constant 0 : i32
        %ne3A_545 = arith.cmpi ne, %rem3A_543, %ne3A_544 : i32
        %and3A_546 = arith.andi %ne3A_542, %ne3A_545 : i1
        %sub3A_547 = arith.constant 1 : i32
        %sub3A_548 = arith.subi %div3A, %sub3A_547 : i32
        %select_n3A_549 = arith.select %and3A_546, %sub3A_548, %div3A : i32
        %mul3A_550 = arith.constant 16 : i32
        %mul3A_551 = arith.muli %select_n3A_549, %mul3A_550 : i32
        %multiple_of3A_552 = tpu.assume_multiple %mul3A_551, 8 : i32
        %get3A_553 = arith.index_cast %multiple_of3A_552 : i32 to index
        %get3A_554 = tpu.vector_load %arg8[%get3A_553] {strides = array<i32>} : memref<31744xi32, #tpu.memory_space<vmem>>, vector<16xi32>,
        %sub3A_555 = arith.subi %add3A_503, %multiple_of3A_552 : i32
        %eq3A_556 = vector.broadcast %sub3A_555 : i32 to vector<16xi32>
        %eq3A_557 = arith.cmpi eq, %iota3A, %eq3A_556 : vector<16xi32>
        %jit3A_558 = arith.constant -1073741824 : i32
        %broadcast_in_dim3A_559 = vector.broadcast %jit3A_558 : i32 to vector<16xi32>
        %select_n3A_560 = arith.select %eq3A_557, %get3A_554, %broadcast_in_dim3A_559 : vector<16xi1>, vector<16xi32>
        %reduce_max3A_561 = arith.constant true
        %reduce_max3A_562 = vector.broadcast %reduce_max3A_561 : i1 to vector<16xi1>
        %reduce_max3A_563 = arith.constant -2147483648 : i32
        %reduce_max3A_564 = vector.broadcast %reduce_max3A_563 : i32 to vector<16xi32>
        %reduce_max3A_565 = arith.xori %select_n3A_560, %reduce_max3A_564 : vector<16xi32>
        %reduce_max3A_566 = tpu.scan <max>, %reduce_max3A_565 masked %reduce_max3A_562 : vector<16xi32>, vector<16xi1> -> vector<16xi32>
        %reduce_max3A_567 = arith.xori %reduce_max3A_566, %reduce_max3A_564 : vector<16xi32>
        %reduce_max3A_568 = vector.extract %reduce_max3A_567[15] : i32 from vector<16xi32>
        %jit3A_569 = arith.constant 1073741824 : i32
        %select_n3A_570 = arith.select %lt3A_527, %reduce_max3A_568, %jit3A_569 : i32
        scf.yield %add3A_503, %select_n3A_570 : i32, i32
      }
      %add3A_431 = arith.addi %mul3A_303, %while3A_406 : i32
      %mul3A_432 = arith.constant 128 : i32
      %mul3A_433 = arith.muli %add3A_431, %mul3A_432 : i32
      %dma_start3A_434 = arith.constant 0 : i32
      %dma_start3A_435 = arith.constant 0 : i32
      %dma_start3A_436 = tpu.memref_slice %arg12[%rem3A_425, %dma_start3A_434, %dma_start3A_435] : memref<5x64x128xf32, #tpu.memory_space<vmem>> -> memref<1x64x128xf32, #tpu.memory_space<vmem>>
      %dma_start3A_437 = tpu.memref_squeeze %dma_start3A_436 : memref<1x64x128xf32, #tpu.memory_space<vmem>> -> memref<64x128xf32, #tpu.memory_space<vmem>>
      %dma_start3A_438 = arith.constant 0 : i32
      %dma_start3A_439 = tpu.memref_slice %arg6[%dma_start3A_438, %mul3A_433] : memref<64x1000000xf32, #tpu.memory_space<hbm>> -> memref<64x128xf32, #tpu.memory_space<hbm>>
      %dma_start3A_440 = arith.constant 0 : i32
      %dma_start3A_441 = tpu.memref_slice %arg6[%dma_start3A_440, %mul3A_433] : memref<64x1000000xf32, #tpu.memory_space<hbm>> -> memref<64x128xf32, #tpu.memory_space<hbm>>
      %dma_start3A_442 = arith.constant 0 : i32
      %dma_start3A_443 = arith.constant 0 : i32
      %dma_start3A_444 = tpu.memref_slice %arg12[%rem3A_425, %dma_start3A_442, %dma_start3A_443] : memref<5x64x128xf32, #tpu.memory_space<vmem>> -> memref<1x64x128xf32, #tpu.memory_space<vmem>>
      %dma_start3A_445 = tpu.memref_squeeze %dma_start3A_444 : memref<1x64x128xf32, #tpu.memory_space<vmem>> -> memref<64x128xf32, #tpu.memory_space<vmem>>
      tpu.enqueue_dma source(%dma_start3A_445 : memref<64x128xf32, #tpu.memory_space<vmem>>) target(%dma_start3A_441 : memref<64x128xf32, #tpu.memory_space<hbm>>) target_semaphore(%arg16 : memref<!tpu.dma_semaphore, #tpu.memory_space<semaphore_mem>>)
      %ge3A = arith.constant 2 : i32
      %ge3A_446 = arith.cmpi sge, %while3A_406, %ge3A : i32
      %convert_element_type3A = arith.extui %ge3A_446 : i1 to i32
      %cond3A = arith.constant 0 : i32
      %cond3A_447 = arith.cmpi ne, %convert_element_type3A, %cond3A : i32
      scf.if %cond3A_447 {
        %dma_wait3A_453 = arith.constant 0 : i32
        %dma_wait3A_454 = arith.constant 0 : i32
        %dma_wait3A_455 = arith.constant 0 : i32
        %dma_wait3A_456 = tpu.memref_slice %arg12[%dma_wait3A_453, %dma_wait3A_454, %dma_wait3A_455] : memref<5x64x128xf32, #tpu.memory_space<vmem>> -> memref<1x64x128xf32, #tpu.memory_space<vmem>>
        %dma_wait3A_457 = tpu.memref_squeeze %dma_wait3A_456 : memref<1x64x128xf32, #tpu.memory_space<vmem>> -> memref<64x128xf32, #tpu.memory_space<vmem>>
        %dma_wait3A_458 = arith.constant 0 : i32
        %dma_wait3A_459 = arith.constant 0 : i32
        %dma_wait3A_460 = tpu.memref_slice %arg6[%dma_wait3A_458, %dma_wait3A_459] : memref<64x1000000xf32, #tpu.memory_space<hbm>> -> memref<64x128xf32, #tpu.memory_space<hbm>>
        %dma_wait3A_461 = arith.constant 0 : i32
        %dma_wait3A_462 = arith.constant 0 : i32
        %dma_wait3A_463 = tpu.memref_slice %arg6[%dma_wait3A_461, %dma_wait3A_462] : memref<64x1000000xf32, #tpu.memory_space<hbm>> -> memref<64x128xf32, #tpu.memory_space<hbm>>
        %dma_wait3A_464 = arith.constant 0 : i32
        %dma_wait3A_465 = arith.constant 0 : i32
        %dma_wait3A_466 = tpu.memref_slice %arg12[%dma_wait3A_453, %dma_wait3A_464, %dma_wait3A_465] : memref<5x64x128xf32, #tpu.memory_space<vmem>> -> memref<1x64x128xf32, #tpu.memory_space<vmem>>
        %dma_wait3A_467 = tpu.memref_squeeze %dma_wait3A_466 : memref<1x64x128xf32, #tpu.memory_space<vmem>> -> memref<64x128xf32, #tpu.memory_space<vmem>>
        tpu.wait_dma2 semaphore(%arg16 : memref<!tpu.dma_semaphore, #tpu.memory_space<semaphore_mem>>) src(%dma_wait3A_467 : memref<64x128xf32, #tpu.memory_space<vmem>>) dst(%dma_wait3A_463 : memref<64x128xf32, #tpu.memory_space<hbm>>)
      } else {
      }
      %add3A_448 = arith.constant 3 : i32
      %add3A_449 = arith.addi %while3A_406, %add3A_448 : i32
      %lt3A = arith.cmpi slt, %add3A_449, %select_n3A_308 : i32
      %convert_element_type3A_450 = arith.extui %lt3A : i1 to i32
      %cond3A_451 = arith.constant 0 : i32
      %cond3A_452 = arith.cmpi ne, %convert_element_type3A_450, %cond3A_451 : i32
      scf.if %cond3A_452 {
        %add3A_453 = arith.constant 3 : i32
        %add3A_454 = arith.addi %while3A_406, %add3A_453 : i32
        %add3A_455 = arith.addi %mul3A_303, %add3A_454 : i32
        %mul3A_456 = arith.constant 128 : i32
        %mul3A_457 = arith.muli %add3A_455, %mul3A_456 : i32
        %rem3A_458 = arith.constant 5 : i32
        %rem3A_459 = arith.remsi %add3A_454, %rem3A_458 : i32
        %dma_start3A_460 = arith.constant 0 : i32
        %dma_start3A_461 = arith.constant 0 : i32
        %dma_start3A_462 = tpu.memref_slice %arg12[%rem3A_459, %dma_start3A_460, %dma_start3A_461] : memref<5x64x128xf32, #tpu.memory_space<vmem>> -> memref<1x64x128xf32, #tpu.memory_space<vmem>>
        %dma_start3A_463 = tpu.memref_squeeze %dma_start3A_462 : memref<1x64x128xf32, #tpu.memory_space<vmem>> -> memref<64x128xf32, #tpu.memory_space<vmem>>
        %dma_start3A_464 = arith.constant 0 : i32
        %dma_start3A_465 = tpu.memref_slice %arg2[%dma_start3A_464, %mul3A_457] : memref<64x1000000xf32, #tpu.memory_space<hbm>> -> memref<64x128xf32, #tpu.memory_space<hbm>>
        %dma_start3A_466 = arith.constant 0 : i32
        %dma_start3A_467 = arith.constant 0 : i32
        %dma_start3A_468 = tpu.memref_slice %arg12[%rem3A_459, %dma_start3A_466, %dma_start3A_467] : memref<5x64x128xf32, #tpu.memory_space<vmem>> -> memref<1x64x128xf32, #tpu.memory_space<vmem>>
        %dma_start3A_469 = tpu.memref_squeeze %dma_start3A_468 : memref<1x64x128xf32, #tpu.memory_space<vmem>> -> memref<64x128xf32, #tpu.memory_space<vmem>>
        %dma_start3A_470 = arith.constant 0 : i32
        %dma_start3A_471 = tpu.memref_slice %arg2[%dma_start3A_470, %mul3A_457] : memref<64x1000000xf32, #tpu.memory_space<hbm>> -> memref<64x128xf32, #tpu.memory_space<hbm>>
        tpu.enqueue_dma source(%dma_start3A_471 : memref<64x128xf32, #tpu.memory_space<hbm>>) target(%dma_start3A_469 : memref<64x128xf32, #tpu.memory_space<vmem>>) target_semaphore(%arg15 : memref<!tpu.dma_semaphore, #tpu.memory_space<semaphore_mem>>)
      } else {
      }
      scf.yield %while3A_430#0, %while3A_430#1 : i32, i32
    }
    %while3A_374 = arith.constant 1 : i32
    %while3A_375:2 = scf.for %while3A_406 = %while3A_371 to %while3A_367 step %while3A_374 iter_args(%while3A_407 = %while3A_373#0, %while3A_408 = %while3A_373#1) -> (i32, i32)  : i32 {
      %dma_wait3A_409 = arith.constant 0 : i32
      %dma_wait3A_410 = arith.constant 0 : i32
      %dma_wait3A_411 = arith.constant 0 : i32
      %dma_wait3A_412 = tpu.memref_slice %arg12[%dma_wait3A_409, %dma_wait3A_410, %dma_wait3A_411] : memref<5x64x128xf32, #tpu.memory_space<vmem>> -> memref<1x64x128xf32, #tpu.memory_space<vmem>>
      %dma_wait3A_413 = tpu.memref_squeeze %dma_wait3A_412 : memref<1x64x128xf32, #tpu.memory_space<vmem>> -> memref<64x128xf32, #tpu.memory_space<vmem>>
      %dma_wait3A_414 = arith.constant 0 : i32
      %dma_wait3A_415 = arith.constant 0 : i32
      %dma_wait3A_416 = tpu.memref_slice %arg2[%dma_wait3A_414, %dma_wait3A_415] : memref<64x1000000xf32, #tpu.memory_space<hbm>> -> memref<64x128xf32, #tpu.memory_space<hbm>>
      %dma_wait3A_417 = arith.constant 0 : i32
      %dma_wait3A_418 = arith.constant 0 : i32
      %dma_wait3A_419 = tpu.memref_slice %arg12[%dma_wait3A_409, %dma_wait3A_417, %dma_wait3A_418] : memref<5x64x128xf32, #tpu.memory_space<vmem>> -> memref<1x64x128xf32, #tpu.memory_space<vmem>>
      %dma_wait3A_420 = tpu.memref_squeeze %dma_wait3A_419 : memref<1x64x128xf32, #tpu.memory_space<vmem>> -> memref<64x128xf32, #tpu.memory_space<vmem>>
      %dma_wait3A_421 = arith.constant 0 : i32
      %dma_wait3A_422 = arith.constant 0 : i32
      %dma_wait3A_423 = tpu.memref_slice %arg2[%dma_wait3A_421, %dma_wait3A_422] : memref<64x1000000xf32, #tpu.memory_space<hbm>> -> memref<64x128xf32, #tpu.memory_space<hbm>>
      tpu.wait_dma2 semaphore(%arg15 : memref<!tpu.dma_semaphore, #tpu.memory_space<semaphore_mem>>) src(%dma_wait3A_423 : memref<64x128xf32, #tpu.memory_space<hbm>>) dst(%dma_wait3A_420 : memref<64x128xf32, #tpu.memory_space<vmem>>)
      %rem3A_424 = arith.constant 5 : i32
      %rem3A_425 = arith.remsi %while3A_406, %rem3A_424 : i32
      %add3A_426 = arith.constant 1 : i32
      %add3A_427 = arith.addi %while3A_406, %add3A_426 : i32
      %mul3A_428 = arith.constant 128 : i32
      %mul3A_429 = arith.muli %add3A_427, %mul3A_428 : i32
      %while3A_430:2 = scf.while (%while3A_453 = %while3A_407, %while3A_454 = %while3A_408) : (i32, i32) -> (i32, i32) {
        %lt3A_455 = arith.cmpi slt, %while3A_453, %reduce_max3A_142 : i32
        %lt3A_456 = arith.cmpi slt, %while3A_454, %mul3A_429 : i32
        %and3A = arith.andi %lt3A_455, %lt3A_456 : i1
        scf.condition(%and3A) %while3A_453, %while3A_454 : i32, i32
      } do {
      ^bb0(%while3A_453: i32, %while3A_454: i32):
        %jit3A_455 = arith.constant 128 : i32
        %eq3A_456 = arith.constant 0 : i32
        %eq3A_457 = arith.cmpi eq, %jit3A_455, %eq3A_456 : i32
        %jit3A_458 = arith.constant 1 : i32
        %select_n3A_459 = arith.select %eq3A_457, %jit3A_458, %jit3A_455 : i32
        %rem3A_460 = arith.remsi %while3A_453, %select_n3A_459 : i32
        %ne3A = arith.constant 0 : i32
        %ne3A_461 = arith.cmpi ne, %rem3A_460, %ne3A : i32
        %lt3A_462 = arith.constant 0 : i32
        %lt3A_463 = arith.cmpi slt, %rem3A_460, %lt3A_462 : i32
        %lt3A_464 = arith.constant 0 : i32
        %lt3A_465 = arith.cmpi slt, %select_n3A_459, %lt3A_464 : i32
        %ne3A_466 = arith.xori %lt3A_463, %lt3A_465 : i1
        %and3A = arith.andi %ne3A_466, %ne3A_461 : i1
        %add3A_467 = arith.addi %rem3A_460, %select_n3A_459 : i32
        %select_n3A_468 = arith.select %and3A, %add3A_467, %rem3A_460 : i32
        %broadcast_in_dim3A_469 = vector.broadcast %select_n3A_468 : i32 to vector<16xi32>
        %and3A_470 = arith.constant 127 : i32
        %and3A_471 = arith.andi %while3A_454, %and3A_470 : i32
        %broadcast_in_dim3A_472 = vector.broadcast %and3A_471 : i32 to vector<16xi32>
        %broadcast_in_dim3A_473 = vector.broadcast %rem3A_425 : i32 to vector<16xi32>
        %add3A_474 = arith.constant 0 : i32
        %add3A_475 = vector.broadcast %add3A_474 : i32 to vector<16xi32>
        %add3A_476 = arith.addi %add3A_475, %iota3A : vector<16xi32>
        %gather3A_477 = tpu.vector_load_idx %arg11[%broadcast_in_dim3A_469, %add3A_476] : memref<128x128xf32, #tpu.memory_space<vmem>>[vector<16xi32>, vector<16xi32>], vector<16xf32>,
        %add3A_478 = arith.constant 0 : i32
        %add3A_479 = vector.broadcast %add3A_478 : i32 to vector<16xi32>
        %add3A_480 = arith.addi %add3A_479, %iota3A : vector<16xi32>
        tpu.vector_store_idx %arg12[%broadcast_in_dim3A_473, %add3A_480, %broadcast_in_dim3A_472], %gather3A_477 : memref<5x64x128xf32, #tpu.memory_space<vmem>>[vector<16xi32>, vector<16xi32>, vector<16xi32>], vector<16xf32>,
        %add3A_481 = arith.constant 16 : i32
        %add3A_482 = vector.broadcast %add3A_481 : i32 to vector<16xi32>
        %add3A_483 = arith.addi %add3A_482, %iota3A : vector<16xi32>
        %gather3A_484 = tpu.vector_load_idx %arg11[%broadcast_in_dim3A_469, %add3A_483] : memref<128x128xf32, #tpu.memory_space<vmem>>[vector<16xi32>, vector<16xi32>], vector<16xf32>,
        %add3A_485 = arith.constant 16 : i32
        %add3A_486 = vector.broadcast %add3A_485 : i32 to vector<16xi32>
        %add3A_487 = arith.addi %add3A_486, %iota3A : vector<16xi32>
        tpu.vector_store_idx %arg12[%broadcast_in_dim3A_473, %add3A_487, %broadcast_in_dim3A_472], %gather3A_484 : memref<5x64x128xf32, #tpu.memory_space<vmem>>[vector<16xi32>, vector<16xi32>, vector<16xi32>], vector<16xf32>,
        %add3A_488 = arith.constant 32 : i32
        %add3A_489 = vector.broadcast %add3A_488 : i32 to vector<16xi32>
        %add3A_490 = arith.addi %add3A_489, %iota3A : vector<16xi32>
        %gather3A_491 = tpu.vector_load_idx %arg11[%broadcast_in_dim3A_469, %add3A_490] : memref<128x128xf32, #tpu.memory_space<vmem>>[vector<16xi32>, vector<16xi32>], vector<16xf32>,
        %add3A_492 = arith.constant 32 : i32
        %add3A_493 = vector.broadcast %add3A_492 : i32 to vector<16xi32>
        %add3A_494 = arith.addi %add3A_493, %iota3A : vector<16xi32>
        tpu.vector_store_idx %arg12[%broadcast_in_dim3A_473, %add3A_494, %broadcast_in_dim3A_472], %gather3A_491 : memref<5x64x128xf32, #tpu.memory_space<vmem>>[vector<16xi32>, vector<16xi32>, vector<16xi32>], vector<16xf32>,
        %add3A_495 = arith.constant 48 : i32
        %add3A_496 = vector.broadcast %add3A_495 : i32 to vector<16xi32>
        %add3A_497 = arith.addi %add3A_496, %iota3A : vector<16xi32>
        %gather3A_498 = tpu.vector_load_idx %arg11[%broadcast_in_dim3A_469, %add3A_497] : memref<128x128xf32, #tpu.memory_space<vmem>>[vector<16xi32>, vector<16xi32>], vector<16xf32>,
        %add3A_499 = arith.constant 48 : i32
        %add3A_500 = vector.broadcast %add3A_499 : i32 to vector<16xi32>
        %add3A_501 = arith.addi %add3A_500, %iota3A : vector<16xi32>
        tpu.vector_store_idx %arg12[%broadcast_in_dim3A_473, %add3A_501, %broadcast_in_dim3A_472], %gather3A_498 : memref<5x64x128xf32, #tpu.memory_space<vmem>>[vector<16xi32>, vector<16xi32>, vector<16xi32>], vector<16xf32>,
        %add3A_502 = arith.constant 1 : i32
        %add3A_503 = arith.addi %while3A_453, %add3A_502 : i32
        %jit3A_504 = arith.constant 128 : i32
        %eq3A_505 = arith.constant 0 : i32
        %eq3A_506 = arith.cmpi eq, %jit3A_504, %eq3A_505 : i32
        %jit3A_507 = arith.constant 1 : i32
        %select_n3A_508 = arith.select %eq3A_506, %jit3A_507, %jit3A_504 : i32
        %rem3A_509 = arith.remsi %add3A_503, %select_n3A_508 : i32
        %ne3A_510 = arith.constant 0 : i32
        %ne3A_511 = arith.cmpi ne, %rem3A_509, %ne3A_510 : i32
        %lt3A_512 = arith.constant 0 : i32
        %lt3A_513 = arith.cmpi slt, %rem3A_509, %lt3A_512 : i32
        %lt3A_514 = arith.constant 0 : i32
        %lt3A_515 = arith.cmpi slt, %select_n3A_508, %lt3A_514 : i32
        %ne3A_516 = arith.xori %lt3A_513, %lt3A_515 : i1
        %and3A_517 = arith.andi %ne3A_516, %ne3A_511 : i1
        %add3A_518 = arith.addi %rem3A_509, %select_n3A_508 : i32
        %select_n3A_519 = arith.select %and3A_517, %add3A_518, %rem3A_509 : i32
        %eq3A_520 = arith.constant 0 : i32
        %eq3A_521 = arith.cmpi eq, %select_n3A_519, %eq3A_520 : i32
        %lt3A_522 = arith.cmpi slt, %add3A_503, %reduce_max3A_142 : i32
        %and3A_523 = arith.andi %eq3A_521, %lt3A_522 : i1
        %convert_element_type3A_524 = arith.extui %and3A_523 : i1 to i32
        %cond3A_525 = arith.constant 0 : i32
        %cond3A_526 = arith.cmpi ne, %convert_element_type3A_524, %cond3A_525 : i32
        scf.if %cond3A_526 {
          %multiple_of3A_571 = tpu.assume_multiple %add3A_503, 128 : i32
          %add3A_572 = arith.constant 0 : i32
          %add3A_573 = arith.addi %multiple_of3A_571, %add3A_572 : i32
          %get3A_574 = arith.index_cast %add3A_573 : i32 to index
          %get3A_575 = tpu.vector_load %arg8[%get3A_574] {strides = array<i32>} : memref<31744xi32, #tpu.memory_space<vmem>>, vector<16xi32>,
          %sub3A_576 = arith.constant 1 : i32
          %sub3A_577 = arith.subi %select_n3A, %sub3A_576 : i32
          %jit3A_578 = arith.constant 0 : i32
          %max3A_579 = vector.broadcast %jit3A_578 : i32 to vector<16xi32>
          %max3A_580 = arith.maxsi %max3A_579, %get3A_575 : vector<16xi32>
          %min3A_581 = vector.broadcast %sub3A_577 : i32 to vector<16xi32>
          %min3A_582 = arith.minsi %min3A_581, %max3A_580 : vector<16xi32>
          %gather3A_583 = tpu.vector_load_idx %arg7[%min3A_582] : memref<31744xi32, #tpu.memory_space<vmem>>[vector<16xi32>], vector<16xi32>,
          %max3A_584 = arith.constant 0 : i32
          %max3A_585 = vector.broadcast %max3A_584 : i32 to vector<16xi32>
          %max3A_586 = arith.maxsi %gather3A_583, %max3A_585 : vector<16xi32>
          %swap3A_587 = arith.constant 0 : index
          %swap3A_588 = tpu.vector_load %arg10[%swap3A_587] {strides = array<i32>} : memref<128xi32, #tpu.memory_space<vmem>>, vector<16xi32>,
          tpu.vector_store %arg10[%swap3A_587], %max3A_586 {strides = array<i32>} : memref<128xi32, #tpu.memory_space<vmem>>, vector<16xi32>,
          %add3A_589 = arith.constant 16 : i32
          %add3A_590 = arith.addi %multiple_of3A_571, %add3A_589 : i32
          %get3A_591 = arith.index_cast %add3A_590 : i32 to index
          %get3A_592 = tpu.vector_load %arg8[%get3A_591] {strides = array<i32>} : memref<31744xi32, #tpu.memory_space<vmem>>, vector<16xi32>,
          %sub3A_593 = arith.constant 1 : i32
          %sub3A_594 = arith.subi %select_n3A, %sub3A_593 : i32
          %jit3A_595 = arith.constant 0 : i32
          %max3A_596 = vector.broadcast %jit3A_595 : i32 to vector<16xi32>
          %max3A_597 = arith.maxsi %max3A_596, %get3A_592 : vector<16xi32>
          %min3A_598 = vector.broadcast %sub3A_594 : i32 to vector<16xi32>
          %min3A_599 = arith.minsi %min3A_598, %max3A_597 : vector<16xi32>
          %gather3A_600 = tpu.vector_load_idx %arg7[%min3A_599] : memref<31744xi32, #tpu.memory_space<vmem>>[vector<16xi32>], vector<16xi32>,
          %max3A_601 = arith.constant 0 : i32
          %max3A_602 = vector.broadcast %max3A_601 : i32 to vector<16xi32>
          %max3A_603 = arith.maxsi %gather3A_600, %max3A_602 : vector<16xi32>
          %swap3A_604 = arith.constant 16 : index
          %swap3A_605 = tpu.vector_load %arg10[%swap3A_604] {strides = array<i32>} : memref<128xi32, #tpu.memory_space<vmem>>, vector<16xi32>,
          tpu.vector_store %arg10[%swap3A_604], %max3A_603 {strides = array<i32>} : memref<128xi32, #tpu.memory_space<vmem>>, vector<16xi32>,
          %add3A_606 = arith.constant 32 : i32
          %add3A_607 = arith.addi %multiple_of3A_571, %add3A_606 : i32
          %get3A_608 = arith.index_cast %add3A_607 : i32 to index
          %get3A_609 = tpu.vector_load %arg8[%get3A_608] {strides = array<i32>} : memref<31744xi32, #tpu.memory_space<vmem>>, vector<16xi32>,
          %sub3A_610 = arith.constant 1 : i32
          %sub3A_611 = arith.subi %select_n3A, %sub3A_610 : i32
          %jit3A_612 = arith.constant 0 : i32
          %max3A_613 = vector.broadcast %jit3A_612 : i32 to vector<16xi32>
          %max3A_614 = arith.maxsi %max3A_613, %get3A_609 : vector<16xi32>
          %min3A_615 = vector.broadcast %sub3A_611 : i32 to vector<16xi32>
          %min3A_616 = arith.minsi %min3A_615, %max3A_614 : vector<16xi32>
          %gather3A_617 = tpu.vector_load_idx %arg7[%min3A_616] : memref<31744xi32, #tpu.memory_space<vmem>>[vector<16xi32>], vector<16xi32>,
          %max3A_618 = arith.constant 0 : i32
          %max3A_619 = vector.broadcast %max3A_618 : i32 to vector<16xi32>
          %max3A_620 = arith.maxsi %gather3A_617, %max3A_619 : vector<16xi32>
          %swap3A_621 = arith.constant 32 : index
          %swap3A_622 = tpu.vector_load %arg10[%swap3A_621] {strides = array<i32>} : memref<128xi32, #tpu.memory_space<vmem>>, vector<16xi32>,
          tpu.vector_store %arg10[%swap3A_621], %max3A_620 {strides = array<i32>} : memref<128xi32, #tpu.memory_space<vmem>>, vector<16xi32>,
          %add3A_623 = arith.constant 48 : i32
          %add3A_624 = arith.addi %multiple_of3A_571, %add3A_623 : i32
          %get3A_625 = arith.index_cast %add3A_624 : i32 to index
          %get3A_626 = tpu.vector_load %arg8[%get3A_625] {strides = array<i32>} : memref<31744xi32, #tpu.memory_space<vmem>>, vector<16xi32>,
          %sub3A_627 = arith.constant 1 : i32
          %sub3A_628 = arith.subi %select_n3A, %sub3A_627 : i32
          %jit3A_629 = arith.constant 0 : i32
          %max3A_630 = vector.broadcast %jit3A_629 : i32 to vector<16xi32>
          %max3A_631 = arith.maxsi %max3A_630, %get3A_626 : vector<16xi32>
          %min3A_632 = vector.broadcast %sub3A_628 : i32 to vector<16xi32>
          %min3A_633 = arith.minsi %min3A_632, %max3A_631 : vector<16xi32>
          %gather3A_634 = tpu.vector_load_idx %arg7[%min3A_633] : memref<31744xi32, #tpu.memory_space<vmem>>[vector<16xi32>], vector<16xi32>,
          %max3A_635 = arith.constant 0 : i32
          %max3A_636 = vector.broadcast %max3A_635 : i32 to vector<16xi32>
          %max3A_637 = arith.maxsi %gather3A_634, %max3A_636 : vector<16xi32>
          %swap3A_638 = arith.constant 48 : index
          %swap3A_639 = tpu.vector_load %arg10[%swap3A_638] {strides = array<i32>} : memref<128xi32, #tpu.memory_space<vmem>>, vector<16xi32>,
          tpu.vector_store %arg10[%swap3A_638], %max3A_637 {strides = array<i32>} : memref<128xi32, #tpu.memory_space<vmem>>, vector<16xi32>,
          %add3A_640 = arith.constant 64 : i32
          %add3A_641 = arith.addi %multiple_of3A_571, %add3A_640 : i32
          %get3A_642 = arith.index_cast %add3A_641 : i32 to index
          %get3A_643 = tpu.vector_load %arg8[%get3A_642] {strides = array<i32>} : memref<31744xi32, #tpu.memory_space<vmem>>, vector<16xi32>,
          %sub3A_644 = arith.constant 1 : i32
          %sub3A_645 = arith.subi %select_n3A, %sub3A_644 : i32
          %jit3A_646 = arith.constant 0 : i32
          %max3A_647 = vector.broadcast %jit3A_646 : i32 to vector<16xi32>
          %max3A_648 = arith.maxsi %max3A_647, %get3A_643 : vector<16xi32>
          %min3A_649 = vector.broadcast %sub3A_645 : i32 to vector<16xi32>
          %min3A_650 = arith.minsi %min3A_649, %max3A_648 : vector<16xi32>
          %gather3A_651 = tpu.vector_load_idx %arg7[%min3A_650] : memref<31744xi32, #tpu.memory_space<vmem>>[vector<16xi32>], vector<16xi32>,
          %max3A_652 = arith.constant 0 : i32
          %max3A_653 = vector.broadcast %max3A_652 : i32 to vector<16xi32>
          %max3A_654 = arith.maxsi %gather3A_651, %max3A_653 : vector<16xi32>
          %swap3A_655 = arith.constant 64 : index
          %swap3A_656 = tpu.vector_load %arg10[%swap3A_655] {strides = array<i32>} : memref<128xi32, #tpu.memory_space<vmem>>, vector<16xi32>,
          tpu.vector_store %arg10[%swap3A_655], %max3A_654 {strides = array<i32>} : memref<128xi32, #tpu.memory_space<vmem>>, vector<16xi32>,
          %add3A_657 = arith.constant 80 : i32
          %add3A_658 = arith.addi %multiple_of3A_571, %add3A_657 : i32
          %get3A_659 = arith.index_cast %add3A_658 : i32 to index
          %get3A_660 = tpu.vector_load %arg8[%get3A_659] {strides = array<i32>} : memref<31744xi32, #tpu.memory_space<vmem>>, vector<16xi32>,
          %sub3A_661 = arith.constant 1 : i32
          %sub3A_662 = arith.subi %select_n3A, %sub3A_661 : i32
          %jit3A_663 = arith.constant 0 : i32
          %max3A_664 = vector.broadcast %jit3A_663 : i32 to vector<16xi32>
          %max3A_665 = arith.maxsi %max3A_664, %get3A_660 : vector<16xi32>
          %min3A_666 = vector.broadcast %sub3A_662 : i32 to vector<16xi32>
          %min3A_667 = arith.minsi %min3A_666, %max3A_665 : vector<16xi32>
          %gather3A_668 = tpu.vector_load_idx %arg7[%min3A_667] : memref<31744xi32, #tpu.memory_space<vmem>>[vector<16xi32>], vector<16xi32>,
          %max3A_669 = arith.constant 0 : i32
          %max3A_670 = vector.broadcast %max3A_669 : i32 to vector<16xi32>
          %max3A_671 = arith.maxsi %gather3A_668, %max3A_670 : vector<16xi32>
          %swap3A_672 = arith.constant 80 : index
          %swap3A_673 = tpu.vector_load %arg10[%swap3A_672] {strides = array<i32>} : memref<128xi32, #tpu.memory_space<vmem>>, vector<16xi32>,
          tpu.vector_store %arg10[%swap3A_672], %max3A_671 {strides = array<i32>} : memref<128xi32, #tpu.memory_space<vmem>>, vector<16xi32>,
          %add3A_674 = arith.constant 96 : i32
          %add3A_675 = arith.addi %multiple_of3A_571, %add3A_674 : i32
          %get3A_676 = arith.index_cast %add3A_675 : i32 to index
          %get3A_677 = tpu.vector_load %arg8[%get3A_676] {strides = array<i32>} : memref<31744xi32, #tpu.memory_space<vmem>>, vector<16xi32>,
          %sub3A_678 = arith.constant 1 : i32
          %sub3A_679 = arith.subi %select_n3A, %sub3A_678 : i32
          %jit3A_680 = arith.constant 0 : i32
          %max3A_681 = vector.broadcast %jit3A_680 : i32 to vector<16xi32>
          %max3A_682 = arith.maxsi %max3A_681, %get3A_677 : vector<16xi32>
          %min3A_683 = vector.broadcast %sub3A_679 : i32 to vector<16xi32>
          %min3A_684 = arith.minsi %min3A_683, %max3A_682 : vector<16xi32>
          %gather3A_685 = tpu.vector_load_idx %arg7[%min3A_684] : memref<31744xi32, #tpu.memory_space<vmem>>[vector<16xi32>], vector<16xi32>,
          %max3A_686 = arith.constant 0 : i32
          %max3A_687 = vector.broadcast %max3A_686 : i32 to vector<16xi32>
          %max3A_688 = arith.maxsi %gather3A_685, %max3A_687 : vector<16xi32>
          %swap3A_689 = arith.constant 96 : index
          %swap3A_690 = tpu.vector_load %arg10[%swap3A_689] {strides = array<i32>} : memref<128xi32, #tpu.memory_space<vmem>>, vector<16xi32>,
          tpu.vector_store %arg10[%swap3A_689], %max3A_688 {strides = array<i32>} : memref<128xi32, #tpu.memory_space<vmem>>, vector<16xi32>,
          %add3A_691 = arith.constant 112 : i32
          %add3A_692 = arith.addi %multiple_of3A_571, %add3A_691 : i32
          %get3A_693 = arith.index_cast %add3A_692 : i32 to index
          %get3A_694 = tpu.vector_load %arg8[%get3A_693] {strides = array<i32>} : memref<31744xi32, #tpu.memory_space<vmem>>, vector<16xi32>,
          %sub3A_695 = arith.constant 1 : i32
          %sub3A_696 = arith.subi %select_n3A, %sub3A_695 : i32
          %jit3A_697 = arith.constant 0 : i32
          %max3A_698 = vector.broadcast %jit3A_697 : i32 to vector<16xi32>
          %max3A_699 = arith.maxsi %max3A_698, %get3A_694 : vector<16xi32>
          %min3A_700 = vector.broadcast %sub3A_696 : i32 to vector<16xi32>
          %min3A_701 = arith.minsi %min3A_700, %max3A_699 : vector<16xi32>
          %gather3A_702 = tpu.vector_load_idx %arg7[%min3A_701] : memref<31744xi32, #tpu.memory_space<vmem>>[vector<16xi32>], vector<16xi32>,
          %max3A_703 = arith.constant 0 : i32
          %max3A_704 = vector.broadcast %max3A_703 : i32 to vector<16xi32>
          %max3A_705 = arith.maxsi %gather3A_702, %max3A_704 : vector<16xi32>
          %swap3A_706 = arith.constant 112 : index
          %swap3A_707 = tpu.vector_load %arg10[%swap3A_706] {strides = array<i32>} : memref<128xi32, #tpu.memory_space<vmem>>, vector<16xi32>,
          tpu.vector_store %arg10[%swap3A_706], %max3A_705 {strides = array<i32>} : memref<128xi32, #tpu.memory_space<vmem>>, vector<16xi32>,
          %dma_start3A_708 = arith.constant 0 : i32
          %dma_start3A_709 = arith.constant 0 : i32
          %dma_start3A_710 = tpu.memref_slice %arg5[%dma_start3A_708, %dma_start3A_709] : memref<32768x128xf32, #tpu.memory_space<hbm>> -> memref<32768x128xf32, #tpu.memory_space<hbm>>
          tpu.enqueue_indirect_dma source(%dma_start3A_710 : memref<32768x128xf32, #tpu.memory_space<hbm>>) target(%arg11 : memref<128x128xf32, #tpu.memory_space<vmem>>) offsets(%arg10 : memref<128xi32, #tpu.memory_space<vmem>>) semaphore(%arg14 : memref<!tpu.dma_semaphore, #tpu.memory_space<semaphore_mem>>)
          %dma_wait3A_711 = arith.constant 0 : i32
          %dma_wait3A_712 = arith.constant 0 : i32
          %dma_wait3A_713 = tpu.memref_slice %arg5[%dma_wait3A_711, %dma_wait3A_712] : memref<32768x128xf32, #tpu.memory_space<hbm>> -> memref<32768x128xf32, #tpu.memory_space<hbm>>
          tpu.wait_indirect_dma semaphore(%arg14 : memref<!tpu.dma_semaphore, #tpu.memory_space<semaphore_mem>>) src(%dma_wait3A_713 : memref<32768x128xf32, #tpu.memory_space<hbm>>) dst(%arg11 : memref<128x128xf32, #tpu.memory_space<vmem>>)
        } else {
        }
        %lt3A_527 = arith.cmpi slt, %add3A_503, %reduce_max3A_142 : i32
        %jit3A_528 = arith.constant 16 : i32
        %div3A = arith.divsi %add3A_503, %jit3A_528 : i32
        %sign3A = arith.constant 0 : i32
        %sign3A_529 = arith.cmpi sgt, %add3A_503, %sign3A : i32
        %sign3A_530 = arith.extui %sign3A_529 : i1 to i32
        %sign3A_531 = arith.constant 0 : i32
        %sign3A_532 = arith.cmpi slt, %add3A_503, %sign3A_531 : i32
        %sign3A_533 = arith.extui %sign3A_532 : i1 to i32
        %sign3A_534 = arith.subi %sign3A_530, %sign3A_533 : i32
        %sign3A_535 = arith.constant 0 : i32
        %sign3A_536 = arith.cmpi sgt, %jit3A_528, %sign3A_535 : i32
        %sign3A_537 = arith.extui %sign3A_536 : i1 to i32
        %sign3A_538 = arith.constant 0 : i32
        %sign3A_539 = arith.cmpi slt, %jit3A_528, %sign3A_538 : i32
        %sign3A_540 = arith.extui %sign3A_539 : i1 to i32
        %sign3A_541 = arith.subi %sign3A_537, %sign3A_540 : i32
        %ne3A_542 = arith.cmpi ne, %sign3A_534, %sign3A_541 : i32
        %rem3A_543 = arith.remsi %add3A_503, %jit3A_528 : i32
        %ne3A_544 = arith.constant 0 : i32
        %ne3A_545 = arith.cmpi ne, %rem3A_543, %ne3A_544 : i32
        %and3A_546 = arith.andi %ne3A_542, %ne3A_545 : i1
        %sub3A_547 = arith.constant 1 : i32
        %sub3A_548 = arith.subi %div3A, %sub3A_547 : i32
        %select_n3A_549 = arith.select %and3A_546, %sub3A_548, %div3A : i32
        %mul3A_550 = arith.constant 16 : i32
        %mul3A_551 = arith.muli %select_n3A_549, %mul3A_550 : i32
        %multiple_of3A_552 = tpu.assume_multiple %mul3A_551, 8 : i32
        %get3A_553 = arith.index_cast %multiple_of3A_552 : i32 to index
        %get3A_554 = tpu.vector_load %arg8[%get3A_553] {strides = array<i32>} : memref<31744xi32, #tpu.memory_space<vmem>>, vector<16xi32>,
        %sub3A_555 = arith.subi %add3A_503, %multiple_of3A_552 : i32
        %eq3A_556 = vector.broadcast %sub3A_555 : i32 to vector<16xi32>
        %eq3A_557 = arith.cmpi eq, %iota3A, %eq3A_556 : vector<16xi32>
        %jit3A_558 = arith.constant -1073741824 : i32
        %broadcast_in_dim3A_559 = vector.broadcast %jit3A_558 : i32 to vector<16xi32>
        %select_n3A_560 = arith.select %eq3A_557, %get3A_554, %broadcast_in_dim3A_559 : vector<16xi1>, vector<16xi32>
        %reduce_max3A_561 = arith.constant true
        %reduce_max3A_562 = vector.broadcast %reduce_max3A_561 : i1 to vector<16xi1>
        %reduce_max3A_563 = arith.constant -2147483648 : i32
        %reduce_max3A_564 = vector.broadcast %reduce_max3A_563 : i32 to vector<16xi32>
        %reduce_max3A_565 = arith.xori %select_n3A_560, %reduce_max3A_564 : vector<16xi32>
        %reduce_max3A_566 = tpu.scan <max>, %reduce_max3A_565 masked %reduce_max3A_562 : vector<16xi32>, vector<16xi1> -> vector<16xi32>
        %reduce_max3A_567 = arith.xori %reduce_max3A_566, %reduce_max3A_564 : vector<16xi32>
        %reduce_max3A_568 = vector.extract %reduce_max3A_567[15] : i32 from vector<16xi32>
        %jit3A_569 = arith.constant 1073741824 : i32
        %select_n3A_570 = arith.select %lt3A_527, %reduce_max3A_568, %jit3A_569 : i32
        scf.yield %add3A_503, %select_n3A_570 : i32, i32
      }
      %add3A_431 = arith.addi %mul3A_303, %while3A_406 : i32
      %mul3A_432 = arith.constant 128 : i32
      %mul3A_433 = arith.muli %add3A_431, %mul3A_432 : i32
      %dma_start3A_434 = arith.constant 0 : i32
      %dma_start3A_435 = arith.constant 0 : i32
      %dma_start3A_436 = tpu.memref_slice %arg12[%rem3A_425, %dma_start3A_434, %dma_start3A_435] : memref<5x64x128xf32, #tpu.memory_space<vmem>> -> memref<1x64x128xf32, #tpu.memory_space<vmem>>
      %dma_start3A_437 = tpu.memref_squeeze %dma_start3A_436 : memref<1x64x128xf32, #tpu.memory_space<vmem>> -> memref<64x128xf32, #tpu.memory_space<vmem>>
      %dma_start3A_438 = arith.constant 0 : i32
      %dma_start3A_439 = tpu.memref_slice %arg6[%dma_start3A_438, %mul3A_433] : memref<64x1000000xf32, #tpu.memory_space<hbm>> -> memref<64x128xf32, #tpu.memory_space<hbm>>
      %dma_start3A_440 = arith.constant 0 : i32
      %dma_start3A_441 = tpu.memref_slice %arg6[%dma_start3A_440, %mul3A_433] : memref<64x1000000xf32, #tpu.memory_space<hbm>> -> memref<64x128xf32, #tpu.memory_space<hbm>>
      %dma_start3A_442 = arith.constant 0 : i32
      %dma_start3A_443 = arith.constant 0 : i32
      %dma_start3A_444 = tpu.memref_slice %arg12[%rem3A_425, %dma_start3A_442, %dma_start3A_443] : memref<5x64x128xf32, #tpu.memory_space<vmem>> -> memref<1x64x128xf32, #tpu.memory_space<vmem>>
      %dma_start3A_445 = tpu.memref_squeeze %dma_start3A_444 : memref<1x64x128xf32, #tpu.memory_space<vmem>> -> memref<64x128xf32, #tpu.memory_space<vmem>>
      tpu.enqueue_dma source(%dma_start3A_445 : memref<64x128xf32, #tpu.memory_space<vmem>>) target(%dma_start3A_441 : memref<64x128xf32, #tpu.memory_space<hbm>>) target_semaphore(%arg16 : memref<!tpu.dma_semaphore, #tpu.memory_space<semaphore_mem>>)
      %ge3A = arith.constant 2 : i32
      %ge3A_446 = arith.cmpi sge, %while3A_406, %ge3A : i32
      %convert_element_type3A = arith.extui %ge3A_446 : i1 to i32
      %cond3A = arith.constant 0 : i32
      %cond3A_447 = arith.cmpi ne, %convert_element_type3A, %cond3A : i32
      scf.if %cond3A_447 {
        %dma_wait3A_453 = arith.constant 0 : i32
        %dma_wait3A_454 = arith.constant 0 : i32
        %dma_wait3A_455 = arith.constant 0 : i32
        %dma_wait3A_456 = tpu.memref_slice %arg12[%dma_wait3A_453, %dma_wait3A_454, %dma_wait3A_455] : memref<5x64x128xf32, #tpu.memory_space<vmem>> -> memref<1x64x128xf32, #tpu.memory_space<vmem>>
        %dma_wait3A_457 = tpu.memref_squeeze %dma_wait3A_456 : memref<1x64x128xf32, #tpu.memory_space<vmem>> -> memref<64x128xf32, #tpu.memory_space<vmem>>
        %dma_wait3A_458 = arith.constant 0 : i32
        %dma_wait3A_459 = arith.constant 0 : i32
        %dma_wait3A_460 = tpu.memref_slice %arg6[%dma_wait3A_458, %dma_wait3A_459] : memref<64x1000000xf32, #tpu.memory_space<hbm>> -> memref<64x128xf32, #tpu.memory_space<hbm>>
        %dma_wait3A_461 = arith.constant 0 : i32
        %dma_wait3A_462 = arith.constant 0 : i32
        %dma_wait3A_463 = tpu.memref_slice %arg6[%dma_wait3A_461, %dma_wait3A_462] : memref<64x1000000xf32, #tpu.memory_space<hbm>> -> memref<64x128xf32, #tpu.memory_space<hbm>>
        %dma_wait3A_464 = arith.constant 0 : i32
        %dma_wait3A_465 = arith.constant 0 : i32
        %dma_wait3A_466 = tpu.memref_slice %arg12[%dma_wait3A_453, %dma_wait3A_464, %dma_wait3A_465] : memref<5x64x128xf32, #tpu.memory_space<vmem>> -> memref<1x64x128xf32, #tpu.memory_space<vmem>>
        %dma_wait3A_467 = tpu.memref_squeeze %dma_wait3A_466 : memref<1x64x128xf32, #tpu.memory_space<vmem>> -> memref<64x128xf32, #tpu.memory_space<vmem>>
        tpu.wait_dma2 semaphore(%arg16 : memref<!tpu.dma_semaphore, #tpu.memory_space<semaphore_mem>>) src(%dma_wait3A_467 : memref<64x128xf32, #tpu.memory_space<vmem>>) dst(%dma_wait3A_463 : memref<64x128xf32, #tpu.memory_space<hbm>>)
      } else {
      }
      %add3A_448 = arith.constant 3 : i32
      %add3A_449 = arith.addi %while3A_406, %add3A_448 : i32
      %lt3A = arith.cmpi slt, %add3A_449, %select_n3A_308 : i32
      %convert_element_type3A_450 = arith.extui %lt3A : i1 to i32
      %cond3A_451 = arith.constant 0 : i32
      %cond3A_452 = arith.cmpi ne, %convert_element_type3A_450, %cond3A_451 : i32
      scf.if %cond3A_452 {
        %add3A_453 = arith.constant 3 : i32
        %add3A_454 = arith.addi %while3A_406, %add3A_453 : i32
        %add3A_455 = arith.addi %mul3A_303, %add3A_454 : i32
        %mul3A_456 = arith.constant 128 : i32
        %mul3A_457 = arith.muli %add3A_455, %mul3A_456 : i32
        %rem3A_458 = arith.constant 5 : i32
        %rem3A_459 = arith.remsi %add3A_454, %rem3A_458 : i32
        %dma_start3A_460 = arith.constant 0 : i32
        %dma_start3A_461 = arith.constant 0 : i32
        %dma_start3A_462 = tpu.memref_slice %arg12[%rem3A_459, %dma_start3A_460, %dma_start3A_461] : memref<5x64x128xf32, #tpu.memory_space<vmem>> -> memref<1x64x128xf32, #tpu.memory_space<vmem>>
        %dma_start3A_463 = tpu.memref_squeeze %dma_start3A_462 : memref<1x64x128xf32, #tpu.memory_space<vmem>> -> memref<64x128xf32, #tpu.memory_space<vmem>>
        %dma_start3A_464 = arith.constant 0 : i32
        %dma_start3A_465 = tpu.memref_slice %arg2[%dma_start3A_464, %mul3A_457] : memref<64x1000000xf32, #tpu.memory_space<hbm>> -> memref<64x128xf32, #tpu.memory_space<hbm>>
        %dma_start3A_466 = arith.constant 0 : i32
        %dma_start3A_467 = arith.constant 0 : i32
        %dma_start3A_468 = tpu.memref_slice %arg12[%rem3A_459, %dma_start3A_466, %dma_start3A_467] : memref<5x64x128xf32, #tpu.memory_space<vmem>> -> memref<1x64x128xf32, #tpu.memory_space<vmem>>
        %dma_start3A_469 = tpu.memref_squeeze %dma_start3A_468 : memref<1x64x128xf32, #tpu.memory_space<vmem>> -> memref<64x128xf32, #tpu.memory_space<vmem>>
        %dma_start3A_470 = arith.constant 0 : i32
        %dma_start3A_471 = tpu.memref_slice %arg2[%dma_start3A_470, %mul3A_457] : memref<64x1000000xf32, #tpu.memory_space<hbm>> -> memref<64x128xf32, #tpu.memory_space<hbm>>
        tpu.enqueue_dma source(%dma_start3A_471 : memref<64x128xf32, #tpu.memory_space<hbm>>) target(%dma_start3A_469 : memref<64x128xf32, #tpu.memory_space<vmem>>) target_semaphore(%arg15 : memref<!tpu.dma_semaphore, #tpu.memory_space<semaphore_mem>>)
      } else {
      }
      scf.yield %while3A_430#0, %while3A_430#1 : i32, i32
    }
    %dma_wait3A_376 = arith.constant 0 : i32
    %dma_wait3A_377 = arith.constant 0 : i32
    %dma_wait3A_378 = arith.constant 0 : i32
    %dma_wait3A_379 = tpu.memref_slice %arg12[%dma_wait3A_376, %dma_wait3A_377, %dma_wait3A_378] : memref<5x64x128xf32, #tpu.memory_space<vmem>> -> memref<1x64x128xf32, #tpu.memory_space<vmem>>
    %dma_wait3A_380 = tpu.memref_squeeze %dma_wait3A_379 : memref<1x64x128xf32, #tpu.memory_space<vmem>> -> memref<64x128xf32, #tpu.memory_space<vmem>>
    %dma_wait3A_381 = arith.constant 0 : i32
    %dma_wait3A_382 = arith.constant 0 : i32
    %dma_wait3A_383 = tpu.memref_slice %arg6[%dma_wait3A_381, %dma_wait3A_382] : memref<64x1000000xf32, #tpu.memory_space<hbm>> -> memref<64x128xf32, #tpu.memory_space<hbm>>
    %dma_wait3A_384 = arith.constant 0 : i32
    %dma_wait3A_385 = arith.constant 0 : i32
    %dma_wait3A_386 = tpu.memref_slice %arg6[%dma_wait3A_384, %dma_wait3A_385] : memref<64x1000000xf32, #tpu.memory_space<hbm>> -> memref<64x128xf32, #tpu.memory_space<hbm>>
    %dma_wait3A_387 = arith.constant 0 : i32
    %dma_wait3A_388 = arith.constant 0 : i32
    %dma_wait3A_389 = tpu.memref_slice %arg12[%dma_wait3A_376, %dma_wait3A_387, %dma_wait3A_388] : memref<5x64x128xf32, #tpu.memory_space<vmem>> -> memref<1x64x128xf32, #tpu.memory_space<vmem>>
    %dma_wait3A_390 = tpu.memref_squeeze %dma_wait3A_389 : memref<1x64x128xf32, #tpu.memory_space<vmem>> -> memref<64x128xf32, #tpu.memory_space<vmem>>
    tpu.wait_dma2 semaphore(%arg16 : memref<!tpu.dma_semaphore, #tpu.memory_space<semaphore_mem>>) src(%dma_wait3A_390 : memref<64x128xf32, #tpu.memory_space<vmem>>) dst(%dma_wait3A_386 : memref<64x128xf32, #tpu.memory_space<hbm>>)
    %dma_wait3A_391 = arith.constant 0 : i32
    %dma_wait3A_392 = arith.constant 0 : i32
    %dma_wait3A_393 = arith.constant 0 : i32
    %dma_wait3A_394 = tpu.memref_slice %arg12[%dma_wait3A_391, %dma_wait3A_392, %dma_wait3A_393] : memref<5x64x128xf32, #tpu.memory_space<vmem>> -> memref<1x64x128xf32, #tpu.memory_space<vmem>>
    %dma_wait3A_395 = tpu.memref_squeeze %dma_wait3A_394 : memref<1x64x128xf32, #tpu.memory_space<vmem>> -> memref<64x128xf32, #tpu.memory_space<vmem>>
    %dma_wait3A_396 = arith.constant 0 : i32
    %dma_wait3A_397 = arith.constant 0 : i32
    %dma_wait3A_398 = tpu.memref_slice %arg6[%dma_wait3A_396, %dma_wait3A_397] : memref<64x1000000xf32, #tpu.memory_space<hbm>> -> memref<64x128xf32, #tpu.memory_space<hbm>>
    %dma_wait3A_399 = arith.constant 0 : i32
    %dma_wait3A_400 = arith.constant 0 : i32
    %dma_wait3A_401 = tpu.memref_slice %arg6[%dma_wait3A_399, %dma_wait3A_400] : memref<64x1000000xf32, #tpu.memory_space<hbm>> -> memref<64x128xf32, #tpu.memory_space<hbm>>
    %dma_wait3A_402 = arith.constant 0 : i32
    %dma_wait3A_403 = arith.constant 0 : i32
    %dma_wait3A_404 = tpu.memref_slice %arg12[%dma_wait3A_391, %dma_wait3A_402, %dma_wait3A_403] : memref<5x64x128xf32, #tpu.memory_space<vmem>> -> memref<1x64x128xf32, #tpu.memory_space<vmem>>
    %dma_wait3A_405 = tpu.memref_squeeze %dma_wait3A_404 : memref<1x64x128xf32, #tpu.memory_space<vmem>> -> memref<64x128xf32, #tpu.memory_space<vmem>>
    tpu.wait_dma2 semaphore(%arg16 : memref<!tpu.dma_semaphore, #tpu.memory_space<semaphore_mem>>) src(%dma_wait3A_405 : memref<64x128xf32, #tpu.memory_space<vmem>>) dst(%dma_wait3A_401 : memref<64x128xf32, #tpu.memory_space<hbm>>)
    return
  }
}

#map = affine_map<(d0, d1) -> (0, 0)>
#map1 = affine_map<(d0, d1) -> (0)>
module attributes {stable_mosaic.version = 14 : i64} {
  func.func @_gather_body(%arg0: i32, %arg1: i32, %arg2: memref<1000000x128xf32, #tpu.memory_space<hbm>>, %arg3: memref<16384xi32, #tpu.memory_space<hbm>>, %arg4: memref<16384xi32, #tpu.memory_space<hbm>>, %arg5: memref<16384x128xf32, #tpu.memory_space<hbm>>, %arg6: memref<16384x128xf32, #tpu.memory_space<hbm>>, %arg7: memref<512xi32, #tpu.memory_space<vmem>>, %arg8: memref<512x128xf32, #tpu.memory_space<vmem>>, %arg9: memref<!tpu.dma_semaphore, #tpu.memory_space<semaphore_mem>>, %arg10: memref<!tpu.dma_semaphore, #tpu.memory_space<semaphore_mem>>) attributes {dimension_semantics = [#tpu.dimension_semantics<core_parallel>, #tpu.dimension_semantics<subcore_parallel>], iteration_bounds = array<i64: 2, 16>, scalar_prefetch = 0 : i64, scratch_operands = 4 : i64, tpu.core_type = #tpu.core_type<sc_vector_subcore>, window_params = [{transform_indices = #map}, {transform_indices = #map1}, {transform_indices = #map1}, {transform_indices = #map}, {transform_indices = #map}]} {
    %mul3A = arith.constant 2 : i32
    %mul3A_0 = arith.muli %arg1, %mul3A : i32
    %add3A = arith.addi %mul3A_0, %arg0 : i32
    %mul3A_1 = arith.constant 512 : i32
    %mul3A_2 = arith.muli %add3A, %mul3A_1 : i32
    %dma_start3A = tpu.memref_slice %arg3[%mul3A_2] : memref<16384xi32, #tpu.memory_space<hbm>> -> memref<512xi32, #tpu.memory_space<hbm>>
    %dma_start3A_3 = tpu.memref_slice %arg3[%mul3A_2] : memref<16384xi32, #tpu.memory_space<hbm>> -> memref<512xi32, #tpu.memory_space<hbm>>
    tpu.enqueue_dma source(%dma_start3A_3 : memref<512xi32, #tpu.memory_space<hbm>>) target(%arg7 : memref<512xi32, #tpu.memory_space<vmem>>) target_semaphore(%arg9 : memref<!tpu.dma_semaphore, #tpu.memory_space<semaphore_mem>>)
    %dma_wait3A = tpu.memref_slice %arg3[%mul3A_2] : memref<16384xi32, #tpu.memory_space<hbm>> -> memref<512xi32, #tpu.memory_space<hbm>>
    %dma_wait3A_4 = tpu.memref_slice %arg3[%mul3A_2] : memref<16384xi32, #tpu.memory_space<hbm>> -> memref<512xi32, #tpu.memory_space<hbm>>
    tpu.wait_dma2 semaphore(%arg9 : memref<!tpu.dma_semaphore, #tpu.memory_space<semaphore_mem>>) src(%dma_wait3A_4 : memref<512xi32, #tpu.memory_space<hbm>>) dst(%arg7 : memref<512xi32, #tpu.memory_space<vmem>>)
    %dma_start3A_5 = arith.constant 0 : i32
    %dma_start3A_6 = arith.constant 0 : i32
    %dma_start3A_7 = tpu.memref_slice %arg2[%dma_start3A_5, %dma_start3A_6] : memref<1000000x128xf32, #tpu.memory_space<hbm>> -> memref<1000000x128xf32, #tpu.memory_space<hbm>>
    tpu.enqueue_indirect_dma source(%dma_start3A_7 : memref<1000000x128xf32, #tpu.memory_space<hbm>>) target(%arg8 : memref<512x128xf32, #tpu.memory_space<vmem>>) offsets(%arg7 : memref<512xi32, #tpu.memory_space<vmem>>) semaphore(%arg10 : memref<!tpu.dma_semaphore, #tpu.memory_space<semaphore_mem>>)
    %dma_wait3A_8 = arith.constant 0 : i32
    %dma_wait3A_9 = arith.constant 0 : i32
    %dma_wait3A_10 = tpu.memref_slice %arg2[%dma_wait3A_8, %dma_wait3A_9] : memref<1000000x128xf32, #tpu.memory_space<hbm>> -> memref<1000000x128xf32, #tpu.memory_space<hbm>>
    tpu.wait_indirect_dma semaphore(%arg10 : memref<!tpu.dma_semaphore, #tpu.memory_space<semaphore_mem>>) src(%dma_wait3A_10 : memref<1000000x128xf32, #tpu.memory_space<hbm>>) dst(%arg8 : memref<512x128xf32, #tpu.memory_space<vmem>>)
    "tpu.region"() ({
      %run_scoped3A = tpu.sem_alloc : memref<!tpu.dma_semaphore, #tpu.memory_space<semaphore_mem>>
      %dma_start3A_21 = arith.constant 0 : i32
      %dma_start3A_22 = tpu.memref_slice %arg5[%mul3A_2, %dma_start3A_21] : memref<16384x128xf32, #tpu.memory_space<hbm>> -> memref<512x128xf32, #tpu.memory_space<hbm>>
      %dma_start3A_23 = arith.constant 0 : i32
      %dma_start3A_24 = tpu.memref_slice %arg5[%mul3A_2, %dma_start3A_23] : memref<16384x128xf32, #tpu.memory_space<hbm>> -> memref<512x128xf32, #tpu.memory_space<hbm>>
      tpu.enqueue_dma source(%arg8 : memref<512x128xf32, #tpu.memory_space<vmem>>) target(%dma_start3A_24 : memref<512x128xf32, #tpu.memory_space<hbm>>) target_semaphore(%run_scoped3A : memref<!tpu.dma_semaphore, #tpu.memory_space<semaphore_mem>>)
      %dma_wait3A_25 = arith.constant 0 : i32
      %dma_wait3A_26 = tpu.memref_slice %arg5[%mul3A_2, %dma_wait3A_25] : memref<16384x128xf32, #tpu.memory_space<hbm>> -> memref<512x128xf32, #tpu.memory_space<hbm>>
      %dma_wait3A_27 = arith.constant 0 : i32
      %dma_wait3A_28 = tpu.memref_slice %arg5[%mul3A_2, %dma_wait3A_27] : memref<16384x128xf32, #tpu.memory_space<hbm>> -> memref<512x128xf32, #tpu.memory_space<hbm>>
      tpu.wait_dma2 semaphore(%run_scoped3A : memref<!tpu.dma_semaphore, #tpu.memory_space<semaphore_mem>>) src(%arg8 : memref<512x128xf32, #tpu.memory_space<vmem>>) dst(%dma_wait3A_28 : memref<512x128xf32, #tpu.memory_space<hbm>>)
      tpu.yield
    }) : () -> ()
    %dma_start3A_11 = tpu.memref_slice %arg4[%mul3A_2] : memref<16384xi32, #tpu.memory_space<hbm>> -> memref<512xi32, #tpu.memory_space<hbm>>
    %dma_start3A_12 = tpu.memref_slice %arg4[%mul3A_2] : memref<16384xi32, #tpu.memory_space<hbm>> -> memref<512xi32, #tpu.memory_space<hbm>>
    tpu.enqueue_dma source(%dma_start3A_12 : memref<512xi32, #tpu.memory_space<hbm>>) target(%arg7 : memref<512xi32, #tpu.memory_space<vmem>>) target_semaphore(%arg9 : memref<!tpu.dma_semaphore, #tpu.memory_space<semaphore_mem>>)
    %dma_wait3A_13 = tpu.memref_slice %arg4[%mul3A_2] : memref<16384xi32, #tpu.memory_space<hbm>> -> memref<512xi32, #tpu.memory_space<hbm>>
    %dma_wait3A_14 = tpu.memref_slice %arg4[%mul3A_2] : memref<16384xi32, #tpu.memory_space<hbm>> -> memref<512xi32, #tpu.memory_space<hbm>>
    tpu.wait_dma2 semaphore(%arg9 : memref<!tpu.dma_semaphore, #tpu.memory_space<semaphore_mem>>) src(%dma_wait3A_14 : memref<512xi32, #tpu.memory_space<hbm>>) dst(%arg7 : memref<512xi32, #tpu.memory_space<vmem>>)
    %dma_start3A_15 = arith.constant 0 : i32
    %dma_start3A_16 = arith.constant 0 : i32
    %dma_start3A_17 = tpu.memref_slice %arg2[%dma_start3A_15, %dma_start3A_16] : memref<1000000x128xf32, #tpu.memory_space<hbm>> -> memref<1000000x128xf32, #tpu.memory_space<hbm>>
    tpu.enqueue_indirect_dma source(%dma_start3A_17 : memref<1000000x128xf32, #tpu.memory_space<hbm>>) target(%arg8 : memref<512x128xf32, #tpu.memory_space<vmem>>) offsets(%arg7 : memref<512xi32, #tpu.memory_space<vmem>>) semaphore(%arg10 : memref<!tpu.dma_semaphore, #tpu.memory_space<semaphore_mem>>)
    %dma_wait3A_18 = arith.constant 0 : i32
    %dma_wait3A_19 = arith.constant 0 : i32
    %dma_wait3A_20 = tpu.memref_slice %arg2[%dma_wait3A_18, %dma_wait3A_19] : memref<1000000x128xf32, #tpu.memory_space<hbm>> -> memref<1000000x128xf32, #tpu.memory_space<hbm>>
    tpu.wait_indirect_dma semaphore(%arg10 : memref<!tpu.dma_semaphore, #tpu.memory_space<semaphore_mem>>) src(%dma_wait3A_20 : memref<1000000x128xf32, #tpu.memory_space<hbm>>) dst(%arg8 : memref<512x128xf32, #tpu.memory_space<vmem>>)
    "tpu.region"() ({
      %run_scoped3A = tpu.sem_alloc : memref<!tpu.dma_semaphore, #tpu.memory_space<semaphore_mem>>
      %dma_start3A_21 = arith.constant 0 : i32
      %dma_start3A_22 = tpu.memref_slice %arg6[%mul3A_2, %dma_start3A_21] : memref<16384x128xf32, #tpu.memory_space<hbm>> -> memref<512x128xf32, #tpu.memory_space<hbm>>
      %dma_start3A_23 = arith.constant 0 : i32
      %dma_start3A_24 = tpu.memref_slice %arg6[%mul3A_2, %dma_start3A_23] : memref<16384x128xf32, #tpu.memory_space<hbm>> -> memref<512x128xf32, #tpu.memory_space<hbm>>
      tpu.enqueue_dma source(%arg8 : memref<512x128xf32, #tpu.memory_space<vmem>>) target(%dma_start3A_24 : memref<512x128xf32, #tpu.memory_space<hbm>>) target_semaphore(%run_scoped3A : memref<!tpu.dma_semaphore, #tpu.memory_space<semaphore_mem>>)
      %dma_wait3A_25 = arith.constant 0 : i32
      %dma_wait3A_26 = tpu.memref_slice %arg6[%mul3A_2, %dma_wait3A_25] : memref<16384x128xf32, #tpu.memory_space<hbm>> -> memref<512x128xf32, #tpu.memory_space<hbm>>
      %dma_wait3A_27 = arith.constant 0 : i32
      %dma_wait3A_28 = tpu.memref_slice %arg6[%mul3A_2, %dma_wait3A_27] : memref<16384x128xf32, #tpu.memory_space<hbm>> -> memref<512x128xf32, #tpu.memory_space<hbm>>
      tpu.wait_dma2 semaphore(%run_scoped3A : memref<!tpu.dma_semaphore, #tpu.memory_space<semaphore_mem>>) src(%arg8 : memref<512x128xf32, #tpu.memory_space<vmem>>) dst(%dma_wait3A_28 : memref<512x128xf32, #tpu.memory_space<hbm>>)
      tpu.yield
    }) : () -> ()
    return
  }
}

module attributes {stable_mosaic.version = 14 : i64} {
  func.func @_fmt_body(%arg0: i32, %arg1: memref<64x8192xf32, #tpu.memory_space<vmem>>, %arg2: memref<8192x128xf32, #tpu.memory_space<vmem>>) attributes {dimension_semantics = [#tpu.dimension_semantics<arbitrary>], iteration_bounds = array<i64: 123>, scalar_prefetch = 0 : i64, scratch_operands = 0 : i64, tpu.core_type = #tpu.core_type<tc>, window_params = [{transform_indices = @transform_0, window_bounds = array<i64: 64, 8192>}, {transform_indices = @transform_1, window_bounds = array<i64: 8192, 128>}]} {
    %get3A = arith.constant 0 : index
    %get3A_0 = arith.constant 0 : index
    %get3A_1 = vector.load %arg1[%get3A, %get3A_0] : memref<64x8192xf32, #tpu.memory_space<vmem>>, vector<64x8192xf32>
    %transpose3A = tpu.transpose %get3A_1, [1, 0] : vector<64x8192xf32> -> vector<8192x64xf32>
    %broadcast_in_dim3A = arith.constant 0.000000e+00 : f32
    %broadcast_in_dim3A_2 = vector.broadcast %broadcast_in_dim3A : f32 to vector<8192x64xf32>
    %concatenate3A = tpu.concatenate %transpose3A, %broadcast_in_dim3A_2 in 1 : vector<8192x64xf32>, vector<8192x64xf32> -> vector<8192x128xf32>
    %swap3A = arith.constant 0 : index
    %swap3A_3 = arith.constant 0 : index
    %swap3A_4 = vector.load %arg2[%swap3A, %swap3A_3] : memref<8192x128xf32, #tpu.memory_space<vmem>>, vector<8192x128xf32>
    tpu.vector_store %arg2[%swap3A, %swap3A_3], %concatenate3A {strides = array<i32>} : memref<8192x128xf32, #tpu.memory_space<vmem>>, vector<8192x128xf32>,
    return
  }
  func.func @transform_0(%arg0: i32) -> (i32, i32) {
    %c0_i32 = arith.constant 0 : i32
    %c0_i32_0 = arith.constant 0 : i32
    return %c0_i32, %arg0 : i32, i32
  }
  func.func @transform_1(%arg0: i32) -> (i32, i32) {
    %c0_i32 = arith.constant 0 : i32
    %c0_i32_0 = arith.constant 0 : i32
    return %arg0, %c0_i32 : i32, i32
  }
}

module attributes {stable_mosaic.version = 14 : i64} {
  func.func @_tc_body(%arg0: i32, %arg1: memref<2048x128xf32, #tpu.memory_space<vmem>>, %arg2: memref<2048x128xf32, #tpu.memory_space<vmem>>, %arg3: memref<64x2048xf32, #tpu.memory_space<vmem>>, %arg4: memref<64x2048xf32, #tpu.memory_space<vmem>>, %arg5: memref<16x2048xf32, #tpu.memory_space<vmem>>, %arg6: memref<1x2048xf32, #tpu.memory_space<vmem>>, %arg7: memref<100x1xf32, #tpu.memory_space<vmem>>, %arg8: memref<100x1xf32, #tpu.memory_space<vmem>>, %arg9: memref<244x100xf32, #tpu.memory_space<vmem>>, %arg10: memref<100x1xf32, #tpu.memory_space<vmem>>, %arg11: memref<100x100xf32, #tpu.memory_space<vmem>>, %arg12: memref<100x1xf32, #tpu.memory_space<vmem>>, %arg13: memref<192x100xf32, #tpu.memory_space<vmem>>, %arg14: memref<192x64xf32, #tpu.memory_space<vmem>>, %arg15: memref<192x1xf32, #tpu.memory_space<vmem>>, %arg16: memref<192x1xf32, #tpu.memory_space<vmem>>, %arg17: memref<128x64xf32, #tpu.memory_space<vmem>>, %arg18: memref<64x1xf32, #tpu.memory_space<vmem>>, %arg19: memref<64x2048xf32, #tpu.memory_space<vmem>>, %arg20: memref<64x2048xf32, #tpu.memory_space<vmem>>, %arg21: memref<2048x128xf32, #tpu.memory_space<vmem>>, %arg22: memref<2048x128xf32, #tpu.memory_space<vmem>>) attributes {dimension_semantics = [#tpu.dimension_semantics<arbitrary>], iteration_bounds = array<i64: 8>, scalar_prefetch = 0 : i64, scratch_operands = 0 : i64, tpu.core_type = #tpu.core_type<tc>, window_params = [{transform_indices = @transform_0, window_bounds = array<i64: 2048, 128>}, {transform_indices = @transform_1, window_bounds = array<i64: 2048, 128>}, {transform_indices = @transform_2, window_bounds = array<i64: 64, 2048>}, {transform_indices = @transform_3, window_bounds = array<i64: 64, 2048>}, {transform_indices = @transform_4, window_bounds = array<i64: 16, 2048>}, {transform_indices = @transform_5, window_bounds = array<i64: 1, 2048>}, {pipeline_mode = #tpu.pipeline_mode<synchronous>, transform_indices = @transform_6, window_bounds = array<i64: 100, 1>}, {pipeline_mode = #tpu.pipeline_mode<synchronous>, transform_indices = @transform_7, window_bounds = array<i64: 100, 1>}, {pipeline_mode = #tpu.pipeline_mode<synchronous>, transform_indices = @transform_8, window_bounds = array<i64: 244, 100>}, {pipeline_mode = #tpu.pipeline_mode<synchronous>, transform_indices = @transform_9, window_bounds = array<i64: 100, 1>}, {pipeline_mode = #tpu.pipeline_mode<synchronous>, transform_indices = @transform_10, window_bounds = array<i64: 100, 100>}, {pipeline_mode = #tpu.pipeline_mode<synchronous>, transform_indices = @transform_11, window_bounds = array<i64: 100, 1>}, {pipeline_mode = #tpu.pipeline_mode<synchronous>, transform_indices = @transform_12, window_bounds = array<i64: 192, 100>}, {pipeline_mode = #tpu.pipeline_mode<synchronous>, transform_indices = @transform_13, window_bounds = array<i64: 192, 64>}, {pipeline_mode = #tpu.pipeline_mode<synchronous>, transform_indices = @transform_14, window_bounds = array<i64: 192, 1>}, {pipeline_mode = #tpu.pipeline_mode<synchronous>, transform_indices = @transform_15, window_bounds = array<i64: 192, 1>}, {pipeline_mode = #tpu.pipeline_mode<synchronous>, transform_indices = @transform_16, window_bounds = array<i64: 128, 64>}, {pipeline_mode = #tpu.pipeline_mode<synchronous>, transform_indices = @transform_17, window_bounds = array<i64: 64, 1>}, {transform_indices = @transform_18, window_bounds = array<i64: 64, 2048>}, {transform_indices = @transform_19, window_bounds = array<i64: 64, 2048>}, {transform_indices = @transform_20, window_bounds = array<i64: 2048, 128>}, {transform_indices = @transform_21, window_bounds = array<i64: 2048, 128>}]} {
    %get3A = arith.constant 0 : index
    %get3A_0 = arith.constant 0 : index
    %get3A_1 = vector.load %arg7[%get3A, %get3A_0] : memref<100x1xf32, #tpu.memory_space<vmem>>, vector<100x1xf32>
    %get3A_2 = arith.constant 0 : index
    %get3A_3 = arith.constant 0 : index
    %get3A_4 = vector.load %arg6[%get3A_2, %get3A_3] : memref<1x2048xf32, #tpu.memory_space<vmem>>, vector<1x2048xf32>
    %mul3A = vector.broadcast %get3A_1 : vector<100x1xf32> to vector<100x2048xf32>
    %mul3A_5 = vector.broadcast %get3A_4 : vector<1x2048xf32> to vector<100x2048xf32>
    %mul3A_6 = arith.mulf %mul3A, %mul3A_5 : vector<100x2048xf32>
    %get3A_7 = arith.constant 0 : index
    %get3A_8 = arith.constant 0 : index
    %get3A_9 = vector.load %arg8[%get3A_7, %get3A_8] : memref<100x1xf32, #tpu.memory_space<vmem>>, vector<100x1xf32>
    %add3A = vector.broadcast %get3A_9 : vector<100x1xf32> to vector<100x2048xf32>
    %add3A_10 = arith.addf %mul3A_6, %add3A : vector<100x2048xf32>
    %cos3A = math.cos %add3A_10 : vector<100x2048xf32>
    %get3A_11 = arith.constant 0 : index
    %get3A_12 = arith.constant 0 : index
    %get3A_13 = vector.load %arg1[%get3A_11, %get3A_12] : memref<2048x128xf32, #tpu.memory_space<vmem>>, vector<2048x128xf32>
    %slice3A = vector.extract_strided_slice %get3A_13 {offsets = [0, 0], sizes = [2048, 64], strides = [1, 1]} : vector<2048x128xf32> to vector<2048x64xf32>
    %transpose3A = tpu.transpose %slice3A, [1, 0] : vector<2048x64xf32> -> vector<64x2048xf32>
    %get3A_14 = arith.constant 0 : index
    %get3A_15 = arith.constant 0 : index
    %get3A_16 = vector.load %arg2[%get3A_14, %get3A_15] : memref<2048x128xf32, #tpu.memory_space<vmem>>, vector<2048x128xf32>
    %slice3A_17 = vector.extract_strided_slice %get3A_16 {offsets = [0, 0], sizes = [2048, 64], strides = [1, 1]} : vector<2048x128xf32> to vector<2048x64xf32>
    %transpose3A_18 = tpu.transpose %slice3A_17, [1, 0] : vector<2048x64xf32> -> vector<64x2048xf32>
    %get3A_19 = arith.constant 0 : index
    %get3A_20 = arith.constant 0 : index
    %get3A_21 = vector.load %arg5[%get3A_19, %get3A_20] : memref<16x2048xf32, #tpu.memory_space<vmem>>, vector<16x2048xf32>
    %concatenate3A = tpu.concatenate %transpose3A, %transpose3A_18, %get3A_21, %cos3A in 0 : vector<64x2048xf32>, vector<64x2048xf32>, vector<16x2048xf32>, vector<100x2048xf32> -> vector<244x2048xf32>
    %concatenate3A_22 = tpu.concatenate %transpose3A_18, %transpose3A, %get3A_21, %cos3A in 0 : vector<64x2048xf32>, vector<64x2048xf32>, vector<16x2048xf32>, vector<100x2048xf32> -> vector<244x2048xf32>
    %get3A_23 = arith.constant 0 : index
    %get3A_24 = arith.constant 0 : index
    %get3A_25 = vector.load %arg9[%get3A_23, %get3A_24] : memref<244x100xf32, #tpu.memory_space<vmem>>, vector<244x100xf32>
    %get3A_26 = arith.constant 0 : index
    %get3A_27 = arith.constant 0 : index
    %get3A_28 = vector.load %arg11[%get3A_26, %get3A_27] : memref<100x100xf32, #tpu.memory_space<vmem>>, vector<100x100xf32>
    %get3A_29 = arith.constant 0 : index
    %get3A_30 = arith.constant 0 : index
    %get3A_31 = vector.load %arg10[%get3A_29, %get3A_30] : memref<100x1xf32, #tpu.memory_space<vmem>>, vector<100x1xf32>
    %get3A_32 = arith.constant 0 : index
    %get3A_33 = arith.constant 0 : index
    %get3A_34 = vector.load %arg12[%get3A_32, %get3A_33] : memref<100x1xf32, #tpu.memory_space<vmem>>, vector<100x1xf32>
    %dot_general3A = arith.constant dense<0.000000e+00> : vector<100x2048xf32>
    %dot_general3A_35 = tpu.matmul %get3A_25, %concatenate3A, %dot_general3A {dimension_numbers = #tpu.dot_dimension_numbers<[0], [0], [1], [1], [0, 1, 1, 1], [], []>, transpose_lhs_hint = false} : vector<244x100xf32>, vector<244x2048xf32>, vector<100x2048xf32> -> vector<100x2048xf32>
    %add3A_36 = vector.broadcast %get3A_31 : vector<100x1xf32> to vector<100x2048xf32>
    %add3A_37 = arith.addf %dot_general3A_35, %add3A_36 : vector<100x2048xf32>
    %max3A = arith.constant 0.000000e+00 : f32
    %max3A_38 = vector.broadcast %max3A : f32 to vector<100x2048xf32>
    %max3A_39 = arith.maximumf %add3A_37, %max3A_38 : vector<100x2048xf32>
    %dot_general3A_40 = arith.constant dense<0.000000e+00> : vector<100x2048xf32>
    %dot_general3A_41 = tpu.matmul %get3A_28, %max3A_39, %dot_general3A_40 {dimension_numbers = #tpu.dot_dimension_numbers<[0], [0], [1], [1], [0, 1, 1, 1], [], []>, transpose_lhs_hint = false} : vector<100x100xf32>, vector<100x2048xf32>, vector<100x2048xf32> -> vector<100x2048xf32>
    %add3A_42 = vector.broadcast %get3A_34 : vector<100x1xf32> to vector<100x2048xf32>
    %add3A_43 = arith.addf %dot_general3A_41, %add3A_42 : vector<100x2048xf32>
    %dot_general3A_44 = arith.constant dense<0.000000e+00> : vector<100x2048xf32>
    %dot_general3A_45 = tpu.matmul %get3A_25, %concatenate3A_22, %dot_general3A_44 {dimension_numbers = #tpu.dot_dimension_numbers<[0], [0], [1], [1], [0, 1, 1, 1], [], []>, transpose_lhs_hint = false} : vector<244x100xf32>, vector<244x2048xf32>, vector<100x2048xf32> -> vector<100x2048xf32>
    %add3A_46 = vector.broadcast %get3A_31 : vector<100x1xf32> to vector<100x2048xf32>
    %add3A_47 = arith.addf %dot_general3A_45, %add3A_46 : vector<100x2048xf32>
    %max3A_48 = arith.constant 0.000000e+00 : f32
    %max3A_49 = vector.broadcast %max3A_48 : f32 to vector<100x2048xf32>
    %max3A_50 = arith.maximumf %add3A_47, %max3A_49 : vector<100x2048xf32>
    %dot_general3A_51 = arith.constant dense<0.000000e+00> : vector<100x2048xf32>
    %dot_general3A_52 = tpu.matmul %get3A_28, %max3A_50, %dot_general3A_51 {dimension_numbers = #tpu.dot_dimension_numbers<[0], [0], [1], [1], [0, 1, 1, 1], [], []>, transpose_lhs_hint = false} : vector<100x100xf32>, vector<100x2048xf32>, vector<100x2048xf32> -> vector<100x2048xf32>
    %add3A_53 = vector.broadcast %get3A_34 : vector<100x1xf32> to vector<100x2048xf32>
    %add3A_54 = arith.addf %dot_general3A_52, %add3A_53 : vector<100x2048xf32>
    %get3A_55 = arith.constant 0 : index
    %get3A_56 = arith.constant 0 : index
    %get3A_57 = vector.load %arg13[%get3A_55, %get3A_56] : memref<192x100xf32, #tpu.memory_space<vmem>>, vector<192x100xf32>
    %get3A_58 = arith.constant 0 : index
    %get3A_59 = arith.constant 0 : index
    %get3A_60 = vector.load %arg14[%get3A_58, %get3A_59] : memref<192x64xf32, #tpu.memory_space<vmem>>, vector<192x64xf32>
    %get3A_61 = arith.constant 0 : index
    %get3A_62 = arith.constant 0 : index
    %get3A_63 = vector.load %arg15[%get3A_61, %get3A_62] : memref<192x1xf32, #tpu.memory_space<vmem>>, vector<192x1xf32>
    %get3A_64 = arith.constant 0 : index
    %get3A_65 = arith.constant 0 : index
    %get3A_66 = vector.load %arg16[%get3A_64, %get3A_65] : memref<192x1xf32, #tpu.memory_space<vmem>>, vector<192x1xf32>
    %dot_general3A_67 = arith.constant dense<0.000000e+00> : vector<192x2048xf32>
    %dot_general3A_68 = tpu.matmul %get3A_57, %add3A_54, %dot_general3A_67 {dimension_numbers = #tpu.dot_dimension_numbers<[1], [0], [0], [1], [0, 0, 1, 1], [], []>, transpose_lhs_hint = false} : vector<192x100xf32>, vector<100x2048xf32>, vector<192x2048xf32> -> vector<192x2048xf32>
    %add3A_69 = vector.broadcast %get3A_63 : vector<192x1xf32> to vector<192x2048xf32>
    %add3A_70 = arith.addf %dot_general3A_68, %add3A_69 : vector<192x2048xf32>
    %dot_general3A_71 = arith.constant dense<0.000000e+00> : vector<192x2048xf32>
    %dot_general3A_72 = tpu.matmul %get3A_60, %transpose3A, %dot_general3A_71 {dimension_numbers = #tpu.dot_dimension_numbers<[1], [0], [0], [1], [0, 0, 1, 1], [], []>, transpose_lhs_hint = false} : vector<192x64xf32>, vector<64x2048xf32>, vector<192x2048xf32> -> vector<192x2048xf32>
    %add3A_73 = vector.broadcast %get3A_66 : vector<192x1xf32> to vector<192x2048xf32>
    %add3A_74 = arith.addf %dot_general3A_72, %add3A_73 : vector<192x2048xf32>
    %slice3A_75 = vector.extract_strided_slice %add3A_70 {offsets = [0, 0], sizes = [64, 2048], strides = [1, 1]} : vector<192x2048xf32> to vector<64x2048xf32>
    %slice3A_76 = vector.extract_strided_slice %add3A_74 {offsets = [0, 0], sizes = [64, 2048], strides = [1, 1]} : vector<192x2048xf32> to vector<64x2048xf32>
    %add3A_77 = arith.addf %slice3A_75, %slice3A_76 : vector<64x2048xf32>
    %logistic3A = arith.negf %add3A_77 : vector<64x2048xf32>
    %logistic3A_78 = math.exp %logistic3A : vector<64x2048xf32>
    %logistic3A_79 = arith.constant 1.000000e+00 : f32
    %logistic3A_80 = vector.broadcast %logistic3A_79 : f32 to vector<64x2048xf32>
    %logistic3A_81 = arith.addf %logistic3A_80, %logistic3A_78 : vector<64x2048xf32>
    %logistic3A_82 = arith.divf %logistic3A_80, %logistic3A_81 : vector<64x2048xf32>
    %slice3A_83 = vector.extract_strided_slice %add3A_70 {offsets = [64, 0], sizes = [64, 2048], strides = [1, 1]} : vector<192x2048xf32> to vector<64x2048xf32>
    %slice3A_84 = vector.extract_strided_slice %add3A_74 {offsets = [64, 0], sizes = [64, 2048], strides = [1, 1]} : vector<192x2048xf32> to vector<64x2048xf32>
    %add3A_85 = arith.addf %slice3A_83, %slice3A_84 : vector<64x2048xf32>
    %logistic3A_86 = arith.negf %add3A_85 : vector<64x2048xf32>
    %logistic3A_87 = math.exp %logistic3A_86 : vector<64x2048xf32>
    %logistic3A_88 = arith.constant 1.000000e+00 : f32
    %logistic3A_89 = vector.broadcast %logistic3A_88 : f32 to vector<64x2048xf32>
    %logistic3A_90 = arith.addf %logistic3A_89, %logistic3A_87 : vector<64x2048xf32>
    %logistic3A_91 = arith.divf %logistic3A_89, %logistic3A_90 : vector<64x2048xf32>
    %slice3A_92 = vector.extract_strided_slice %add3A_70 {offsets = [128, 0], sizes = [64, 2048], strides = [1, 1]} : vector<192x2048xf32> to vector<64x2048xf32>
    %slice3A_93 = vector.extract_strided_slice %add3A_74 {offsets = [128, 0], sizes = [64, 2048], strides = [1, 1]} : vector<192x2048xf32> to vector<64x2048xf32>
    %mul3A_94 = arith.mulf %logistic3A_82, %slice3A_93 : vector<64x2048xf32>
    %add3A_95 = arith.addf %slice3A_92, %mul3A_94 : vector<64x2048xf32>
    %tanh3A = math.tanh %add3A_95 : vector<64x2048xf32>
    %sub3A = arith.constant 1.000000e+00 : f32
    %sub3A_96 = vector.broadcast %sub3A : f32 to vector<64x2048xf32>
    %sub3A_97 = arith.subf %sub3A_96, %logistic3A_91 : vector<64x2048xf32>
    %mul3A_98 = arith.mulf %sub3A_97, %tanh3A : vector<64x2048xf32>
    %mul3A_99 = arith.mulf %logistic3A_91, %transpose3A : vector<64x2048xf32>
    %add3A_100 = arith.addf %mul3A_98, %mul3A_99 : vector<64x2048xf32>
    %dot_general3A_101 = arith.constant dense<0.000000e+00> : vector<192x2048xf32>
    %dot_general3A_102 = tpu.matmul %get3A_57, %add3A_43, %dot_general3A_101 {dimension_numbers = #tpu.dot_dimension_numbers<[1], [0], [0], [1], [0, 0, 1, 1], [], []>, transpose_lhs_hint = false} : vector<192x100xf32>, vector<100x2048xf32>, vector<192x2048xf32> -> vector<192x2048xf32>
    %add3A_103 = vector.broadcast %get3A_63 : vector<192x1xf32> to vector<192x2048xf32>
    %add3A_104 = arith.addf %dot_general3A_102, %add3A_103 : vector<192x2048xf32>
    %dot_general3A_105 = arith.constant dense<0.000000e+00> : vector<192x2048xf32>
    %dot_general3A_106 = tpu.matmul %get3A_60, %transpose3A_18, %dot_general3A_105 {dimension_numbers = #tpu.dot_dimension_numbers<[1], [0], [0], [1], [0, 0, 1, 1], [], []>, transpose_lhs_hint = false} : vector<192x64xf32>, vector<64x2048xf32>, vector<192x2048xf32> -> vector<192x2048xf32>
    %add3A_107 = vector.broadcast %get3A_66 : vector<192x1xf32> to vector<192x2048xf32>
    %add3A_108 = arith.addf %dot_general3A_106, %add3A_107 : vector<192x2048xf32>
    %slice3A_109 = vector.extract_strided_slice %add3A_104 {offsets = [0, 0], sizes = [64, 2048], strides = [1, 1]} : vector<192x2048xf32> to vector<64x2048xf32>
    %slice3A_110 = vector.extract_strided_slice %add3A_108 {offsets = [0, 0], sizes = [64, 2048], strides = [1, 1]} : vector<192x2048xf32> to vector<64x2048xf32>
    %add3A_111 = arith.addf %slice3A_109, %slice3A_110 : vector<64x2048xf32>
    %logistic3A_112 = arith.negf %add3A_111 : vector<64x2048xf32>
    %logistic3A_113 = math.exp %logistic3A_112 : vector<64x2048xf32>
    %logistic3A_114 = arith.constant 1.000000e+00 : f32
    %logistic3A_115 = vector.broadcast %logistic3A_114 : f32 to vector<64x2048xf32>
    %logistic3A_116 = arith.addf %logistic3A_115, %logistic3A_113 : vector<64x2048xf32>
    %logistic3A_117 = arith.divf %logistic3A_115, %logistic3A_116 : vector<64x2048xf32>
    %slice3A_118 = vector.extract_strided_slice %add3A_104 {offsets = [64, 0], sizes = [64, 2048], strides = [1, 1]} : vector<192x2048xf32> to vector<64x2048xf32>
    %slice3A_119 = vector.extract_strided_slice %add3A_108 {offsets = [64, 0], sizes = [64, 2048], strides = [1, 1]} : vector<192x2048xf32> to vector<64x2048xf32>
    %add3A_120 = arith.addf %slice3A_118, %slice3A_119 : vector<64x2048xf32>
    %logistic3A_121 = arith.negf %add3A_120 : vector<64x2048xf32>
    %logistic3A_122 = math.exp %logistic3A_121 : vector<64x2048xf32>
    %logistic3A_123 = arith.constant 1.000000e+00 : f32
    %logistic3A_124 = vector.broadcast %logistic3A_123 : f32 to vector<64x2048xf32>
    %logistic3A_125 = arith.addf %logistic3A_124, %logistic3A_122 : vector<64x2048xf32>
    %logistic3A_126 = arith.divf %logistic3A_124, %logistic3A_125 : vector<64x2048xf32>
    %slice3A_127 = vector.extract_strided_slice %add3A_104 {offsets = [128, 0], sizes = [64, 2048], strides = [1, 1]} : vector<192x2048xf32> to vector<64x2048xf32>
    %slice3A_128 = vector.extract_strided_slice %add3A_108 {offsets = [128, 0], sizes = [64, 2048], strides = [1, 1]} : vector<192x2048xf32> to vector<64x2048xf32>
    %mul3A_129 = arith.mulf %logistic3A_117, %slice3A_128 : vector<64x2048xf32>
    %add3A_130 = arith.addf %slice3A_127, %mul3A_129 : vector<64x2048xf32>
    %tanh3A_131 = math.tanh %add3A_130 : vector<64x2048xf32>
    %sub3A_132 = arith.constant 1.000000e+00 : f32
    %sub3A_133 = vector.broadcast %sub3A_132 : f32 to vector<64x2048xf32>
    %sub3A_134 = arith.subf %sub3A_133, %logistic3A_126 : vector<64x2048xf32>
    %mul3A_135 = arith.mulf %sub3A_134, %tanh3A_131 : vector<64x2048xf32>
    %mul3A_136 = arith.mulf %logistic3A_126, %transpose3A_18 : vector<64x2048xf32>
    %add3A_137 = arith.addf %mul3A_135, %mul3A_136 : vector<64x2048xf32>
    %broadcast_in_dim3A = arith.constant 0.000000e+00 : f32
    %broadcast_in_dim3A_138 = vector.broadcast %broadcast_in_dim3A : f32 to vector<2048x64xf32>
    %transpose3A_139 = tpu.transpose %add3A_100, [1, 0] : vector<64x2048xf32> -> vector<2048x64xf32>
    %concatenate3A_140 = tpu.concatenate %transpose3A_139, %broadcast_in_dim3A_138 in 1 : vector<2048x64xf32>, vector<2048x64xf32> -> vector<2048x128xf32>
    %swap3A = arith.constant 0 : index
    %swap3A_141 = arith.constant 0 : index
    %swap3A_142 = vector.load %arg21[%swap3A, %swap3A_141] : memref<2048x128xf32, #tpu.memory_space<vmem>>, vector<2048x128xf32>
    tpu.vector_store %arg21[%swap3A, %swap3A_141], %concatenate3A_140 {strides = array<i32>} : memref<2048x128xf32, #tpu.memory_space<vmem>>, vector<2048x128xf32>,
    %transpose3A_143 = tpu.transpose %add3A_137, [1, 0] : vector<64x2048xf32> -> vector<2048x64xf32>
    %concatenate3A_144 = tpu.concatenate %transpose3A_143, %broadcast_in_dim3A_138 in 1 : vector<2048x64xf32>, vector<2048x64xf32> -> vector<2048x128xf32>
    %swap3A_145 = arith.constant 0 : index
    %swap3A_146 = arith.constant 0 : index
    %swap3A_147 = vector.load %arg22[%swap3A_145, %swap3A_146] : memref<2048x128xf32, #tpu.memory_space<vmem>>, vector<2048x128xf32>
    tpu.vector_store %arg22[%swap3A_145, %swap3A_146], %concatenate3A_144 {strides = array<i32>} : memref<2048x128xf32, #tpu.memory_space<vmem>>, vector<2048x128xf32>,
    %get3A_148 = arith.constant 0 : index
    %get3A_149 = arith.constant 0 : index
    %get3A_150 = vector.load %arg17[%get3A_148, %get3A_149] : memref<128x64xf32, #tpu.memory_space<vmem>>, vector<128x64xf32>
    %get3A_151 = arith.constant 0 : index
    %get3A_152 = arith.constant 0 : index
    %get3A_153 = vector.load %arg18[%get3A_151, %get3A_152] : memref<64x1xf32, #tpu.memory_space<vmem>>, vector<64x1xf32>
    %get3A_154 = arith.constant 0 : index
    %get3A_155 = arith.constant 0 : index
    %get3A_156 = vector.load %arg3[%get3A_154, %get3A_155] : memref<64x2048xf32, #tpu.memory_space<vmem>>, vector<64x2048xf32>
    %concatenate3A_157 = tpu.concatenate %add3A_100, %get3A_156 in 0 : vector<64x2048xf32>, vector<64x2048xf32> -> vector<128x2048xf32>
    %dot_general3A_158 = arith.constant dense<0.000000e+00> : vector<64x2048xf32>
    %dot_general3A_159 = tpu.matmul %get3A_150, %concatenate3A_157, %dot_general3A_158 {dimension_numbers = #tpu.dot_dimension_numbers<[0], [0], [1], [1], [0, 1, 1, 1], [], []>, transpose_lhs_hint = false} : vector<128x64xf32>, vector<128x2048xf32>, vector<64x2048xf32> -> vector<64x2048xf32>
    %add3A_160 = vector.broadcast %get3A_153 : vector<64x1xf32> to vector<64x2048xf32>
    %add3A_161 = arith.addf %dot_general3A_159, %add3A_160 : vector<64x2048xf32>
    %swap3A_162 = arith.constant 0 : index
    %swap3A_163 = arith.constant 0 : index
    %swap3A_164 = vector.load %arg19[%swap3A_162, %swap3A_163] : memref<64x2048xf32, #tpu.memory_space<vmem>>, vector<64x2048xf32>
    tpu.vector_store %arg19[%swap3A_162, %swap3A_163], %add3A_161 {strides = array<i32>} : memref<64x2048xf32, #tpu.memory_space<vmem>>, vector<64x2048xf32>,
    %get3A_165 = arith.constant 0 : index
    %get3A_166 = arith.constant 0 : index
    %get3A_167 = vector.load %arg4[%get3A_165, %get3A_166] : memref<64x2048xf32, #tpu.memory_space<vmem>>, vector<64x2048xf32>
    %concatenate3A_168 = tpu.concatenate %add3A_137, %get3A_167 in 0 : vector<64x2048xf32>, vector<64x2048xf32> -> vector<128x2048xf32>
    %dot_general3A_169 = arith.constant dense<0.000000e+00> : vector<64x2048xf32>
    %dot_general3A_170 = tpu.matmul %get3A_150, %concatenate3A_168, %dot_general3A_169 {dimension_numbers = #tpu.dot_dimension_numbers<[0], [0], [1], [1], [0, 1, 1, 1], [], []>, transpose_lhs_hint = false} : vector<128x64xf32>, vector<128x2048xf32>, vector<64x2048xf32> -> vector<64x2048xf32>
    %add3A_171 = vector.broadcast %get3A_153 : vector<64x1xf32> to vector<64x2048xf32>
    %add3A_172 = arith.addf %dot_general3A_170, %add3A_171 : vector<64x2048xf32>
    %swap3A_173 = arith.constant 0 : index
    %swap3A_174 = arith.constant 0 : index
    %swap3A_175 = vector.load %arg20[%swap3A_173, %swap3A_174] : memref<64x2048xf32, #tpu.memory_space<vmem>>, vector<64x2048xf32>
    tpu.vector_store %arg20[%swap3A_173, %swap3A_174], %add3A_172 {strides = array<i32>} : memref<64x2048xf32, #tpu.memory_space<vmem>>, vector<64x2048xf32>,
    return
  }
  func.func @transform_0(%arg0: i32) -> (i32, i32) {
    %c0_i32 = arith.constant 0 : i32
    %c0_i32_0 = arith.constant 0 : i32
    return %arg0, %c0_i32 : i32, i32
  }
  func.func @transform_1(%arg0: i32) -> (i32, i32) {
    %c0_i32 = arith.constant 0 : i32
    %c0_i32_0 = arith.constant 0 : i32
    return %arg0, %c0_i32 : i32, i32
  }
  func.func @transform_2(%arg0: i32) -> (i32, i32) {
    %c0_i32 = arith.constant 0 : i32
    %c0_i32_0 = arith.constant 0 : i32
    return %c0_i32, %arg0 : i32, i32
  }
  func.func @transform_3(%arg0: i32) -> (i32, i32) {
    %c0_i32 = arith.constant 0 : i32
    %c0_i32_0 = arith.constant 0 : i32
    return %c0_i32, %arg0 : i32, i32
  }
  func.func @transform_4(%arg0: i32) -> (i32, i32) {
    %c0_i32 = arith.constant 0 : i32
    %c0_i32_0 = arith.constant 0 : i32
    return %c0_i32, %arg0 : i32, i32
  }
  func.func @transform_5(%arg0: i32) -> (i32, i32) {
    %c0_i32 = arith.constant 0 : i32
    %c0_i32_0 = arith.constant 0 : i32
    return %c0_i32, %arg0 : i32, i32
  }
  func.func @transform_6(%arg0: i32) -> (i32, i32) {
    %c0_i32 = arith.constant 0 : i32
    %c0_i32_0 = arith.constant 0 : i32
    %c0_i32_1 = arith.constant 0 : i32
    return %c0_i32, %c0_i32_0 : i32, i32
  }
  func.func @transform_7(%arg0: i32) -> (i32, i32) {
    %c0_i32 = arith.constant 0 : i32
    %c0_i32_0 = arith.constant 0 : i32
    %c0_i32_1 = arith.constant 0 : i32
    return %c0_i32, %c0_i32_0 : i32, i32
  }
  func.func @transform_8(%arg0: i32) -> (i32, i32) {
    %c0_i32 = arith.constant 0 : i32
    %c0_i32_0 = arith.constant 0 : i32
    %c0_i32_1 = arith.constant 0 : i32
    return %c0_i32, %c0_i32_0 : i32, i32
  }
  func.func @transform_9(%arg0: i32) -> (i32, i32) {
    %c0_i32 = arith.constant 0 : i32
    %c0_i32_0 = arith.constant 0 : i32
    %c0_i32_1 = arith.constant 0 : i32
    return %c0_i32, %c0_i32_0 : i32, i32
  }
  func.func @transform_10(%arg0: i32) -> (i32, i32) {
    %c0_i32 = arith.constant 0 : i32
    %c0_i32_0 = arith.constant 0 : i32
    %c0_i32_1 = arith.constant 0 : i32
    return %c0_i32, %c0_i32_0 : i32, i32
  }
  func.func @transform_11(%arg0: i32) -> (i32, i32) {
    %c0_i32 = arith.constant 0 : i32
    %c0_i32_0 = arith.constant 0 : i32
    %c0_i32_1 = arith.constant 0 : i32
    return %c0_i32, %c0_i32_0 : i32, i32
  }
  func.func @transform_12(%arg0: i32) -> (i32, i32) {
    %c0_i32 = arith.constant 0 : i32
    %c0_i32_0 = arith.constant 0 : i32
    %c0_i32_1 = arith.constant 0 : i32
    return %c0_i32, %c0_i32_0 : i32, i32
  }
  func.func @transform_13(%arg0: i32) -> (i32, i32) {
    %c0_i32 = arith.constant 0 : i32
    %c0_i32_0 = arith.constant 0 : i32
    %c0_i32_1 = arith.constant 0 : i32
    return %c0_i32, %c0_i32_0 : i32, i32
  }
  func.func @transform_14(%arg0: i32) -> (i32, i32) {
    %c0_i32 = arith.constant 0 : i32
    %c0_i32_0 = arith.constant 0 : i32
    %c0_i32_1 = arith.constant 0 : i32
    return %c0_i32, %c0_i32_0 : i32, i32
  }
  func.func @transform_15(%arg0: i32) -> (i32, i32) {
    %c0_i32 = arith.constant 0 : i32
    %c0_i32_0 = arith.constant 0 : i32
    %c0_i32_1 = arith.constant 0 : i32
    return %c0_i32, %c0_i32_0 : i32, i32
  }
  func.func @transform_16(%arg0: i32) -> (i32, i32) {
    %c0_i32 = arith.constant 0 : i32
    %c0_i32_0 = arith.constant 0 : i32
    %c0_i32_1 = arith.constant 0 : i32
    return %c0_i32, %c0_i32_0 : i32, i32
  }
  func.func @transform_17(%arg0: i32) -> (i32, i32) {
    %c0_i32 = arith.constant 0 : i32
    %c0_i32_0 = arith.constant 0 : i32
    %c0_i32_1 = arith.constant 0 : i32
    return %c0_i32, %c0_i32_0 : i32, i32
  }
  func.func @transform_18(%arg0: i32) -> (i32, i32) {
    %c0_i32 = arith.constant 0 : i32
    %c0_i32_0 = arith.constant 0 : i32
    return %c0_i32, %arg0 : i32, i32
  }
  func.func @transform_19(%arg0: i32) -> (i32, i32) {
    %c0_i32 = arith.constant 0 : i32
    %c0_i32_0 = arith.constant 0 : i32
    return %c0_i32, %arg0 : i32, i32
  }
  func.func @transform_20(%arg0: i32) -> (i32, i32) {
    %c0_i32 = arith.constant 0 : i32
    %c0_i32_0 = arith.constant 0 : i32
    return %arg0, %c0_i32 : i32, i32
  }
  func.func @transform_21(%arg0: i32) -> (i32, i32) {
    %c0_i32 = arith.constant 0 : i32
    %c0_i32_0 = arith.constant 0 : i32
    return %arg0, %c0_i32 : i32, i32
  }
}

module attributes {stable_mosaic.version = 14 : i64} {
  func.func @_tail_body(%arg0: i32, %arg1: memref<64x1000000xf32, #tpu.memory_space<any>>, %arg2: memref<64x128xf32, #tpu.memory_space<vmem>>, %arg3: memref<64x128xf32, #tpu.memory_space<vmem>>) attributes {dimension_semantics = [#tpu.dimension_semantics<arbitrary>], iteration_bounds = array<i64: 1>, scalar_prefetch = 0 : i64, scratch_operands = 0 : i64, tpu.core_type = #tpu.core_type<tc>, window_params = [{}, {pipeline_mode = #tpu.pipeline_mode<synchronous>, transform_indices = @transform_1, window_bounds = array<i64: 64, 128>}, {transform_indices = @transform_2, window_bounds = array<i64: 64, 128>}]} {
    %get3A = arith.constant 0 : index
    %get3A_0 = arith.constant 0 : index
    %get3A_1 = vector.load %arg2[%get3A, %get3A_0] : memref<64x128xf32, #tpu.memory_space<vmem>>, vector<64x128xf32>
    %swap3A = arith.constant 0 : index
    %swap3A_2 = arith.constant 0 : index
    %swap3A_3 = vector.load %arg3[%swap3A, %swap3A_2] : memref<64x128xf32, #tpu.memory_space<vmem>>, vector<64x128xf32>
    tpu.vector_store %arg3[%swap3A, %swap3A_2], %get3A_1 {strides = array<i32>} : memref<64x128xf32, #tpu.memory_space<vmem>>, vector<64x128xf32>,
    return
  }
  func.func @transform_1(%arg0: i32) -> (i32, i32) {
    %c0_i32 = arith.constant 0 : i32
    %c0_i32_0 = arith.constant 0 : i32
    %c0_i32_1 = arith.constant 0 : i32
    return %c0_i32, %c0_i32_0 : i32, i32
  }
  func.func @transform_2(%arg0: i32) -> (i32, i32) {
    %c0_i32 = arith.constant 0 : i32
    %c7812_i32 = arith.constant 7812 : i32
    %c0_i32_0 = arith.constant 0 : i32
    return %c0_i32, %c7812_i32 : i32, i32
  }
}

</mosaic_0001>

<sc_bundles>
// kernel: kernel.10.cloned.1.call-start
scs
__scs_entry_jumppad:
0x0: {  	(pc) =	sbr.rel $0x88, $3  }
0x1: {  	(tag) =	ssettag $0x0;
	lr =	simm.s32 $0x1  }
0x2: {  	[smem:$0x3F8E] =	sst lr;
	_ =	strace $0xD0000000  }
0x3: {  	_ = 	snop  }
0x4: {  	_ = 	snop  }
0x5: {  	_ = 	snop  }
0x6: {  	_ = 	snop  }
0x7: {  	_ = 	snop  }
__scs_overlays_trampoline_lowered:
0x8: {  	[smem:$0x3F9D] =	sst s0  }
0x9: {  	[smem:$0x3F9E] =	sst s1  }
0xa: {  	[smem:$0x3F9F] =	sst s2  }
0xb: {  	[smem:$0x3FA0] =	sst s3  }
0xc: {  	[smem:$0x3FA1] =	sst s4  }
0xd: {  	[smem:$0x3FA2] =	sst s5  }
0xe: {  	[smem:$0x3FA3] =	sst s6  }
0xf: {  	[smem:$0x3FA4] =	sst s7  }
0x10: {  	[smem:$0x3FA5] =	sst s8  }
0x11: {  	[smem:$0x3FA6] =	sst s9;
	s0 =	simm.s32 @!p0 $0x0  }
0x12: {  	s1 =	sld [smem:$0x3F8C];
	s0 =	simm.s32 @p0 $0x1  }
0x13: {  	[smem:$0x3FA7] =	sst s0;
	s0 =	simm.s32 @!p1 $0x0  }
0x14: {  	s2 =	sld [smem:$0x3F8B];
	s0 =	simm.s32 @p1 $0x1  }
0x15: {  	[smem:$0x3FA8] =	sst s0;
	s0 =	simm.s32 @!p2 $0x0  }
0x16: {  	s3 =	sld [smem:$0x3FDB];
	s0 =	simm.s32 @p2 $0x1  }
0x17: {  	s4 =	simm.s32 $0x1BF5;
	[smem:$0x3FAA] =	sst s0  }
0x18: {  	s0 =	sld [smem:$0x3F8D];
	_ =	swait.ge [sflag:s4], $0x0  }
0x19: {  	s7 =	sld [smem:$0x3F8E]  }
0x1a: {  	s8 =	sadd.s32 $0xFFFFE003, lr  }
0x1b: {  	s9 =	sadd.s32 $0xFFFFFEF7, lr;
	s5 =	simm.s32 $0xFFFFFFFF;
	p2 =	slt.u32 s8, $0xFFFFF086  }
0x1c: {  	p1 =	slt.u32 s9, $0xF7A;
	s5 =	simm.s32 @!p2 $0x0  }
0x1d: {  	s5 =	simm.s32 @p1 $0x1;
	p0 =	seq.s32 s7, s2  }
0x1e: {  	s7 =	smul.u32 @!p0 $0xF7A, s2;
	p2 =	seq.s32 @!p0 s5, $0x0  }
0x1f: {  	s9 =	smul.u32 $0xF7A, s1;
	s8 =	simm.s32 @!p0 $0x1BF5;
	p2 =	por !p2, p0  }
0x20: {  	[sflag:s8] =	ssyncset.s32 @!p0 $0xFFFFF086;
	s6 =	sadd.s32 @!p0 s3, s7;
	s7 =	simm.s32 @!p0 $0x108  }
0x21: {  	s3 =	sadd.s32 s3, s9;
	s6 =	sadd.s32 @!p0 $0x88, s6;
	s7 =	simm.s32 @p2 $0x1082  }
0x22: {  	[simem:s7], [sflag:s8] =	dma.local @!p0 [hbm:s6], $0xF7A  }
0x23: {  	s9 =	sor.u32 $0xD0000000, s2;
	s6 =	simm.s32 $0x108;
	_ =	swait.ge @!p0 [sflag:s8], $0x0  }
0x24: {  	s3 =	sadd.s32 $0x88, s3;
	s6 =	simm.s32 @!p1 $0x1082;
	[sflag:s4] =	ssyncset.s32 $0xFFFFF086  }
0x25: {  	[simem:s6], [sflag:s4] =	dma.local [hbm:s3], $0xF7A  }
0x26: {  	[smem:$0x3F8E] =	sst s1;
	(tag) =	ssettag s2;
	_ =	strace s9  }
0x27: {  	s1 =	sld [smem:$0x3F9E]  }
0x28: {  	s2 =	sld [smem:$0x3F9F]  }
0x29: {  	s4 =	sld [smem:$0x3FA1]  }
0x2a: {  	p0 =	seq.s32 s5, $0x0;
	s5 =	sld [smem:$0x3FA2]  }
0x2b: {  	s6 =	sld [smem:$0x3FA3]  }
0x2c: {  	s7 =	sld [smem:$0x3FA4]  }
0x2d: {  	s3 =	simm.s32 $0x108;
	s8 =	sld [smem:$0x3FA5]  }
0x2e: {  	s3 =	simm.s32 @!p0 $0x1082;
	s9 =	sld [smem:$0x3FA6]  }
0x2f: {  	lr =	sadd.s32 s0, s3;
	s0 =	sld [smem:$0x3F9D]  }
0x30: {  	s3 =	sld [smem:$0x3FA0]  }
0x31: {  	[smem:$0x3FA9] =	sst s10  }
0x32: {  	s10 =	sld [smem:$0x3FA7];
	_ =	sdelay $0x3  }
0x33: {  	p0 =	seq.s32 s10, $0x1;
	s10 =	sld [smem:$0x3FA9];
	_ =	sdelay $0x3  }
0x34: {  	[smem:$0x3FA9] =	sst s10  }
0x35: {  	s10 =	sld [smem:$0x3FA8];
	_ =	sdelay $0x3  }
0x36: {  	p1 =	seq.s32 s10, $0x1;
	s10 =	sld [smem:$0x3FA9];
	_ =	sdelay $0x3  }
0x37: {  	[smem:$0x3FA9] =	sst s10  }
0x38: {  	s10 =	sld [smem:$0x3FAA]  }
0x39: {  	_ = 	snop;
	(pc) =	sbr.ind lr, $3  }
0x3a: {  	_ = 	snop  }
0x3b: {  	_ = 	snop  }
0x3c: {  	p2 =	seq.s32 s10, $0x1;
	s10 =	sld [smem:$0x3FA9]  }
0x3d: {  	_ =	shalt  }
0x3e: {  	_ =	shalt  }
0x3f: {  	_ =	shalt  }
0x40: {  	_ =	shalt  }
0x41: {  	_ =	shalt  }
0x42: {  	_ =	shalt  }
0x43: {  	_ =	shalt  }
0x44: {  	_ =	shalt  }
0x45: {  	_ =	shalt  }
0x46: {  	_ =	shalt  }
0x47: {  	_ =	shalt  }
0x48: {  	_ =	shalt  }
0x49: {  	_ =	shalt  }
0x4a: {  	_ =	shalt  }
0x4b: {  	_ =	shalt  }
0x4c: {  	_ =	shalt  }
0x4d: {  	_ =	shalt  }
0x4e: {  	_ =	shalt  }
0x4f: {  	_ =	shalt  }
0x50: {  	_ =	shalt  }
0x51: {  	_ =	shalt  }
0x52: {  	_ =	shalt  }
0x53: {  	_ =	shalt  }
0x54: {  	_ =	shalt  }
0x55: {  	_ =	shalt  }
0x56: {  	_ =	shalt  }
0x57: {  	_ =	shalt  }
0x58: {  	_ =	shalt  }
0x59: {  	_ =	shalt  }
0x5a: {  	_ =	shalt  }
0x5b: {  	_ =	shalt  }
0x5c: {  	_ =	shalt  }
0x5d: {  	_ =	shalt  }
0x5e: {  	_ =	shalt  }
0x5f: {  	_ =	shalt  }
0x60: {  	_ =	shalt  }
0x61: {  	_ =	shalt  }
0x62: {  	_ =	shalt  }
0x63: {  	_ =	shalt  }
0x64: {  	_ =	shalt  }
0x65: {  	_ =	shalt  }
0x66: {  	_ =	shalt  }
0x67: {  	_ =	shalt  }
0x68: {  	_ =	shalt  }
0x69: {  	_ =	shalt  }
0x6a: {  	_ =	shalt  }
0x6b: {  	_ =	shalt  }
0x6c: {  	_ =	shalt  }
0x6d: {  	_ =	shalt  }
0x6e: {  	_ =	shalt  }
0x6f: {  	_ =	shalt  }
0x70: {  	_ =	shalt  }
0x71: {  	_ =	shalt  }
0x72: {  	_ =	shalt  }
0x73: {  	_ =	shalt  }
0x74: {  	_ =	shalt  }
0x75: {  	_ =	shalt  }
0x76: {  	_ =	shalt  }
0x77: {  	_ =	shalt  }
0x78: {  	_ =	shalt  }
0x79: {  	_ =	shalt  }
0x7a: {  	_ =	shalt  }
0x7b: {  	_ =	shalt  }
0x7c: {  	_ =	shalt  }
0x7d: {  	_ =	shalt  }
0x7e: {  	_ =	shalt  }
0x7f: {  	_ =	shalt  }
0x80: {  	_ =	shalt  }
0x81: {  	_ =	shalt  }
0x82: {  	_ =	shalt  }
0x83: {  	_ =	shalt  }
0x84: {  	_ =	shalt  }
0x85: {  	_ =	shalt  }
0x86: {  	_ =	shalt  }
0x87: {  	_ =	shalt  }
.Lfunc_end0:
.L_simem_size_0:
called_computation.2_lowered:
.L_overlay_start_0:
0x88: {  	s2 =	sld [smem:$0x3FD9]  }
0x89: {  	s3 =	sld [smem:$0x3FFE];
	_ =	sdelay $0x1  }
0x8a: {  	s1 =	srdreg.scid  }
0x8b: {  	s0 =	sand.u32 $0x1, s1  }
0x8c: {  	s15 =	sshll.u32 s0, $0xA;
	s2 =	sadd.s32 s3, s2  }
0x8d: {  	s2 =	sadd.s32 s2, s15  }
0x8e: {  	[smem:$0x3FB5] =	sst s2  }
0x8f: {  	_ = 	snop  }
0x90: {  	s4 =	sld [smem:$0x3FD0]  }
0x91: {  	s2 =	sld [smem:$0x3FC7]  }
0x92: {  	s16 =	sld [smem:$0x3FC6]  }
0x93: {  	s6 =	simm.s32 $0xB;
	s7 =	simm.s32 $0x10;
	s5 =	sld [smem:$0x3FC3]  }
0x94: {  	[smem:s7], [sflag:s6] =	dma.local [hbm:s4], $0x1  }
0x95: {  	_ =	swait.eq [sflag:s6], $0x1  }
0x96: {  	[sflag:s6] =	ssyncset.done $0x0  }
0x97: {  	[sflag:s6] =	ssyncadd.s32 $0xFFFFFFFF  }
0x98: {  	s17 =	sld [smem:$0x11];
	(tm) =	ssettm $0x1  }
0x99: {  	s18 =	sld [smem:$0x3FFB];
	_ =	sdelay $0x3  }
0x9a: {  	_ =	strace s18  }
0x9b: {  	s4 =	sld [smem:$0x3FFC];
	_ =	sdelay $0x3  }
0x9c: {  	_ =	strace s4  }
0x9d: {  	s4 =	sld [smem:$0x3FFD];
	_ =	sdelay $0x3  }
0x9e: {  	_ =	strace s4  }
0x9f: {  	_ =	strace $0x8FFFFFFF  }
0xa0: {  	s19 =	sld [smem:$0x3FDB];
	_ =	sdelay $0x1  }
0xa1: {  	s20 =	simm.s32 $_scs_section_size  }
0xa2: {  	s8 =	simm.s32 $_size__tile_overlayer_lowered;
	s9 =	simm.s32 $_tile_overlayer_lowered  }
0xa3: {  	s10 =	simm.s32 $0x1BFF;
	s21 =	sshll.u32 s9, $0x1;
	s7 =	sadd.s32 s20, s19  }
0xa4: {  	s22 =	simm.s32 $0x0;
	s8 =	sshll.u32 s8, $0x1;
	s9 =	sadd.s32 s21, s7  }
0xa5: {  	[timem:s22], [sflag:s10] =	dma.local [hbm:s9], s8  }
0xa6: {  	_ =	swait.ge [sflag:s10], s8  }
0xa7: {  	s8 =	ssub.s32 $0x0, s8;
	[sflag:s10] =	ssyncset.done $0x0  }
0xa8: {  	[sflag:s10] =	ssyncadd.s32 s8;
	_ =	sdelay $0x1  }
0xa9: {  	s23 =	simm.s32 $0x1B8B  }
0xaa: {  	_ =	swait.ge [sflag:s23], $0x1  }
0xab: {  	[sflag:s23] =	ssyncset.done $0x0  }
0xac: {  	[sflag:s23] =	ssyncadd.s32 $0xFFFFFFFF  }
0xad: {  	s8 =	sld [smem:$0x0]  }
0xae: {  	s9 =	sand.u32 $0xFFFFFFFE, s1  }
0xaf: {  	p0 =	sne.s32 s1, s9  }
0xb0: {  	s9 =	sshll.u32 @p0 s9, $0xE  }
0xb1: {  	s9 =	sadd.s32 @p0 $0x11B8D, s9;
	s10 =	sshll.u32 @p0 s8, $0x11  }
0xb2: {  	s9 =	sor.u32 @p0 s10, s9  }
0xb3: {  	[sflag:s9] =	ssyncadd.remote.s32 @p0 $0x1;
	_ =	sdelay $0x1  }
0xb4: {  	s9 =	simm.s32 @p0 $0x1B8D  }
0xb5: {  	_ =	swait.eq @p0 [sflag:s9], $0x1  }
0xb6: {  	[sflag:s9] =	ssyncadd.s32 @p0 $0xFFFFFFFF  }
0xb7: {  	s10 =	sshll.u32 @!p0 s1, $0xE  }
0xb8: {  	s10 =	sor.u32 @!p0 $0x4000, s10;
	s9 =	simm.s32 @!p0 $0x1B8D  }
0xb9: {  	s8 =	sshll.u32 @!p0 s8, $0x11;
	s10 =	sadd.s32 @!p0 $0x11B8D, s10;
	_ =	swait.eq @!p0 [sflag:s9], $0x1  }
0xba: {  	s8 =	sor.u32 @!p0 s8, s10;
	[sflag:s9] =	ssyncadd.s32 @!p0 $0xFFFFFFFF  }
0xbb: {  	s25 =	simm.s32 $0x1B8E;
	s24 =	sld [smem:$0x3FFE];
	[sflag:s8] =	ssyncadd.remote.s32 @!p0 $0x1  }
0xbc: {  	s26 =	simm.s32 $execute0_lowered;
	[smem:$0x3FD2] =	sst s25  }
0xbd: {  	s9 =	sshll.u32 s26, $0x1;
	_ =	strace $0x8000004C;
	[dreg:$0x1] =	wrdreg $0xFFFFFFFF  }
0xbe: {  	s28 =	simm.s32 $_size_execute0_lowered;
	s7 =	sadd.s32 s7, s9;
	[dreg:$0x0] =	wrdreg $0x0  }
0xbf: {  	s9 =	sshll.u32 s28, $0x1;
	[dreg:$0x2] =	wrdreg s7  }
0xc0: {  	[dreg:$0x3] =	wrdreg s9  }
0xc1: {  	[dreg:$0x4] =	wrdreg $0xC0  }
0xc2: {  	_ =	task [dreg:s22], $0x5FFFF  }
0xc3: {  	[dreg:$0x1] =	wrdreg $0xFFFFFFFF  }
0xc4: {  	[dreg:$0x0] =	wrdreg $0x60  }
0xc5: {  	[dreg:$0x2] =	wrdreg s5  }
0xc6: {  	[dreg:$0x3] =	wrdreg s2  }
0xc7: {  	[dreg:$0x4] =	wrdreg s16  }
0xc8: {  	[dreg:$0x5] =	wrdreg s24  }
0xc9: {  	[dreg:$0x6] =	wrdreg s17  }
0xca: {  	[dreg:$0x7] =	wrdreg $0xA  }
0xcb: {  	_ =	task.clear_ibuf [dreg:s22], $0x8FFFF;
	_ =	strace $0x9000004C  }
0xcc: {  	s29 =	simm.s32 $0xA;
	_ =	strace $0x8000004E  }
0xcd: {  	_ =	swait.ge [sflag:s29], $0x1  }
0xce: {  	[sflag:s29] =	ssyncadd.s32 $0xFFFFFFFF  }
0xcf: {  	_ =	strace $0x9000004E  }
0xd0: {  	_ =	sfence  }
0xd1: {  	s30 =	sld [smem:$0x0];
	_ =	sdelay $0x2  }
0xd2: {  	s31 =	sshll.u32 s1, $0xD;
	s1 =	sshrl.u32 s1, $0x2  }
0xd3: {  	s3 =	sand.u32 $0x4000, s31;
	s1 =	sadd.s32 s1, s30  }
0xd4: {  	s0 =	sor.u32 s3, s0;
	s1 =	sshll.u32 s1, $0x11  }
0xd5: {  	s0 =	sor.u32 s1, s0  }
0xd6: {  	s0 =	sadd.s32 $0x8F2B, s0  }
0xd7: {  	[sflag:s0] =	ssyncadd.remote.s32 $0x1  }
0xd8: {  	_ =	sfence.sel $0xFFFF  }
0xd9: {  	[dreg:$0x0] =	wrdreg $0xFFFFFFFF;
	(pc) =	sbr.abs _section_cstart, $3  }
0xda: {  	[dreg:$0x1] =	wrdreg $0xFFFFFFFF  }
0xdb: {  	_ =	task.clear_ibuf [dreg:s22], $0x2FFFF;
	_ =	strace $0x9FFFFFFF  }
0xdc: {  	(tm) =	ssettm $0x7FFFFFFF  }
0xdd: {  	_ =	shalt  }
tec
execute0_lowered:
.L_overlay_start_1:
0x0: {  	(tag) =	ssettag $0x1  }
0x1: {  	s1 =	rddreg [dreg:$0x0]  }
0x2: {  	s9 =	rddreg [dreg:$0x1]  }
0x3: {  	s10 =	rddreg [dreg:$0x2]  }
0x4: {  	s0 =	rddreg [dreg:$0x3]  }
0x5: {  	s4 =	rddreg [dreg:$0x4];
	s6 =	simm.s32 $0x0;
	s2 =	srdreg.scid  }
0x6: {  	s5 =	stileid.u32;
	s8 =	simm.s32 $0x7C00;
	s15 =	simm.s32 $0xF8  }
0x7: {  	s28 =	simm.s32 $0x7A1400;
	s29 =	simm.s32 $0x14880;
	s30 =	simm.s32 $0x0  }
0x8: {  	[smem:$0x7FF] =	sst s6;
	s2 =	sand.u32 $0x1, s2;
	s11 =	sadd.s32 $0x200, s9  }
0x9: {  	s22 =	sadd.s32 $0x400, s9;
	_ =	strace $0x8000004D;
	[dreg:$0x6] =	wrdreg s11  }
0xa: {  	s5 =	sshll.u32 s5, $0x1;
	s9 =	sadd.s32 $0x600, s9;
	[dreg:$0x7] =	wrdreg s22  }
0xb: {  	s7 =	sadd.s32 $0x40000, s0;
	s23 =	sadd.s32 $0x200, s10;
	[dreg:$0x8] =	wrdreg s9  }
0xc: {  	s24 =	sadd.s32 $0x400, s10;
	s25 =	sadd.s32 $0x600, s10;
	[dreg:$0x9] =	wrdreg s23  }
0xd: {  	s3 =	ssub.s32 $0x2, s2;
	s2 =	sor.u32 s2, s5;
	[dreg:$0xa] =	wrdreg s24  }
0xe: {  	[dreg:$0xb] =	wrdreg s25;
	s22 =	simm.s32 $0x80;
	s23 =	simm.s32 $0x10800  }
0xf: {  	v0 =	vimm.s32 $0xEDCBA987;
	s24 =	simm.s32 $0x10880;
	s25 =	simm.s32 $0x2;
	s5 =	smul.u32 $0x7A00, s2  }
0x10: {  	v1 =	vimm.s32 $0x65432100;
	v2 =	vunpack.c.l.s4.s8 v0;
	s21 =	sshrl.u32 s3, $0x1;
	p0 =	seq.s32 s2, $0x1F;
	s17 =	smul.u32 $0xF4, s2  }
.Ltmp0:
0x11: {  	v3 =	vunpack.c.l.s4.s8 v1;
	s0 =	ssub.s32 s3, s21;
	s3 =	simm.s32 $0x7C00;
	(pc) =	sbr.rel .LBB2_1-.Ltmp0, $4  }
0x12: {  	v4 =	vlaneseq.u32;
	v5 =	vunpack.c.0.s8.s32 v2;
	s15 =	simm.s32 @!p0 $0xF4;
	s21 =	simm.s32 $0x1;
	s3 =	simm.s32 @!p0 $0x7A00  }
0x13: {  	vm0 =	vmmov $0x1;
	v6 =	vunpack.c.0.s8.s32 v3;
	v3 =	vimm.s32 $0xFFFFFFFF;
	s16 =	sadd.s32 s1, s5;
	s20 =	smax.u32 s0, $0x1;
	s0 =	simm.s32 $0x3  }
0x14: {  	v0 =	vmov s5;
	v5 =	vand.u32 $0xF, v5;
	s5 =	simm.s32 $0x4;
	s26 =	sadd.s32 $0xFFFFFFFF, s3;
	s31 =	sadd.s32 $0x80, s16;
	v1 =	vmov s3  }
0x15: {  	s19 =	sadd.s32 $0x100, s16;
	v5 =	vcombine.low v6, v5;
	v6 =	vimm.s32 $0x0;
	[dreg:$0xc] =	wrdreg s31;
	v2 =	vmov s26;
	s26 =	simm.s32 $0x400  }
.LBB2_30:
0x16: {  	s30 =	sadd.s32 $0x1, s30  }
0x17: {  	_ =	swait.ge [sflag:s5], $0x2000;
	p0 =	sne.s32 s30, s20  }
.Ltmp1:
0x18: {  	[sflag:s5] =	ssyncset.done $0x0;
	(pc) =	sbr.rel @!p0 .LBB2_31-.Ltmp1, $4  }
0x19: {  	[sflag:s5] =	ssyncadd.s32 $0xFFFFE000  }
0x1a: {  	_ =	swait.ge [sflag:s5], $0x2000  }
0x1b: {  	[sflag:s5] =	ssyncset.done $0x0  }
0x1c: {  	[sflag:s5] =	ssyncadd.s32 $0xFFFFE000  }
.LBB2_1:
0x1d: {  	s2 =	simm.s32 $0x40;
	s3 =	simm.s32 $0x0  }
.LBB2_2:
0x1e: {  	p0 =	sne.s32 s2, $0x1EFC0;
	[tilespmem:s3+$0x0] =	vst v3;
	s3 =	smov.u32 s2;
	s2 =	sadd.s32 $0x40, s2  }
.Ltmp2:
0x1f: {  	(pc) =	sbr.rel @p0 .LBB2_2-.Ltmp2, $2  }
0x20: {  	_ =	sdelay $0x2  }
0x21: {  	s3 =	sshra.s32 s3, $0x2  }
0x22: {  	[tilespmem:s3+$0x0] =	vst v3;
	s2 =	simm.s32 $0x0;
	s3 =	simm.s32 $0xF800;
	s9 =	rddreg [dreg:$0x1]  }
0x23: {  	[tilespmem:s3], [sflag:$0x1] =	stream.linear.gather [hbm4b:s9+s2], $0x1000, $0x38;
	[tilespmem:$0x1E880] =	vst v63  }
0x24: {  	_ =	swait.ge [sflag:s21], $0x1000  }
0x25: {  	[sflag:s21] =	ssyncset.done $0x0  }
0x26: {  	[sflag:s21] =	ssyncadd.s32 $0xFFFFF000  }
0x27: {  	s9 =	simm.s32 $0x10;
	v7 =	vld [tilespmem:s3+$0x0]  }
.LBB2_4:
0x28: {  	p0 =	sne.s32 s9, $0xFF0;
	_ =	sdelay $0x3  }
0x29: {  	v7 =	vsub.s32 v7, v0  }
0x2a: {  	v8 =	vshll.u32 v7, $0xF  }
0x2b: {  	vm1 =	vgt.s32 v7, $0xFFFFFFFF;
	vm2 =	vlt.s32 v7, v1;
	v7 =	vadd.s32 s2, v8;
	s2 =	smov.u32 s9  }
0x2c: {  	vm1 =	vmand vm1, vm2;
	v7 =	vadd.s32 v4, v7  }
0x2d: {  	v7 =	vnsel vm1, $0xFFFFFFFF, v7  }
0x2e: {  	v8 =	vxor.u32 $0x80000000, v7  }
0x2f: {  	(xrf1) =	vsort.dscd.msk.u32 $0xffff, v8, v7;
	_ =	sdelay $0xd  }
0x30: {  	v7, _, _ =	vpop (xrf1)  }
0x31: {  	v8 =	vshra.s32 v7, $0xF  }
0x32: {  	v8 =	vxor.u32 $0xFFFF0000, v8  }
0x33: {  	v9 =	vperm.xlane v8, v5;
	_ =	sdelay $0x1  }
0x34: {  	vm1 =	vne.s32 v8, v9  }
0x35: {  	vm2 =	vlt.s32 v7, $0x0;
	vm1 =	vmor vm1, vm0  }
0x36: {  	vm1 =	vmand vm2, vm1;
	_ =	sdelay $0x2  }
.Ltmp3:
0x37: {  	(pc) =	sbr.rel @p0 .LBB2_4-.Ltmp3, $4  }
0x38: {  	_ = 	snop  }
0x39: {  	v7 =	vand.u32 $0x7FFF, v7  }
0x3a: {  	s3 =	sadd.s32 $0x10, s3;
	[tilespmem:v8+s6+$0x0] =	vst.idx.msk vm1, v7  }
0x3b: {  	s9 =	sadd.s32 $0x10, s9;
	v7 =	vld [tilespmem:s3+$0x0]  }
0x3c: {  	_ =	sdelay $0x3  }
0x3d: {  	v7 =	vsub.s32 v7, v0  }
0x3e: {  	v8 =	vshll.u32 v7, $0xF  }
0x3f: {  	vm1 =	vgt.s32 v7, $0xFFFFFFFF;
	vm2 =	vlt.s32 v7, v1;
	v7 =	vadd.s32 s2, v8  }
0x40: {  	vm1 =	vmand vm1, vm2;
	v7 =	vadd.s32 v4, v7  }
0x41: {  	v7 =	vnsel vm1, $0xFFFFFFFF, v7  }
0x42: {  	v8 =	vxor.u32 $0x80000000, v7  }
0x43: {  	(xrf1) =	vsort.dscd.msk.u32 $0xffff, v8, v7;
	_ =	sdelay $0xd  }
0x44: {  	v7, _, _ =	vpop (xrf1)  }
0x45: {  	v8 =	vshra.s32 v7, $0xF  }
0x46: {  	v8 =	vxor.u32 $0xFFFF0000, v8  }
0x47: {  	v9 =	vperm.xlane v8, v5;
	_ =	sdelay $0x1  }
0x48: {  	vm1 =	vne.s32 v8, v9  }
0x49: {  	vm2 =	vlt.s32 v7, $0x0;
	vm1 =	vmor vm1, vm0  }
0x4a: {  	vm1 =	vmand vm2, vm1;
	_ =	sdelay $0x4  }
0x4b: {  	v7 =	vand.u32 $0x7FFF, v7  }
0x4c: {  	s3 =	rddreg [dreg:$0x6];
	s2 =	simm.s32 $0xF800;
	[tilespmem:v8+s6+$0x0] =	vst.idx.msk vm1, v7  }
0x4d: {  	[tilespmem:s2], [sflag:$0x1] =	stream.linear.gather [hbm4b:s3+s6], $0x1000, $0x38;
	[tilespmem:$0x1E880] =	vst v63  }
0x4e: {  	_ =	swait.ge [sflag:s21], $0x1000  }
0x4f: {  	[sflag:s21] =	ssyncset.done $0x0  }
0x50: {  	[sflag:s21] =	ssyncadd.s32 $0xFFFFF000  }
0x51: {  	s9 =	simm.s32 $0x1010;
	s3 =	simm.s32 $0x1000;
	v7 =	vld [tilespmem:s2+$0x0]  }
.LBB2_6:
0x52: {  	p0 =	sne.s32 s9, $0x1FF0;
	_ =	sdelay $0x3  }
0x53: {  	v7 =	vsub.s32 v7, v0  }
0x54: {  	v8 =	vshll.u32 v7, $0xF  }
0x55: {  	vm1 =	vgt.s32 v7, $0xFFFFFFFF;
	vm2 =	vlt.s32 v7, v1;
	v7 =	vadd.s32 s3, v8;
	s3 =	smov.u32 s9  }
0x56: {  	vm1 =	vmand vm1, vm2;
	v7 =	vadd.s32 v4, v7  }
0x57: {  	v7 =	vnsel vm1, $0xFFFFFFFF, v7  }
0x58: {  	v8 =	vxor.u32 $0x80000000, v7  }
0x59: {  	(xrf1) =	vsort.dscd.msk.u32 $0xffff, v8, v7;
	_ =	sdelay $0xd  }
0x5a: {  	v7, _, _ =	vpop (xrf1)  }
0x5b: {  	v8 =	vshra.s32 v7, $0xF  }
0x5c: {  	v8 =	vxor.u32 $0xFFFF0000, v8  }
0x5d: {  	v9 =	vperm.xlane v8, v5;
	_ =	sdelay $0x1  }
0x5e: {  	vm1 =	vne.s32 v8, v9  }
0x5f: {  	vm2 =	vlt.s32 v7, $0x0;
	vm1 =	vmor vm1, vm0  }
0x60: {  	vm1 =	vmand vm2, vm1;
	_ =	sdelay $0x2  }
.Ltmp4:
0x61: {  	(pc) =	sbr.rel @p0 .LBB2_6-.Ltmp4, $4  }
0x62: {  	_ = 	snop  }
0x63: {  	v7 =	vand.u32 $0x7FFF, v7  }
0x64: {  	s2 =	sadd.s32 $0x10, s2;
	[tilespmem:v8+s6+$0x0] =	vst.idx.msk vm1, v7  }
0x65: {  	s9 =	sadd.s32 $0x10, s9;
	v7 =	vld [tilespmem:s2+$0x0]  }
0x66: {  	_ =	sdelay $0x3  }
0x67: {  	v7 =	vsub.s32 v7, v0  }
0x68: {  	v8 =	vshll.u32 v7, $0xF  }
0x69: {  	vm1 =	vgt.s32 v7, $0xFFFFFFFF;
	vm2 =	vlt.s32 v7, v1;
	v7 =	vadd.s32 s3, v8  }
0x6a: {  	vm1 =	vmand vm1, vm2;
	v7 =	vadd.s32 v4, v7  }
0x6b: {  	v7 =	vnsel vm1, $0xFFFFFFFF, v7  }
0x6c: {  	v8 =	vxor.u32 $0x80000000, v7  }
0x6d: {  	(xrf1) =	vsort.dscd.msk.u32 $0xffff, v8, v7;
	_ =	sdelay $0xd  }
0x6e: {  	v7, _, _ =	vpop (xrf1)  }
0x6f: {  	v8 =	vshra.s32 v7, $0xF  }
0x70: {  	v8 =	vxor.u32 $0xFFFF0000, v8  }
0x71: {  	v9 =	vperm.xlane v8, v5;
	_ =	sdelay $0x1  }
0x72: {  	vm1 =	vne.s32 v8, v9  }
0x73: {  	vm2 =	vlt.s32 v7, $0x0;
	vm1 =	vmor vm1, vm0  }
0x74: {  	vm1 =	vmand vm2, vm1;
	_ =	sdelay $0x4  }
0x75: {  	v7 =	vand.u32 $0x7FFF, v7  }
0x76: {  	s2 =	simm.s32 $0xF800;
	s31 =	rddreg [dreg:$0x7];
	[tilespmem:v8+s6+$0x0] =	vst.idx.msk vm1, v7  }
0x77: {  	[tilespmem:s2], [sflag:$0x1] =	stream.linear.gather [hbm4b:s31+s6], $0x1000, $0x38;
	[tilespmem:$0x1E880] =	vst v63  }
0x78: {  	_ =	swait.ge [sflag:s21], $0x1000  }
0x79: {  	[sflag:s21] =	ssyncset.done $0x0  }
0x7a: {  	[sflag:s21] =	ssyncadd.s32 $0xFFFFF000  }
0x7b: {  	s9 =	simm.s32 $0x2010;
	s3 =	simm.s32 $0x2000;
	v7 =	vld [tilespmem:s2+$0x0]  }
.LBB2_8:
0x7c: {  	p0 =	sne.s32 s9, $0x2FF0;
	_ =	sdelay $0x3  }
0x7d: {  	v7 =	vsub.s32 v7, v0  }
0x7e: {  	v8 =	vshll.u32 v7, $0xF  }
0x7f: {  	vm1 =	vgt.s32 v7, $0xFFFFFFFF;
	vm2 =	vlt.s32 v7, v1;
	v7 =	vadd.s32 s3, v8;
	s3 =	smov.u32 s9  }
0x80: {  	vm1 =	vmand vm1, vm2;
	v7 =	vadd.s32 v4, v7  }
0x81: {  	v7 =	vnsel vm1, $0xFFFFFFFF, v7  }
0x82: {  	v8 =	vxor.u32 $0x80000000, v7  }
0x83: {  	(xrf1) =	vsort.dscd.msk.u32 $0xffff, v8, v7;
	_ =	sdelay $0xd  }
0x84: {  	v7, _, _ =	vpop (xrf1)  }
0x85: {  	v8 =	vshra.s32 v7, $0xF  }
0x86: {  	v8 =	vxor.u32 $0xFFFF0000, v8  }
0x87: {  	v9 =	vperm.xlane v8, v5;
	_ =	sdelay $0x1  }
0x88: {  	vm1 =	vne.s32 v8, v9  }
0x89: {  	vm2 =	vlt.s32 v7, $0x0;
	vm1 =	vmor vm1, vm0  }
0x8a: {  	vm1 =	vmand vm2, vm1;
	_ =	sdelay $0x2  }
.Ltmp5:
0x8b: {  	(pc) =	sbr.rel @p0 .LBB2_8-.Ltmp5, $4  }
0x8c: {  	_ = 	snop  }
0x8d: {  	v7 =	vand.u32 $0x7FFF, v7  }
0x8e: {  	s2 =	sadd.s32 $0x10, s2;
	[tilespmem:v8+s6+$0x0] =	vst.idx.msk vm1, v7  }
0x8f: {  	s9 =	sadd.s32 $0x10, s9;
	v7 =	vld [tilespmem:s2+$0x0]  }
0x90: {  	_ =	sdelay $0x3  }
0x91: {  	v7 =	vsub.s32 v7, v0  }
0x92: {  	v8 =	vshll.u32 v7, $0xF  }
0x93: {  	vm1 =	vgt.s32 v7, $0xFFFFFFFF;
	vm2 =	vlt.s32 v7, v1;
	v7 =	vadd.s32 s3, v8  }
0x94: {  	vm1 =	vmand vm1, vm2;
	v7 =	vadd.s32 v4, v7  }
0x95: {  	v7 =	vnsel vm1, $0xFFFFFFFF, v7  }
0x96: {  	v8 =	vxor.u32 $0x80000000, v7  }
0x97: {  	(xrf1) =	vsort.dscd.msk.u32 $0xffff, v8, v7;
	_ =	sdelay $0xd  }
0x98: {  	v7, _, _ =	vpop (xrf1)  }
0x99: {  	v8 =	vshra.s32 v7, $0xF  }
0x9a: {  	v8 =	vxor.u32 $0xFFFF0000, v8  }
0x9b: {  	v9 =	vperm.xlane v8, v5;
	_ =	sdelay $0x1  }
0x9c: {  	vm1 =	vne.s32 v8, v9  }
0x9d: {  	vm2 =	vlt.s32 v7, $0x0;
	vm1 =	vmor vm1, vm0  }
0x9e: {  	vm1 =	vmand vm2, vm1;
	_ =	sdelay $0x4  }
0x9f: {  	v7 =	vand.u32 $0x7FFF, v7  }
0xa0: {  	s2 =	simm.s32 $0xF800;
	s31 =	rddreg [dreg:$0x8];
	[tilespmem:v8+s6+$0x0] =	vst.idx.msk vm1, v7  }
0xa1: {  	[tilespmem:s2], [sflag:$0x1] =	stream.linear.gather [hbm4b:s31+s6], $0x1000, $0x38;
	[tilespmem:$0x1E880] =	vst v63  }
0xa2: {  	_ =	swait.ge [sflag:s21], $0x1000  }
0xa3: {  	[sflag:s21] =	ssyncset.done $0x0  }
0xa4: {  	[sflag:s21] =	ssyncadd.s32 $0xFFFFF000  }
0xa5: {  	s9 =	simm.s32 $0x3010;
	s3 =	simm.s32 $0x3000;
	v7 =	vld [tilespmem:s2+$0x0]  }
.LBB2_10:
0xa6: {  	p0 =	sne.s32 s9, $0x3FF0;
	_ =	sdelay $0x3  }
0xa7: {  	v7 =	vsub.s32 v7, v0  }
0xa8: {  	v8 =	vshll.u32 v7, $0xF  }
0xa9: {  	vm1 =	vgt.s32 v7, $0xFFFFFFFF;
	vm2 =	vlt.s32 v7, v1;
	v7 =	vadd.s32 s3, v8;
	s3 =	smov.u32 s9  }
0xaa: {  	vm1 =	vmand vm1, vm2;
	v7 =	vadd.s32 v4, v7  }
0xab: {  	v7 =	vnsel vm1, $0xFFFFFFFF, v7  }
0xac: {  	v8 =	vxor.u32 $0x80000000, v7  }
0xad: {  	(xrf1) =	vsort.dscd.msk.u32 $0xffff, v8, v7;
	_ =	sdelay $0xd  }
0xae: {  	v7, _, _ =	vpop (xrf1)  }
0xaf: {  	v8 =	vshra.s32 v7, $0xF  }
0xb0: {  	v8 =	vxor.u32 $0xFFFF0000, v8  }
0xb1: {  	v9 =	vperm.xlane v8, v5;
	_ =	sdelay $0x1  }
0xb2: {  	vm1 =	vne.s32 v8, v9  }
0xb3: {  	vm2 =	vlt.s32 v7, $0x0;
	vm1 =	vmor vm1, vm0  }
0xb4: {  	vm1 =	vmand vm2, vm1;
	_ =	sdelay $0x2  }
.Ltmp6:
0xb5: {  	(pc) =	sbr.rel @p0 .LBB2_10-.Ltmp6, $4  }
0xb6: {  	_ = 	snop  }
0xb7: {  	v7 =	vand.u32 $0x7FFF, v7  }
0xb8: {  	s2 =	sadd.s32 $0x10, s2;
	[tilespmem:v8+s6+$0x0] =	vst.idx.msk vm1, v7  }
0xb9: {  	s9 =	sadd.s32 $0x10, s9;
	v7 =	vld [tilespmem:s2+$0x0]  }
0xba: {  	_ =	sdelay $0x3  }
0xbb: {  	v7 =	vsub.s32 v7, v0  }
0xbc: {  	v8 =	vshll.u32 v7, $0xF  }
0xbd: {  	vm1 =	vgt.s32 v7, $0xFFFFFFFF;
	vm2 =	vlt.s32 v7, v1;
	v7 =	vadd.s32 s3, v8  }
0xbe: {  	vm1 =	vmand vm1, vm2;
	v7 =	vadd.s32 v4, v7  }
0xbf: {  	v7 =	vnsel vm1, $0xFFFFFFFF, v7  }
0xc0: {  	v8 =	vxor.u32 $0x80000000, v7  }
0xc1: {  	(xrf1) =	vsort.dscd.msk.u32 $0xffff, v8, v7;
	_ =	sdelay $0xd  }
0xc2: {  	v7, _, _ =	vpop (xrf1)  }
0xc3: {  	v8 =	vshra.s32 v7, $0xF  }
0xc4: {  	v8 =	vxor.u32 $0xFFFF0000, v8  }
0xc5: {  	v9 =	vperm.xlane v8, v5;
	_ =	sdelay $0x1  }
0xc6: {  	vm1 =	vne.s32 v8, v9  }
0xc7: {  	vm2 =	vlt.s32 v7, $0x0;
	vm1 =	vmor vm1, vm0  }
0xc8: {  	vm1 =	vmand vm2, vm1;
	_ =	sdelay $0x4  }
0xc9: {  	v7 =	vand.u32 $0x7FFF, v7  }
0xca: {  	s2 =	simm.s32 $0xF800;
	s31 =	rddreg [dreg:$0x2];
	[tilespmem:v8+s6+$0x0] =	vst.idx.msk vm1, v7  }
0xcb: {  	[tilespmem:s2], [sflag:$0x1] =	stream.linear.gather [hbm4b:s31+s6], $0x1000, $0x38;
	[tilespmem:$0x1E880] =	vst v63  }
0xcc: {  	_ =	swait.ge [sflag:s21], $0x1000  }
0xcd: {  	[sflag:s21] =	ssyncset.done $0x0  }
0xce: {  	[sflag:s21] =	ssyncadd.s32 $0xFFFFF000  }
0xcf: {  	s9 =	simm.s32 $0x4010;
	s3 =	simm.s32 $0x4000;
	v7 =	vld [tilespmem:s2+$0x0]  }
.LBB2_12:
0xd0: {  	p0 =	sne.s32 s9, $0x4FF0;
	_ =	sdelay $0x3  }
0xd1: {  	v7 =	vsub.s32 v7, v0  }
0xd2: {  	v8 =	vshll.u32 v7, $0xF  }
0xd3: {  	vm1 =	vgt.s32 v7, $0xFFFFFFFF;
	vm2 =	vlt.s32 v7, v1;
	v7 =	vadd.s32 s3, v8;
	s3 =	smov.u32 s9  }
0xd4: {  	vm1 =	vmand vm1, vm2;
	v7 =	vadd.s32 v4, v7  }
0xd5: {  	v7 =	vnsel vm1, $0xFFFFFFFF, v7  }
0xd6: {  	v8 =	vxor.u32 $0x80000000, v7  }
0xd7: {  	(xrf1) =	vsort.dscd.msk.u32 $0xffff, v8, v7;
	_ =	sdelay $0xd  }
0xd8: {  	v7, _, _ =	vpop (xrf1)  }
0xd9: {  	v8 =	vshra.s32 v7, $0xF  }
0xda: {  	v8 =	vxor.u32 $0xFFFF0000, v8  }
0xdb: {  	v9 =	vperm.xlane v8, v5;
	_ =	sdelay $0x1  }
0xdc: {  	vm1 =	vne.s32 v8, v9  }
0xdd: {  	vm2 =	vlt.s32 v7, $0x0;
	vm1 =	vmor vm1, vm0  }
0xde: {  	vm1 =	vmand vm2, vm1;
	_ =	sdelay $0x2  }
.Ltmp7:
0xdf: {  	(pc) =	sbr.rel @p0 .LBB2_12-.Ltmp7, $4  }
0xe0: {  	_ = 	snop  }
0xe1: {  	v7 =	vand.u32 $0x7FFF, v7  }
0xe2: {  	s2 =	sadd.s32 $0x10, s2;
	[tilespmem:v8+s6+$0x0] =	vst.idx.msk vm1, v7  }
0xe3: {  	s9 =	sadd.s32 $0x10, s9;
	v7 =	vld [tilespmem:s2+$0x0]  }
0xe4: {  	_ =	sdelay $0x3  }
0xe5: {  	v7 =	vsub.s32 v7, v0  }
0xe6: {  	v8 =	vshll.u32 v7, $0xF  }
0xe7: {  	vm1 =	vgt.s32 v7, $0xFFFFFFFF;
	vm2 =	vlt.s32 v7, v1;
	v7 =	vadd.s32 s3, v8  }
0xe8: {  	vm1 =	vmand vm1, vm2;
	v7 =	vadd.s32 v4, v7  }
0xe9: {  	v7 =	vnsel vm1, $0xFFFFFFFF, v7  }
0xea: {  	v8 =	vxor.u32 $0x80000000, v7  }
0xeb: {  	(xrf1) =	vsort.dscd.msk.u32 $0xffff, v8, v7;
	_ =	sdelay $0xd  }
0xec: {  	v7, _, _ =	vpop (xrf1)  }
0xed: {  	v8 =	vshra.s32 v7, $0xF  }
0xee: {  	v8 =	vxor.u32 $0xFFFF0000, v8  }
0xef: {  	v9 =	vperm.xlane v8, v5;
	_ =	sdelay $0x1  }
0xf0: {  	vm1 =	vne.s32 v8, v9  }
0xf1: {  	vm2 =	vlt.s32 v7, $0x0;
	vm1 =	vmor vm1, vm0  }
0xf2: {  	vm1 =	vmand vm2, vm1;
	_ =	sdelay $0x4  }
0xf3: {  	v7 =	vand.u32 $0x7FFF, v7  }
0xf4: {  	s2 =	simm.s32 $0xF800;
	s31 =	rddreg [dreg:$0x9];
	[tilespmem:v8+s6+$0x0] =	vst.idx.msk vm1, v7  }
0xf5: {  	[tilespmem:s2], [sflag:$0x1] =	stream.linear.gather [hbm4b:s31+s6], $0x1000, $0x38;
	[tilespmem:$0x1E880] =	vst v63  }
0xf6: {  	_ =	swait.ge [sflag:s21], $0x1000  }
0xf7: {  	[sflag:s21] =	ssyncset.done $0x0  }
0xf8: {  	[sflag:s21] =	ssyncadd.s32 $0xFFFFF000  }
0xf9: {  	s9 =	simm.s32 $0x5010;
	s3 =	simm.s32 $0x5000;
	v7 =	vld [tilespmem:s2+$0x0]  }
.LBB2_14:
0xfa: {  	p0 =	sne.s32 s9, $0x5FF0;
	_ =	sdelay $0x3  }
0xfb: {  	v7 =	vsub.s32 v7, v0  }
0xfc: {  	v8 =	vshll.u32 v7, $0xF  }
0xfd: {  	vm1 =	vgt.s32 v7, $0xFFFFFFFF;
	vm2 =	vlt.s32 v7, v1;
	v7 =	vadd.s32 s3, v8;
	s3 =	smov.u32 s9  }
0xfe: {  	vm1 =	vmand vm1, vm2;
	v7 =	vadd.s32 v4, v7  }
0xff: {  	v7 =	vnsel vm1, $0xFFFFFFFF, v7  }
0x100: {  	v8 =	vxor.u32 $0x80000000, v7  }
0x101: {  	(xrf1) =	vsort.dscd.msk.u32 $0xffff, v8, v7;
	_ =	sdelay $0xd  }
0x102: {  	v7, _, _ =	vpop (xrf1)  }
0x103: {  	v8 =	vshra.s32 v7, $0xF  }
0x104: {  	v8 =	vxor.u32 $0xFFFF0000, v8  }
0x105: {  	v9 =	vperm.xlane v8, v5;
	_ =	sdelay $0x1  }
0x106: {  	vm1 =	vne.s32 v8, v9  }
0x107: {  	vm2 =	vlt.s32 v7, $0x0;
	vm1 =	vmor vm1, vm0  }
0x108: {  	vm1 =	vmand vm2, vm1;
	_ =	sdelay $0x2  }
.Ltmp8:
0x109: {  	(pc) =	sbr.rel @p0 .LBB2_14-.Ltmp8, $4  }
0x10a: {  	_ = 	snop  }
0x10b: {  	v7 =	vand.u32 $0x7FFF, v7  }
0x10c: {  	s2 =	sadd.s32 $0x10, s2;
	[tilespmem:v8+s6+$0x0] =	vst.idx.msk vm1, v7  }
0x10d: {  	s9 =	sadd.s32 $0x10, s9;
	v7 =	vld [tilespmem:s2+$0x0]  }
0x10e: {  	_ =	sdelay $0x3  }
0x10f: {  	v7 =	vsub.s32 v7, v0  }
0x110: {  	v8 =	vshll.u32 v7, $0xF  }
0x111: {  	vm1 =	vgt.s32 v7, $0xFFFFFFFF;
	vm2 =	vlt.s32 v7, v1;
	v7 =	vadd.s32 s3, v8  }
0x112: {  	vm1 =	vmand vm1, vm2;
	v7 =	vadd.s32 v4, v7  }
0x113: {  	v7 =	vnsel vm1, $0xFFFFFFFF, v7  }
0x114: {  	v8 =	vxor.u32 $0x80000000, v7  }
0x115: {  	(xrf1) =	vsort.dscd.msk.u32 $0xffff, v8, v7;
	_ =	sdelay $0xd  }
0x116: {  	v7, _, _ =	vpop (xrf1)  }
0x117: {  	v8 =	vshra.s32 v7, $0xF  }
0x118: {  	v8 =	vxor.u32 $0xFFFF0000, v8  }
0x119: {  	v9 =	vperm.xlane v8, v5;
	_ =	sdelay $0x1  }
0x11a: {  	vm1 =	vne.s32 v8, v9  }
0x11b: {  	vm2 =	vlt.s32 v7, $0x0;
	vm1 =	vmor vm1, vm0  }
0x11c: {  	vm1 =	vmand vm2, vm1;
	_ =	sdelay $0x4  }
0x11d: {  	v7 =	vand.u32 $0x7FFF, v7  }
0x11e: {  	s2 =	simm.s32 $0xF800;
	s31 =	rddreg [dreg:$0xa];
	[tilespmem:v8+s6+$0x0] =	vst.idx.msk vm1, v7  }
0x11f: {  	[tilespmem:s2], [sflag:$0x1] =	stream.linear.gather [hbm4b:s31+s6], $0x1000, $0x38;
	[tilespmem:$0x1E880] =	vst v63  }
0x120: {  	_ =	swait.ge [sflag:s21], $0x1000  }
0x121: {  	[sflag:s21] =	ssyncset.done $0x0  }
0x122: {  	[sflag:s21] =	ssyncadd.s32 $0xFFFFF000  }
0x123: {  	s9 =	simm.s32 $0x6010;
	s3 =	simm.s32 $0x6000;
	v7 =	vld [tilespmem:s2+$0x0]  }
.LBB2_16:
0x124: {  	p0 =	sne.s32 s9, $0x6FF0;
	_ =	sdelay $0x3  }
0x125: {  	v7 =	vsub.s32 v7, v0  }
0x126: {  	v8 =	vshll.u32 v7, $0xF  }
0x127: {  	vm1 =	vgt.s32 v7, $0xFFFFFFFF;
	vm2 =	vlt.s32 v7, v1;
	v7 =	vadd.s32 s3, v8;
	s3 =	smov.u32 s9  }
0x128: {  	vm1 =	vmand vm1, vm2;
	v7 =	vadd.s32 v4, v7  }
0x129: {  	v7 =	vnsel vm1, $0xFFFFFFFF, v7  }
0x12a: {  	v8 =	vxor.u32 $0x80000000, v7  }
0x12b: {  	(xrf1) =	vsort.dscd.msk.u32 $0xffff, v8, v7;
	_ =	sdelay $0xd  }
0x12c: {  	v7, _, _ =	vpop (xrf1)  }
0x12d: {  	v8 =	vshra.s32 v7, $0xF  }
0x12e: {  	v8 =	vxor.u32 $0xFFFF0000, v8  }
0x12f: {  	v9 =	vperm.xlane v8, v5;
	_ =	sdelay $0x1  }
0x130: {  	vm1 =	vne.s32 v8, v9  }
0x131: {  	vm2 =	vlt.s32 v7, $0x0;
	vm1 =	vmor vm1, vm0  }
0x132: {  	vm1 =	vmand vm2, vm1;
	_ =	sdelay $0x2  }
.Ltmp9:
0x133: {  	(pc) =	sbr.rel @p0 .LBB2_16-.Ltmp9, $4  }
0x134: {  	_ = 	snop  }
0x135: {  	v7 =	vand.u32 $0x7FFF, v7  }
0x136: {  	s2 =	sadd.s32 $0x10, s2;
	[tilespmem:v8+s6+$0x0] =	vst.idx.msk vm1, v7  }
0x137: {  	s9 =	sadd.s32 $0x10, s9;
	v7 =	vld [tilespmem:s2+$0x0]  }
0x138: {  	_ =	sdelay $0x3  }
0x139: {  	v7 =	vsub.s32 v7, v0  }
0x13a: {  	v8 =	vshll.u32 v7, $0xF  }
0x13b: {  	vm1 =	vgt.s32 v7, $0xFFFFFFFF;
	vm2 =	vlt.s32 v7, v1;
	v7 =	vadd.s32 s3, v8  }
0x13c: {  	vm1 =	vmand vm1, vm2;
	v7 =	vadd.s32 v4, v7  }
0x13d: {  	v7 =	vnsel vm1, $0xFFFFFFFF, v7  }
0x13e: {  	v8 =	vxor.u32 $0x80000000, v7  }
0x13f: {  	(xrf1) =	vsort.dscd.msk.u32 $0xffff, v8, v7;
	_ =	sdelay $0xd  }
0x140: {  	v7, _, _ =	vpop (xrf1)  }
0x141: {  	v8 =	vshra.s32 v7, $0xF  }
0x142: {  	v8 =	vxor.u32 $0xFFFF0000, v8  }
0x143: {  	v9 =	vperm.xlane v8, v5;
	_ =	sdelay $0x1  }
0x144: {  	vm1 =	vne.s32 v8, v9  }
0x145: {  	vm2 =	vlt.s32 v7, $0x0;
	vm1 =	vmor vm1, vm0  }
0x146: {  	vm1 =	vmand vm2, vm1;
	_ =	sdelay $0x4  }
0x147: {  	v7 =	vand.u32 $0x7FFF, v7  }
0x148: {  	s2 =	rddreg [dreg:$0xb];
	s3 =	simm.s32 $0xF800;
	[tilespmem:v8+s6+$0x0] =	vst.idx.msk vm1, v7  }
0x149: {  	[tilespmem:s3], [sflag:$0x1] =	stream.linear.gather [hbm4b:s2+s6], $0x1000, $0x38;
	[tilespmem:$0x1E880] =	vst v63  }
0x14a: {  	_ =	swait.ge [sflag:s21], $0x1000  }
0x14b: {  	[sflag:s21] =	ssyncset.done $0x0  }
0x14c: {  	s9 =	simm.s32 $0x7000;
	[sflag:s21] =	ssyncadd.s32 $0xFFFFF000  }
.LBB2_18:
0x14d: {  	v7 =	vld [tilespmem:s3+$0x0];
	_ =	sdelay $0x4  }
0x14e: {  	v7 =	vsub.s32 v7, v0  }
0x14f: {  	v8 =	vshll.u32 v7, $0xF  }
0x150: {  	vm1 =	vgt.s32 v7, $0xFFFFFFFF;
	vm2 =	vlt.s32 v7, v1;
	v7 =	vadd.s32 s9, v8  }
0x151: {  	vm1 =	vmand vm1, vm2;
	v7 =	vadd.s32 v4, v7  }
0x152: {  	v7 =	vnsel vm1, $0xFFFFFFFF, v7  }
0x153: {  	v8 =	vxor.u32 $0x80000000, v7  }
0x154: {  	(xrf1) =	vsort.dscd.msk.u32 $0xffff, v8, v7;
	_ =	sdelay $0xd  }
0x155: {  	v7, _, _ =	vpop (xrf1)  }
0x156: {  	v8 =	vshra.s32 v7, $0xF  }
0x157: {  	v8 =	vxor.u32 $0xFFFF0000, v8  }
0x158: {  	v9 =	vperm.xlane v8, v5;
	_ =	sdelay $0x1  }
0x159: {  	vm1 =	vne.s32 v8, v9  }
0x15a: {  	vm2 =	vlt.s32 v7, $0x0;
	vm1 =	vmor vm1, vm0  }
0x15b: {  	vm1 =	vmand vm2, vm1  }
0x15c: {  	p0 =	sne.s32 s9, $0x7FF0  }
.Ltmp10:
0x15d: {  	_ = 	snop;
	(pc) =	sbr.rel @p0 .LBB2_18-.Ltmp10, $3  }
0x15e: {  	_ =	sdelay $0x1  }
0x15f: {  	s2 =	simm.s32 $0x0;
	v7 =	vand.u32 $0x7FFF, v7  }
0x160: {  	s3 =	sadd.s32 $0x10, s3;
	s9 =	sadd.s32 $0x10, s9;
	[tilespmem:v8+s2+$0x0] =	vst.idx.msk vm1, v7  }
0x161: {  	v7 =	vimm.s32 $0x0;
	v9 =	vld [tilespmem:s2+$0x0];
	s3 =	simm.s32 $0x10;
	v8 =	vimm.s32 $0x0;
	s9 =	simm.s32 $0x0  }
.LBB2_20:
0x162: {  	p0 =	sne.s32 s3, $0x7BF0;
	_ =	sdelay $0x3  }
0x163: {  	vm1 =	vgt.s32 v9, $0xFFFFFFFF  }
0x164: {  	v9 =	vsel vm1, $0x1, v6;
	v10 =	vmpcnt.ones.xlane vm1  }
0x165: {  	(xrf0) =	vadd.scan.msk.s32 $0xffff, v9  }
0x166: {  	v7 =	vadd.s32 v7, v10;
	_ =	sdelay $0x4  }
0x167: {  	v9, _, _ =	vpop (xrf0)  }
0x168: {  	v9 =	vadd.s32 v9, v8;
	v8 =	vmov v7  }
0x169: {  	v9 =	vadd.s32 $0xFFFFFFFF, v9;
	_ =	sdelay $0x1  }
.Ltmp11:
0x16a: {  	(pc) =	sbr.rel @p0 .LBB2_20-.Ltmp11, $4  }
0x16b: {  	_ = 	snop  }
0x16c: {  	v10 =	vor.u32 s2, v4;
	s2 =	smov.u32 s3  }
0x16d: {  	s9 =	sadd.s32 $0x10, s9;
	[tilespmem:v9+s8+$0x0] =	vst.idx.msk vm1, v10  }
0x16e: {  	s3 =	sadd.s32 $0x10, s3;
	v9 =	vld [tilespmem:s9+$0x0]  }
0x16f: {  	_ =	sdelay $0x3  }
0x170: {  	vm1 =	vgt.s32 v9, $0xFFFFFFFF  }
0x171: {  	v9 =	vsel vm1, $0x1, v6  }
0x172: {  	(xrf0) =	vadd.scan.msk.s32 $0xffff, v9;
	_ =	sdelay $0x5  }
0x173: {  	v9, _, _ =	vpop (xrf0)  }
0x174: {  	v8 =	vadd.s32 v9, v8  }
0x175: {  	v8 =	vadd.s32 $0xFFFFFFFF, v8;
	_ =	sdelay $0x3  }
0x176: {  	v53 =	vor.u32 s2, v4  }
0x177: {  	[tilespmem:v8+s8+$0x0] =	vst.idx.msk vm1, v53  }
0x178: {  	v8 =	vld [tilespmem:$0x7C00];
	_ =	sdelay $0x4  }
0x179: {  	vm2 =	vgt.s32 v8, $0x0  }
0x17a: {  	v8 =	vnsel vm2, $0x0, v8  }
0x17b: {  	v8 =	vmin.u32 v2, v8  }
0x17c: {  	v9 =	vld [tilespmem:$0x7C10];
	_ =	sdelay $0x2  }
0x17d: {  	s31 =	simm.s32 $0x0  }
0x17e: {  	v8 =	vld.idx.msk [tilespmem:v8+s31+$0x0], $0xffff  }
0x17f: {  	vm2 =	vgt.s32 v9, $0x0  }
0x180: {  	v9 =	vnsel vm2, $0x0, v9  }
0x181: {  	v9 =	vmin.u32 v2, v9  }
0x182: {  	v10 =	vld [tilespmem:$0x7C20]  }
0x183: {  	vm2 =	vgt.s32 v8, $0x0  }
0x184: {  	v8 =	vnsel vm2, $0x0, v8  }
0x185: {  	[tilespmem:$0x10800] =	vst v8  }
0x186: {  	v8 =	vld.idx.msk [tilespmem:v9+s31+$0x0], $0xffff  }
0x187: {  	vm2 =	vgt.s32 v10, $0x0  }
0x188: {  	v54 =	vnsel vm2, $0x0, v10  }
0x189: {  	v9 =	vmin.u32 v2, v54  }
0x18a: {  	v55 =	vld [tilespmem:$0x7C30]  }
0x18b: {  	vm2 =	vgt.s32 v8, $0x0  }
0x18c: {  	v8 =	vnsel vm2, $0x0, v8  }
0x18d: {  	[tilespmem:$0x10810] =	vst v8  }
0x18e: {  	v8 =	vld.idx.msk [tilespmem:v9+s31+$0x0], $0xffff  }
0x18f: {  	vm2 =	vgt.s32 v55, $0x0  }
0x190: {  	v56 =	vnsel vm2, $0x0, v55  }
0x191: {  	v9 =	vmin.u32 v2, v56  }
0x192: {  	v57 =	vld [tilespmem:$0x7C40]  }
0x193: {  	vm2 =	vgt.s32 v8, $0x0  }
0x194: {  	v8 =	vnsel vm2, $0x0, v8  }
0x195: {  	[tilespmem:$0x10820] =	vst v8  }
0x196: {  	v8 =	vld.idx.msk [tilespmem:v9+s31+$0x0], $0xffff  }
0x197: {  	vm2 =	vgt.s32 v57, $0x0  }
0x198: {  	v58 =	vnsel vm2, $0x0, v57  }
0x199: {  	v9 =	vmin.u32 v2, v58  }
0x19a: {  	v59 =	vld [tilespmem:$0x7C50]  }
0x19b: {  	vm2 =	vgt.s32 v8, $0x0  }
0x19c: {  	v8 =	vnsel vm2, $0x0, v8  }
0x19d: {  	[tilespmem:$0x10830] =	vst v8  }
0x19e: {  	v8 =	vld.idx.msk [tilespmem:v9+s31+$0x0], $0xffff  }
0x19f: {  	vm2 =	vgt.s32 v59, $0x0  }
0x1a0: {  	v60 =	vnsel vm2, $0x0, v59  }
0x1a1: {  	v9 =	vmin.u32 v2, v60  }
0x1a2: {  	v61 =	vld [tilespmem:$0x7C60]  }
0x1a3: {  	v11 =	vmpcnt.ones.xlane vm1;
	vm1 =	vgt.s32 v8, $0x0  }
0x1a4: {  	v8 =	vnsel vm1, $0x0, v8  }
0x1a5: {  	v7 =	vadd.s32 v7, v11;
	[tilespmem:$0x10840] =	vst v8  }
0x1a6: {  	v7 =	vxor.u32 $0x80000000, v7;
	v8 =	vld.idx.msk [tilespmem:v9+s31+$0x0], $0xffff  }
0x1a7: {  	(xrf0) =	vmax.scan.msk.u32 $0xffff, v7;
	vm1 =	vgt.s32 v61, $0x0  }
0x1a8: {  	v7 =	vnsel vm1, $0x0, v61  }
0x1a9: {  	v7 =	vmin.u32 v2, v7  }
0x1aa: {  	v62 =	vld [tilespmem:$0x7C70]  }
0x1ab: {  	vm1 =	vgt.s32 v8, $0x0  }
0x1ac: {  	v8 =	vnsel vm1, $0x0, v8  }
0x1ad: {  	v63, _, _ =	vpop (xrf0);
	[tilespmem:$0x10850] =	vst v8  }
0x1ae: {  	(v2sf) =	vpush v63, $0xF;
	v7 =	vld.idx.msk [tilespmem:v7+s31+$0x0], $0xffff  }
0x1af: {  	vm1 =	vgt.s32 v62, $0x0  }
0x1b0: {  	v8 =	vnsel vm1, $0x0, v62  }
0x1b1: {  	v8 =	vmin.u32 v2, v8;
	_ =	sdelay $0x1  }
0x1b2: {  	vm1 =	vgt.s32 v7, $0x0  }
0x1b3: {  	v7 =	vnsel vm1, $0x0, v7  }
0x1b4: {  	[tilespmem:$0x10860] =	vst v7  }
0x1b5: {  	v7 =	vld.idx.msk [tilespmem:v8+s31+$0x0], $0xffff;
	_ =	sdelay $0x4  }
0x1b6: {  	vm1 =	vgt.s32 v7, $0x0  }
0x1b7: {  	v7 =	vnsel vm1, $0x0, v7  }
0x1b8: {  	s13 =	spop (v2sf);
	[tilespmem:$0x10870] =	vst v7  }
0x1b9: {  	[tilespmem:s24], [sflag:$0x2] =	stream.indirect.gather [hbm4b:s7+s22], $0x80, s23, s22, $0xb8;
	[tilespmem:$0x1E880] =	vst v63  }
0x1ba: {  	_ =	swait.ge [sflag:s25], $0x4000  }
0x1bb: {  	[sflag:s25] =	ssyncset.done $0x0  }
0x1bc: {  	[sflag:s25] =	ssyncadd.s32 $0xFFFFC000  }
0x1bd: {  	v7 =	vld [tilespmem:$0x7C00];
	_ =	sdelay $0x4  }
0x1be: {  	v7 =	vnsel vm0, $0xC0000000, v7  }
0x1bf: {  	v7 =	vxor.u32 $0x80000000, v7  }
0x1c0: {  	(xrf0) =	vmax.scan.msk.u32 $0xffff, v7;
	_ =	sdelay $0x5  }
0x1c1: {  	v7, _, _ =	vpop (xrf0)  }
0x1c2: {  	(v2sf) =	vpush v7, $0xF;
	_ =	sdelay $0x9  }
0x1c3: {  	[tilespmem:s29], [sflag:$0x3] =	stream.strided.gather [hbm4b:s16+s26], $0x2000, s28, s26, $0x38;
	[tilespmem:$0x1E880] =	vst v63  }
0x1c4: {  	s9 =	simm.s32 $0x16880;
	s3 =	rddreg [dreg:$0xc]  }
0x1c5: {  	[tilespmem:s9], [sflag:$0x3] =	stream.strided.gather [hbm4b:s3+s26], $0x2000, s28, s26, $0x38;
	[tilespmem:$0x1E880] =	vst v63  }
.Ltmp12:
0x1c6: {  	s18 =	simm.s32 $0x18880;
	(pc) =	sbr.rel .LBB2_22-.Ltmp12, $4  }
0x1c7: {  	[tilespmem:s18], [sflag:$0x3] =	stream.strided.gather [hbm4b:s19+s26], $0x2000, s28, s26, $0x38;
	[tilespmem:$0x1E880] =	vst v63  }
0x1c8: {  	s2 =	sxor.u32 $0x80000000, s13;
	s14 =	spop (v2sf)  }
0x1c9: {  	p0 =	sgt.s32 s2, $0x0;
	s14 =	sxor.u32 $0x80000000, s14  }
0x1ca: {  	s3 =	simm.s32 $0x0;
	s14 =	simm.s32 @!p0 $0x40000000  }
.LBB2_28:
0x1cb: {  	s31 =	smov.u32 @p0 s31;
	s14 =	smov.u32 @p0 s14  }
.LBB2_29:
0x1cc: {  	s11 =	sadd.s32 s17, s3;
	s12 =	sadd.s32 $0x3, s3  }
0x1cd: {  	s10 =	sand.u32 $0x3FFFE000, s10;
	s11 =	sshll.u32 s11, $0x7;
	p0 =	sge.u32 s12, s15  }
0x1ce: {  	s10 =	sadd.s32 $0x14880, s10;
	s11 =	sadd.s32 s4, s11;
	s13 =	smulhi.u32 @!p0 $0xCCCCCCCD, s12  }
0x1cf: {  	[hbm4b:s11+s26] =	stream.strided.scatter [tilespmem:s10], [sflag:$0x4], $0x2000, s28, s26, $0x38;
	[tilespmem:$0x1E880] =	vst v63  }
0x1d0: {  	p1 =	slt.u32 s3, $0x2;
	s10 =	sshrl.u32 @!p0 s13, $0x2  }
0x1d1: {  	s11 =	sadd.s32 @!p0 s17, s12;
	s3 =	smul.u32 @!p0 $0x5, s10;
	s10 =	simm.s32 @!p1 $0x4  }
0x1d2: {  	s11 =	sshll.u32 @!p0 s11, $0x7;
	_ =	swait.ge @!p1 [sflag:s10], $0x2000  }
0x1d3: {  	s3 =	ssub.s32 @!p0 s12, s3;
	[sflag:s10] =	ssyncset.done @!p1 $0x0;
	s12 =	simm.s32 @!p0 $0x7A1400  }
0x1d4: {  	s3 =	sshll.u32 @!p0 s3, $0xD;
	[sflag:s10] =	ssyncadd.s32 @!p1 $0xFFFFE000;
	s10 =	sand.u32 @!p0 $0x1FFFFF80, s11  }
0x1d5: {  	s11 =	simm.s32 @!p0 $0x400;
	s3 =	sadd.s32 @!p0 $0x14880, s3;
	s10 =	sadd.s32 @!p0 s1, s10  }
0x1d6: {  	[tilespmem:s3], [sflag:$0x3] =	stream.strided.gather @!p0 [hbm4b:s10+s11], $0x2000, s12, s11, $0x38;
	[tilespmem:$0x1E880] =	vst v63  }
0x1d7: {  	p0 =	sne.s32 s9, s15  }
.Ltmp13:
0x1d8: {  	_ = 	snop;
	(pc) =	sbr.rel @!p0 .LBB2_30-.Ltmp13, $2  }
0x1d9: {  	_ =	sdelay $0x2  }
0x1da: {  	s3 =	smov.u32 s9  }
.LBB2_22:
0x1db: {  	s9 =	smulhi.u32 $0xCCCCCCCD, s3;
	_ =	sdelay $0x1  }
0x1dc: {  	s10 =	sshrl.u32 s9, $0x2;
	s9 =	sadd.s32 $0x1, s3  }
0x1dd: {  	p0 =	sge.s32 s31, s2;
	s11 =	sshll.u32 s9, $0x7  }
0x1de: {  	p1 =	sge.s32 @!p0 s14, s11  }
0x1df: {  	p1 =	por p0, p1  }
.Ltmp14:
0x1e0: {  	_ = 	snop;
	(pc) =	sbr.rel @p1 .LBB2_23-.Ltmp14, $4  }
0x1e1: {  	s10 =	smul.u32 $0x5, s10  }
0x1e2: {  	_ =	swait.ge [sflag:s0], $0x2000  }
0x1e3: {  	[sflag:s0] =	ssyncset.done $0x0;
	s10 =	ssub.s32 s3, s10  }
0x1e4: {  	[sflag:s0] =	ssyncadd.s32 $0xFFFFE000;
	s10 =	sshll.u32 s10, $0xD  }
.Ltmp15:
0x1e5: {  	v8 =	vmul.u32 $0x80, v4;
	(pc) =	sbr.rel .LBB2_25-.Ltmp15, $4  }
0x1e6: {  	_ = 	snop  }
0x1e7: {  	s12 =	sshll.u32 s31, $0x2;
	v7 =	vor.u32 s10, v8  }
0x1e8: {  	s12 =	sshra.s32 s12, $0x2;
	v9 =	vor.u32 $0x800, v8;
	v10 =	vor.u32 $0x1000, v8;
	v11 =	vor.u32 $0x1800, v8  }
0x1e9: {  	s13 =	sadd.s32 $0x1, s31;
	s12 =	sadd.s32 $0x7C41, s12;
	v8 =	vor.u32 s10, v9;
	v9 =	vor.u32 s10, v10;
	v10 =	vor.u32 s10, v11  }
.LBB2_27:
0x1ea: {  	p1 =	slt.u32 s13, $0x7FFFFFFF;
	s13 =	simm.s32 $0x1  }
0x1eb: {  	s14 =	sshra.s32 s31, $0x1F;
	s13 =	simm.s32 @!p1 $0x0  }
0x1ec: {  	s18 =	sand.u32 $0xF, s31;
	s13 =	sadd.s32 s13, s14  }
0x1ed: {  	p2 =	sne.s32 s18, $0x0;
	p6 =	sne.s32 s13, $0x1  }
0x1ee: {  	s14 =	sshrl.u32 s14, $0x1C;
	p1 =	por !p2, !p6  }
0x1ef: {  	s13 =	sadd.s32 s14, s31;
	s14 =	simm.s32 $0x1;
	p1 =	por !p1, !p1  }
0x1f0: {  	s13 =	sshrl.u32 s13, $0x4;
	s14 =	simm.s32 @!p1 $0x0  }
0x1f1: {  	s13 =	ssub.s32 s13, s14  }
0x1f2: {  	s13 =	sshll.u32 s13, $0x4  }
0x1f3: {  	v11 =	vld [tilespmem:s13+$0x7C00];
	_ =	sdelay $0x2  }
0x1f4: {  	s13 =	ssub.s32 s31, s13  }
0x1f5: {  	v12 =	vmov s13  }
0x1f6: {  	vm1 =	veq.s32 v12, v4;
	v11 =	vxor.u32 $0x80000000, v11  }
0x1f7: {  	v11 =	vnsel vm1, $0x40000000, v11  }
0x1f8: {  	(xrf0) =	vmax.scan.msk.u32 $0xffff, v11;
	_ =	sdelay $0x5  }
0x1f9: {  	v11, _, _ =	vpop (xrf0)  }
0x1fa: {  	(v2sf) =	vpush v11, $0xF;
	_ =	sdelay $0xe  }
0x1fb: {  	s18 =	spop (v2sf)  }
0x1fc: {  	p1 =	slt.s32 s31, s2;
	s14 =	sxor.u32 $0x80000000, s18  }
0x1fd: {  	s14 =	simm.s32 @!p1 $0x40000000  }
0x1fe: {  	p1 =	slt.s32 @!p0 s14, s11  }
0x1ff: {  	p1 =	por p0, !p1  }
.Ltmp16:
0x200: {  	_ = 	snop;
	(pc) =	sbr.rel @p1 .LBB2_28-.Ltmp16, $2  }
0x201: {  	_ =	sdelay $0x2  }
0x202: {  	s12 =	sadd.s32 $0x1, s12;
	s13 =	sadd.s32 $0x1, s31  }
.LBB2_25:
0x203: {  	s31 =	smov.u32 s13;
	s13 =	sadd.s32 $0xFFFFFFFF, s13  }
0x204: {  	s18 =	sand.u32 $0x7F, s13  }
0x205: {  	s18 =	sshll.u32 s18, $0x7  }
0x206: {  	v11 =	vor.u32 s18, v4;
	_ =	sdelay $0x3  }
0x207: {  	s14 =	sand.u32 $0x7F, s14  }
0x208: {  	v13 =	vor.u32 $0x10, v4;
	v12 =	vor.u32 s14, v7;
	v11 =	vld.idx.msk [tilespmem:v11+s24+$0x0], $0xffff  }
0x209: {  	v13 =	vor.u32 s18, v13;
	_ =	sdelay $0x3  }
0x20a: {  	[tilespmem:v12+s29+$0x0] =	vst.idx.msk $0xffff, v11  }
0x20b: {  	v60 =	vor.u32 $0x20, v4;
	v59 =	vor.u32 s14, v8;
	v11 =	vld.idx.msk [tilespmem:v13+s24+$0x0], $0xffff  }
0x20c: {  	v13 =	vor.u32 s18, v60;
	_ =	sdelay $0x3  }
0x20d: {  	[tilespmem:v59+s29+$0x0] =	vst.idx.msk $0xffff, v11  }
0x20e: {  	v62 =	vor.u32 $0x30, v4;
	v61 =	vor.u32 s14, v9;
	v11 =	vld.idx.msk [tilespmem:v13+s24+$0x0], $0xffff  }
0x20f: {  	v13 =	vor.u32 s18, v62;
	_ =	sdelay $0x2  }
0x210: {  	v63 =	vor.u32 s14, v10;
	s14 =	sand.u32 $0x7F, s31;
	p0 =	sge.s32 s31, s2  }
0x211: {  	p1 =	sne.s32 @!p0 s14, $0x0;
	[tilespmem:v61+s29+$0x0] =	vst.idx.msk $0xffff, v11  }
0x212: {  	p1 =	por p0, p1;
	v11 =	vld.idx.msk [tilespmem:v13+s24+$0x0], $0xffff  }
.Ltmp17:
0x213: {  	_ = 	snop;
	(pc) =	sbr.rel @p1 .LBB2_27-.Ltmp17, $2  }
0x214: {  	_ =	sdelay $0x2  }
0x215: {  	[tilespmem:v63+s29+$0x0] =	vst.idx.msk $0xffff, v11  }
0x216: {  	v11 =	vld [tilespmem:s12+$0xFFFFFFC0];
	_ =	sdelay $0x4  }
0x217: {  	vm1 =	vgt.s32 v11, $0x0  }
0x218: {  	v11 =	vnsel vm1, $0x0, v11  }
0x219: {  	v11 =	vmin.u32 v2, v11;
	_ =	sdelay $0x4  }
0x21a: {  	v11 =	vld.idx.msk [tilespmem:v11+s6+$0x0], $0xffff;
	_ =	sdelay $0x4  }
0x21b: {  	vm1 =	vgt.s32 v11, $0x0  }
0x21c: {  	v11 =	vnsel vm1, $0x0, v11  }
0x21d: {  	[tilespmem:$0x10800] =	vst v11  }
0x21e: {  	v11 =	vld [tilespmem:s12+$0xFFFFFFD0];
	_ =	sdelay $0x4  }
0x21f: {  	vm1 =	vgt.s32 v11, $0x0  }
0x220: {  	v11 =	vnsel vm1, $0x0, v11  }
0x221: {  	v11 =	vmin.u32 v2, v11;
	_ =	sdelay $0x4  }
0x222: {  	v11 =	vld.idx.msk [tilespmem:v11+s6+$0x0], $0xffff;
	_ =	sdelay $0x4  }
0x223: {  	vm1 =	vgt.s32 v11, $0x0  }
0x224: {  	v11 =	vnsel vm1, $0x0, v11  }
0x225: {  	[tilespmem:$0x10810] =	vst v11  }
0x226: {  	v11 =	vld [tilespmem:s12+$0xFFFFFFE0];
	_ =	sdelay $0x4  }
0x227: {  	vm1 =	vgt.s32 v11, $0x0  }
0x228: {  	v11 =	vnsel vm1, $0x0, v11  }
0x229: {  	v11 =	vmin.u32 v2, v11;
	_ =	sdelay $0x4  }
0x22a: {  	v11 =	vld.idx.msk [tilespmem:v11+s6+$0x0], $0xffff;
	_ =	sdelay $0x4  }
0x22b: {  	vm1 =	vgt.s32 v11, $0x0  }
0x22c: {  	v11 =	vnsel vm1, $0x0, v11  }
0x22d: {  	[tilespmem:$0x10820] =	vst v11  }
0x22e: {  	v11 =	vld [tilespmem:s12+$0xFFFFFFF0];
	_ =	sdelay $0x4  }
0x22f: {  	vm1 =	vgt.s32 v11, $0x0  }
0x230: {  	v11 =	vnsel vm1, $0x0, v11  }
0x231: {  	v11 =	vmin.u32 v2, v11;
	_ =	sdelay $0x4  }
0x232: {  	v11 =	vld.idx.msk [tilespmem:v11+s6+$0x0], $0xffff;
	_ =	sdelay $0x4  }
0x233: {  	vm1 =	vgt.s32 v11, $0x0  }
0x234: {  	v11 =	vnsel vm1, $0x0, v11  }
0x235: {  	[tilespmem:$0x10830] =	vst v11  }
0x236: {  	v11 =	vld [tilespmem:s12+$0x0];
	_ =	sdelay $0x4  }
0x237: {  	vm1 =	vgt.s32 v11, $0x0  }
0x238: {  	v11 =	vnsel vm1, $0x0, v11  }
0x239: {  	v11 =	vmin.u32 v2, v11;
	_ =	sdelay $0x4  }
0x23a: {  	v11 =	vld.idx.msk [tilespmem:v11+s6+$0x0], $0xffff;
	_ =	sdelay $0x4  }
0x23b: {  	vm1 =	vgt.s32 v11, $0x0  }
0x23c: {  	v11 =	vnsel vm1, $0x0, v11  }
0x23d: {  	[tilespmem:$0x10840] =	vst v11  }
0x23e: {  	v11 =	vld [tilespmem:s12+$0x10];
	_ =	sdelay $0x4  }
0x23f: {  	vm1 =	vgt.s32 v11, $0x0  }
0x240: {  	v11 =	vnsel vm1, $0x0, v11  }
0x241: {  	v11 =	vmin.u32 v2, v11;
	_ =	sdelay $0x4  }
0x242: {  	v11 =	vld.idx.msk [tilespmem:v11+s6+$0x0], $0xffff;
	_ =	sdelay $0x4  }
0x243: {  	vm1 =	vgt.s32 v11, $0x0  }
0x244: {  	v11 =	vnsel vm1, $0x0, v11  }
0x245: {  	[tilespmem:$0x10850] =	vst v11  }
0x246: {  	v11 =	vld [tilespmem:s12+$0x20];
	_ =	sdelay $0x4  }
0x247: {  	vm1 =	vgt.s32 v11, $0x0  }
0x248: {  	v11 =	vnsel vm1, $0x0, v11  }
0x249: {  	v11 =	vmin.u32 v2, v11;
	_ =	sdelay $0x4  }
0x24a: {  	v11 =	vld.idx.msk [tilespmem:v11+s6+$0x0], $0xffff;
	_ =	sdelay $0x4  }
0x24b: {  	vm1 =	vgt.s32 v11, $0x0  }
0x24c: {  	v11 =	vnsel vm1, $0x0, v11  }
0x24d: {  	[tilespmem:$0x10860] =	vst v11  }
0x24e: {  	v11 =	vld [tilespmem:s12+$0x30];
	_ =	sdelay $0x4  }
0x24f: {  	vm1 =	vgt.s32 v11, $0x0  }
0x250: {  	v11 =	vnsel vm1, $0x0, v11  }
0x251: {  	v11 =	vmin.u32 v2, v11;
	_ =	sdelay $0x4  }
0x252: {  	v11 =	vld.idx.msk [tilespmem:v11+s6+$0x0], $0xffff;
	_ =	sdelay $0x4  }
0x253: {  	vm1 =	vgt.s32 v11, $0x0  }
0x254: {  	v11 =	vnsel vm1, $0x0, v11  }
.Ltmp18:
0x255: {  	[tilespmem:$0x10870] =	vst v11;
	(pc) =	sbr.rel .LBB2_27-.Ltmp18, $4  }
0x256: {  	[tilespmem:s24], [sflag:$0x2] =	stream.indirect.gather [hbm4b:s7+s22], $0x80, s23, s22, $0xb8;
	[tilespmem:$0x1E880] =	vst v63  }
0x257: {  	_ =	swait.ge [sflag:s25], $0x4000  }
0x258: {  	[sflag:s25] =	ssyncset.done $0x0  }
0x259: {  	[sflag:s25] =	ssyncadd.s32 $0xFFFFC000  }
.LBB2_23:
.Ltmp19:
0x25a: {  	(pc) =	sbr.rel .LBB2_29-.Ltmp19, $2  }
0x25b: {  	_ =	sdelay $0x2  }
0x25c: {  	s31 =	smov.u32 @p0 s31;
	s14 =	smov.u32 @p0 s14  }
.LBB2_31:
0x25d: {  	_ =	sfence.sel $0x180000  }
0x25e: {  	[bflag:$0x0] =	sbarrier.arrive $0xFFFF  }
0x25f: {  	_ =	strace $0x9000004D  }
0x260: {  	s0 =	stileid.u32;
	[bflag:$0x2] =	sbarrier.arrive $0xFFFF  }
0x261: {  	p0 =	sne.s32 s0, $0x0;
	s0 =	rddreg [dreg:$0x5]  }
0x262: {  	s0 =	sadd.s32 @!p0 $0x100000, s0  }
0x263: {  	[sflag:s0] =	ssyncadd.tile.s32 @!p0 $0x1;
	_ =	shalt  }
.Lfunc_end2:
_tile_overlayer_lowered:
.L_overlay_start_2:
0x264: {  	(tag) =	ssettag $0x2  }
0x265: {  	s0 =	rddreg [dreg:$0x0];
	s2 =	stileid.u32  }
0x266: {  	s1 =	rddreg [dreg:$0x1];
	p0 =	sne.s32 s2, $0x0  }
0x267: {  	s3 =	rddreg [dreg:$0x2];
	[bflag:$0x3] =	sbarrier.arrive $0xFFFF;
	s2 =	simm.s32 @!p0 $0x1C05  }
0x268: {  	[timem:s3], [sflag:s2] =	dma.local @!p0 [hbm:s0], s1  }
0x269: {  	s0 =	simm.s32 @!p0 $0x5  }
0x26a: {  	_ =	swait.ge @!p0 [sflag:s0], s1  }
0x26b: {  	s1 =	ssub.s32 @!p0 $0x0, s1;
	[sflag:s0] =	ssyncset.done @!p0 $0x0  }
0x26c: {  	[sflag:s0] =	ssyncadd.s32 @!p0 s1  }
0x26d: {  	[bflag:$0x3] =	sbarrier.arrive $0xFFFF  }
0x26e: {  	_ =	shalt  }

// kernel: kernel.7.cloned.1.call-start
scs
__scs_entry_jumppad:
0x0: {  	(pc) =	sbr.rel $0x88, $3  }
0x1: {  	(tag) =	ssettag $0x0;
	lr =	simm.s32 $0x1  }
0x2: {  	[smem:$0x3F8E] =	sst lr;
	_ =	strace $0xD0000000  }
0x3: {  	_ = 	snop  }
0x4: {  	_ = 	snop  }
0x5: {  	_ = 	snop  }
0x6: {  	_ = 	snop  }
0x7: {  	_ = 	snop  }
__scs_overlays_trampoline_lowered:
0x8: {  	[smem:$0x3F9D] =	sst s0  }
0x9: {  	[smem:$0x3F9E] =	sst s1  }
0xa: {  	[smem:$0x3F9F] =	sst s2  }
0xb: {  	[smem:$0x3FA0] =	sst s3  }
0xc: {  	[smem:$0x3FA1] =	sst s4  }
0xd: {  	[smem:$0x3FA2] =	sst s5  }
0xe: {  	[smem:$0x3FA3] =	sst s6  }
0xf: {  	[smem:$0x3FA4] =	sst s7  }
0x10: {  	[smem:$0x3FA5] =	sst s8  }
0x11: {  	[smem:$0x3FA6] =	sst s9;
	s0 =	simm.s32 @!p0 $0x0  }
0x12: {  	s1 =	sld [smem:$0x3F8C];
	s0 =	simm.s32 @p0 $0x1  }
0x13: {  	[smem:$0x3FA7] =	sst s0;
	s0 =	simm.s32 @!p1 $0x0  }
0x14: {  	s2 =	sld [smem:$0x3F8B];
	s0 =	simm.s32 @p1 $0x1  }
0x15: {  	[smem:$0x3FA8] =	sst s0;
	s0 =	simm.s32 @!p2 $0x0  }
0x16: {  	s3 =	sld [smem:$0x3FDB];
	s0 =	simm.s32 @p2 $0x1  }
0x17: {  	s4 =	simm.s32 $0x1BF5;
	[smem:$0x3FAA] =	sst s0  }
0x18: {  	s0 =	sld [smem:$0x3F8D];
	_ =	swait.ge [sflag:s4], $0x0  }
0x19: {  	s7 =	sld [smem:$0x3F8E]  }
0x1a: {  	s8 =	sadd.s32 $0xFFFFE003, lr  }
0x1b: {  	s9 =	sadd.s32 $0xFFFFFEF7, lr;
	s5 =	simm.s32 $0xFFFFFFFF;
	p2 =	slt.u32 s8, $0xFFFFF086  }
0x1c: {  	p1 =	slt.u32 s9, $0xF7A;
	s5 =	simm.s32 @!p2 $0x0  }
0x1d: {  	s5 =	simm.s32 @p1 $0x1;
	p0 =	seq.s32 s7, s2  }
0x1e: {  	s7 =	smul.u32 @!p0 $0xF7A, s2;
	p2 =	seq.s32 @!p0 s5, $0x0  }
0x1f: {  	s9 =	smul.u32 $0xF7A, s1;
	s8 =	simm.s32 @!p0 $0x1BF5;
	p2 =	por !p2, p0  }
0x20: {  	[sflag:s8] =	ssyncset.s32 @!p0 $0xFFFFF086;
	s6 =	sadd.s32 @!p0 s3, s7;
	s7 =	simm.s32 @!p0 $0x108  }
0x21: {  	s3 =	sadd.s32 s3, s9;
	s6 =	sadd.s32 @!p0 $0x88, s6;
	s7 =	simm.s32 @p2 $0x1082  }
0x22: {  	[simem:s7], [sflag:s8] =	dma.local @!p0 [hbm:s6], $0xF7A  }
0x23: {  	s9 =	sor.u32 $0xD0000000, s2;
	s6 =	simm.s32 $0x108;
	_ =	swait.ge @!p0 [sflag:s8], $0x0  }
0x24: {  	s3 =	sadd.s32 $0x88, s3;
	s6 =	simm.s32 @!p1 $0x1082;
	[sflag:s4] =	ssyncset.s32 $0xFFFFF086  }
0x25: {  	[simem:s6], [sflag:s4] =	dma.local [hbm:s3], $0xF7A  }
0x26: {  	[smem:$0x3F8E] =	sst s1;
	(tag) =	ssettag s2;
	_ =	strace s9  }
0x27: {  	s1 =	sld [smem:$0x3F9E]  }
0x28: {  	s2 =	sld [smem:$0x3F9F]  }
0x29: {  	s4 =	sld [smem:$0x3FA1]  }
0x2a: {  	p0 =	seq.s32 s5, $0x0;
	s5 =	sld [smem:$0x3FA2]  }
0x2b: {  	s6 =	sld [smem:$0x3FA3]  }
0x2c: {  	s7 =	sld [smem:$0x3FA4]  }
0x2d: {  	s3 =	simm.s32 $0x108;
	s8 =	sld [smem:$0x3FA5]  }
0x2e: {  	s3 =	simm.s32 @!p0 $0x1082;
	s9 =	sld [smem:$0x3FA6]  }
0x2f: {  	lr =	sadd.s32 s0, s3;
	s0 =	sld [smem:$0x3F9D]  }
0x30: {  	s3 =	sld [smem:$0x3FA0]  }
0x31: {  	[smem:$0x3FA9] =	sst s10  }
0x32: {  	s10 =	sld [smem:$0x3FA7];
	_ =	sdelay $0x3  }
0x33: {  	p0 =	seq.s32 s10, $0x1;
	s10 =	sld [smem:$0x3FA9];
	_ =	sdelay $0x3  }
0x34: {  	[smem:$0x3FA9] =	sst s10  }
0x35: {  	s10 =	sld [smem:$0x3FA8];
	_ =	sdelay $0x3  }
0x36: {  	p1 =	seq.s32 s10, $0x1;
	s10 =	sld [smem:$0x3FA9];
	_ =	sdelay $0x3  }
0x37: {  	[smem:$0x3FA9] =	sst s10  }
0x38: {  	s10 =	sld [smem:$0x3FAA]  }
0x39: {  	_ = 	snop;
	(pc) =	sbr.ind lr, $3  }
0x3a: {  	_ = 	snop  }
0x3b: {  	_ = 	snop  }
0x3c: {  	p2 =	seq.s32 s10, $0x1;
	s10 =	sld [smem:$0x3FA9]  }
0x3d: {  	_ =	shalt  }
0x3e: {  	_ =	shalt  }
0x3f: {  	_ =	shalt  }
0x40: {  	_ =	shalt  }
0x41: {  	_ =	shalt  }
0x42: {  	_ =	shalt  }
0x43: {  	_ =	shalt  }
0x44: {  	_ =	shalt  }
0x45: {  	_ =	shalt  }
0x46: {  	_ =	shalt  }
0x47: {  	_ =	shalt  }
0x48: {  	_ =	shalt  }
0x49: {  	_ =	shalt  }
0x4a: {  	_ =	shalt  }
0x4b: {  	_ =	shalt  }
0x4c: {  	_ =	shalt  }
0x4d: {  	_ =	shalt  }
0x4e: {  	_ =	shalt  }
0x4f: {  	_ =	shalt  }
0x50: {  	_ =	shalt  }
0x51: {  	_ =	shalt  }
0x52: {  	_ =	shalt  }
0x53: {  	_ =	shalt  }
0x54: {  	_ =	shalt  }
0x55: {  	_ =	shalt  }
0x56: {  	_ =	shalt  }
0x57: {  	_ =	shalt  }
0x58: {  	_ =	shalt  }
0x59: {  	_ =	shalt  }
0x5a: {  	_ =	shalt  }
0x5b: {  	_ =	shalt  }
0x5c: {  	_ =	shalt  }
0x5d: {  	_ =	shalt  }
0x5e: {  	_ =	shalt  }
0x5f: {  	_ =	shalt  }
0x60: {  	_ =	shalt  }
0x61: {  	_ =	shalt  }
0x62: {  	_ =	shalt  }
0x63: {  	_ =	shalt  }
0x64: {  	_ =	shalt  }
0x65: {  	_ =	shalt  }
0x66: {  	_ =	shalt  }
0x67: {  	_ =	shalt  }
0x68: {  	_ =	shalt  }
0x69: {  	_ =	shalt  }
0x6a: {  	_ =	shalt  }
0x6b: {  	_ =	shalt  }
0x6c: {  	_ =	shalt  }
0x6d: {  	_ =	shalt  }
0x6e: {  	_ =	shalt  }
0x6f: {  	_ =	shalt  }
0x70: {  	_ =	shalt  }
0x71: {  	_ =	shalt  }
0x72: {  	_ =	shalt  }
0x73: {  	_ =	shalt  }
0x74: {  	_ =	shalt  }
0x75: {  	_ =	shalt  }
0x76: {  	_ =	shalt  }
0x77: {  	_ =	shalt  }
0x78: {  	_ =	shalt  }
0x79: {  	_ =	shalt  }
0x7a: {  	_ =	shalt  }
0x7b: {  	_ =	shalt  }
0x7c: {  	_ =	shalt  }
0x7d: {  	_ =	shalt  }
0x7e: {  	_ =	shalt  }
0x7f: {  	_ =	shalt  }
0x80: {  	_ =	shalt  }
0x81: {  	_ =	shalt  }
0x82: {  	_ =	shalt  }
0x83: {  	_ =	shalt  }
0x84: {  	_ =	shalt  }
0x85: {  	_ =	shalt  }
0x86: {  	_ =	shalt  }
0x87: {  	_ =	shalt  }
.Lfunc_end0:
.L_simem_size_0:
called_computation.1_lowered:
.L_overlay_start_0:
0x88: {  	s2 =	sld [smem:$0x3FD9]  }
0x89: {  	s3 =	sld [smem:$0x3FFE];
	_ =	sdelay $0x1  }
0x8a: {  	s1 =	srdreg.scid  }
0x8b: {  	s0 =	sand.u32 $0x1, s1  }
0x8c: {  	s17 =	sshll.u32 s0, $0xA;
	s2 =	sadd.s32 s3, s2  }
0x8d: {  	s2 =	sadd.s32 s2, s17  }
0x8e: {  	[smem:$0x3FB5] =	sst s2  }
0x8f: {  	_ = 	snop  }
0x90: {  	s2 =	sld [smem:$0x3FC7]  }
0x91: {  	s18 =	sld [smem:$0x3FC6];
	(tm) =	ssettm $0x1  }
0x92: {  	s4 =	sld [smem:$0x3FFB];
	_ =	sdelay $0x3  }
0x93: {  	_ =	strace s4  }
0x94: {  	s4 =	sld [smem:$0x3FFC];
	_ =	sdelay $0x3  }
0x95: {  	_ =	strace s4  }
0x96: {  	s4 =	sld [smem:$0x3FFD];
	_ =	sdelay $0x3  }
0x97: {  	_ =	strace s4  }
0x98: {  	_ =	strace $0x8FFFFFFF  }
0x99: {  	s19 =	sld [smem:$0x3FDB];
	_ =	sdelay $0x1  }
0x9a: {  	s5 =	simm.s32 $_scs_section_size  }
0x9b: {  	s6 =	simm.s32 $_size__tile_overlayer_lowered;
	s7 =	simm.s32 $_tile_overlayer_lowered  }
0x9c: {  	s22 =	simm.s32 $0x1BFF;
	s21 =	sshll.u32 s7, $0x1;
	s4 =	sadd.s32 s5, s19  }
0x9d: {  	s8 =	simm.s32 $0x0;
	s20 =	sshll.u32 s6, $0x1;
	s6 =	sadd.s32 s21, s4  }
0x9e: {  	[timem:s8], [sflag:s22] =	dma.local [hbm:s6], s20  }
0x9f: {  	_ =	swait.ge [sflag:s22], s20  }
0xa0: {  	s5 =	ssub.s32 $0x0, s20;
	[sflag:s22] =	ssyncset.done $0x0  }
0xa1: {  	[sflag:s22] =	ssyncadd.s32 s5;
	_ =	sdelay $0x1  }
0xa2: {  	s23 =	simm.s32 $0x1B8B  }
0xa3: {  	_ =	swait.ge [sflag:s23], $0x1  }
0xa4: {  	[sflag:s23] =	ssyncset.done $0x0  }
0xa5: {  	s25 =	simm.s32 $0x1B8E;
	s24 =	sld [smem:$0x3FFE];
	[sflag:s23] =	ssyncadd.s32 $0xFFFFFFFF  }
0xa6: {  	s26 =	simm.s32 $execute0_lowered;
	[smem:$0x3FD2] =	sst s25  }
0xa7: {  	s6 =	sshll.u32 s26, $0x1;
	_ =	strace $0x80000046;
	[dreg:$0x1] =	wrdreg $0xFFFFFFFF  }
0xa8: {  	s28 =	simm.s32 $_size_execute0_lowered;
	s4 =	sadd.s32 s4, s6;
	[dreg:$0x0] =	wrdreg $0x0  }
0xa9: {  	s6 =	sshll.u32 s28, $0x1;
	[dreg:$0x2] =	wrdreg s4  }
0xaa: {  	[dreg:$0x3] =	wrdreg s6  }
0xab: {  	[dreg:$0x4] =	wrdreg $0xC0  }
0xac: {  	_ =	task [dreg:s8], $0x5FFFF  }
0xad: {  	[dreg:$0x1] =	wrdreg $0xFFFFFFFF  }
0xae: {  	[dreg:$0x0] =	wrdreg $0x60  }
0xaf: {  	[dreg:$0x2] =	wrdreg s24  }
0xb0: {  	[dreg:$0x3] =	wrdreg s2  }
0xb1: {  	[dreg:$0x4] =	wrdreg s18  }
0xb2: {  	[dreg:$0x5] =	wrdreg $0x9  }
0xb3: {  	_ =	task.clear_ibuf [dreg:s8], $0x6FFFF;
	_ =	strace $0x90000046  }
0xb4: {  	s29 =	simm.s32 $0x9;
	_ =	strace $0x80000048  }
0xb5: {  	_ =	swait.ge [sflag:s29], $0x1  }
0xb6: {  	[sflag:s29] =	ssyncadd.s32 $0xFFFFFFFF  }
0xb7: {  	_ =	strace $0x90000048  }
0xb8: {  	_ =	sfence  }
0xb9: {  	s30 =	sld [smem:$0x0];
	_ =	sdelay $0x2  }
0xba: {  	s31 =	sshll.u32 s1, $0xD;
	s1 =	sshrl.u32 s1, $0x2  }
0xbb: {  	s3 =	sand.u32 $0x4000, s31;
	s1 =	sadd.s32 s1, s30  }
0xbc: {  	s0 =	sor.u32 s3, s0;
	s1 =	sshll.u32 s1, $0x11  }
0xbd: {  	s0 =	sor.u32 s1, s0  }
0xbe: {  	s0 =	sadd.s32 $0x8F2B, s0  }
0xbf: {  	[sflag:s0] =	ssyncadd.remote.s32 $0x1  }
0xc0: {  	_ =	sfence.sel $0xFFFF  }
0xc1: {  	[dreg:$0x0] =	wrdreg $0xFFFFFFFF;
	(pc) =	sbr.abs _section_cstart, $3  }
0xc2: {  	[dreg:$0x1] =	wrdreg $0xFFFFFFFF  }
0xc3: {  	_ =	task.clear_ibuf [dreg:s8], $0x2FFFF;
	_ =	strace $0x9FFFFFFF  }
0xc4: {  	(tm) =	ssettm $0x7FFFFFFF  }
0xc5: {  	_ =	shalt  }
tec
execute0_lowered:
.L_overlay_start_1:
0x0: {  	(tag) =	ssettag $0x1  }
0x1: {  	s1 =	rddreg [dreg:$0x0];
	s2 =	srdreg.scid  }
0x2: {  	s4 =	rddreg [dreg:$0x1];
	s0 =	stileid.u32;
	s11 =	sand.u32 $0x1, s2  }
0x3: {  	s10 =	rddreg [dreg:$0x2];
	s5 =	sshll.u32 s0, $0xA;
	s6 =	sshll.u32 s11, $0x9  }
0x4: {  	s3 =	simm.s32 $0x0;
	s2 =	rddreg [dreg:$0x3];
	s8 =	sor.u32 s6, s5  }
0x5: {  	[smem:$0x7FF] =	sst s3;
	s12 =	sshrl.u32 s8, $0x3  }
0x6: {  	_ =	strace $0x80000047;
	s5 =	simm.s32 $0x1;
	s4 =	sadd.s32 s4, s12  }
0x7: {  	[tilespmem:s3], [sflag:$0x1] =	stream.linear.gather [hbm4b:s4+s3], $0x200, $0x38;
	[tilespmem:$0x10200] =	vst v63  }
0x8: {  	_ =	swait.ge [sflag:s5], $0x200  }
0x9: {  	[sflag:s5] =	ssyncset.done $0x0  }
0xa: {  	s7 =	simm.s32 $0x2;
	s6 =	simm.s32 $0x200;
	[sflag:s5] =	ssyncadd.s32 $0xFFFFFE00  }
0xb: {  	[tilespmem:s6], [sflag:$0x2] =	stream.indirect.gather [hbm4b:s1+s6], $0x80, s3, s6, $0xb8;
	[tilespmem:$0x10200] =	vst v63  }
0xc: {  	s8 =	sshll.u32 s8, $0x4;
	_ =	swait.ge [sflag:s7], $0x10000  }
0xd: {  	s13 =	sadd.s32 s8, s1;
	[sflag:s7] =	ssyncset.done $0x0  }
0xe: {  	s8 =	simm.s32 $0x3;
	s9 =	sadd.s32 $0xF42400, s13;
	[sflag:s7] =	ssyncadd.s32 $0xFFFF0000  }
0xf: {  	[hbm4b:s9+s3] =	stream.linear.scatter [tilespmem:s6], [sflag:$0x3], $0x10000, $0x38;
	[tilespmem:$0x10200] =	vst v63  }
0x10: {  	_ =	swait.ge [sflag:s8], $0x10000  }
0x11: {  	[sflag:s8] =	ssyncset.done $0x0  }
0x12: {  	s11 =	ssub.s32 $0x2, s11;
	s10 =	sadd.s32 s10, s12;
	[sflag:s8] =	ssyncadd.s32 $0xFFFF0000  }
0x13: {  	[tilespmem:s3], [sflag:$0x1] =	stream.linear.gather [hbm4b:s10+s3], $0x200, $0x38;
	[tilespmem:$0x10200] =	vst v63  }
0x14: {  	s31 =	sshrl.u32 s11, $0x1;
	_ =	swait.ge [sflag:s5], $0x200  }
0x15: {  	s12 =	ssub.s32 s11, s31;
	[sflag:s5] =	ssyncset.done $0x0  }
0x16: {  	s12 =	smax.u32 s12, $0x1;
	[sflag:s5] =	ssyncadd.s32 $0xFFFFFE00  }
0x17: {  	[tilespmem:s6], [sflag:$0x2] =	stream.indirect.gather [hbm4b:s1+s6], $0x80, s3, s6, $0xb8;
	[tilespmem:$0x10200] =	vst v63  }
0x18: {  	p0 =	sne.s32 s12, $0x1;
	_ =	swait.ge [sflag:s7], $0x10000  }
.Ltmp0:
0x19: {  	[sflag:s7] =	ssyncset.done $0x0;
	(pc) =	sbr.rel @!p0 .LBB2_2-.Ltmp0, $4  }
0x1a: {  	s11 =	sadd.s32 $0xF82400, s13;
	[sflag:s7] =	ssyncadd.s32 $0xFFFF0000  }
0x1b: {  	[hbm4b:s11+s3] =	stream.linear.scatter [tilespmem:s6], [sflag:$0x3], $0x10000, $0x38;
	[tilespmem:$0x10200] =	vst v63  }
0x1c: {  	_ =	swait.ge [sflag:s8], $0x10000  }
0x1d: {  	s12 =	sadd.s32 $0xFFFFFFFF, s12;
	[sflag:s8] =	ssyncset.done $0x0  }
.LBB2_1:
0x1e: {  	p0 =	sne.s32 s12, $0x1;
	s12 =	sadd.s32 $0xFFFFFFFF, s12;
	[sflag:s8] =	ssyncadd.s32 $0xFFFF0000  }
0x1f: {  	[tilespmem:s3], [sflag:$0x1] =	stream.linear.gather [hbm4b:s4+s3], $0x200, $0x38;
	[tilespmem:$0x10200] =	vst v63  }
0x20: {  	_ =	swait.ge [sflag:s5], $0x200  }
0x21: {  	[sflag:s5] =	ssyncset.done $0x0  }
0x22: {  	[sflag:s5] =	ssyncadd.s32 $0xFFFFFE00  }
0x23: {  	[tilespmem:s6], [sflag:$0x2] =	stream.indirect.gather [hbm4b:s1+s6], $0x80, s3, s6, $0xb8;
	[tilespmem:$0x10200] =	vst v63  }
0x24: {  	_ =	swait.ge [sflag:s7], $0x10000  }
0x25: {  	[sflag:s7] =	ssyncset.done $0x0  }
0x26: {  	[sflag:s7] =	ssyncadd.s32 $0xFFFF0000  }
0x27: {  	[hbm4b:s9+s3] =	stream.linear.scatter [tilespmem:s6], [sflag:$0x3], $0x10000, $0x38;
	[tilespmem:$0x10200] =	vst v63  }
0x28: {  	_ =	swait.ge [sflag:s8], $0x10000  }
0x29: {  	[sflag:s8] =	ssyncset.done $0x0  }
0x2a: {  	[sflag:s8] =	ssyncadd.s32 $0xFFFF0000  }
0x2b: {  	[tilespmem:s3], [sflag:$0x1] =	stream.linear.gather [hbm4b:s10+s3], $0x200, $0x38;
	[tilespmem:$0x10200] =	vst v63  }
0x2c: {  	_ =	swait.ge [sflag:s5], $0x200  }
0x2d: {  	[sflag:s5] =	ssyncset.done $0x0  }
0x2e: {  	[sflag:s5] =	ssyncadd.s32 $0xFFFFFE00  }
0x2f: {  	[tilespmem:s6], [sflag:$0x2] =	stream.indirect.gather [hbm4b:s1+s6], $0x80, s3, s6, $0xb8;
	[tilespmem:$0x10200] =	vst v63  }
0x30: {  	_ =	swait.ge [sflag:s7], $0x10000  }
.Ltmp1:
0x31: {  	[sflag:s7] =	ssyncset.done $0x0;
	(pc) =	sbr.rel @p0 .LBB2_1-.Ltmp1, $4  }
0x32: {  	[sflag:s7] =	ssyncadd.s32 $0xFFFF0000  }
0x33: {  	[hbm4b:s11+s3] =	stream.linear.scatter [tilespmem:s6], [sflag:$0x3], $0x10000, $0x38;
	[tilespmem:$0x10200] =	vst v63  }
0x34: {  	_ =	swait.ge [sflag:s8], $0x10000  }
0x35: {  	[sflag:s8] =	ssyncset.done $0x0  }
.LBB2_2:
0x36: {  	[sflag:s8] =	ssyncadd.s32 $0xFFFF0000  }
0x37: {  	_ =	sfence.sel $0x180000  }
0x38: {  	[bflag:$0x0] =	sbarrier.arrive $0xFFFF  }
0x39: {  	p0 =	sne.s32 s0, $0x0;
	_ =	strace $0x90000047  }
0x3a: {  	s0 =	sadd.s32 @!p0 $0x100000, s2;
	[bflag:$0x2] =	sbarrier.arrive $0xFFFF  }
0x3b: {  	[sflag:s0] =	ssyncadd.tile.s32 @!p0 $0x1;
	_ =	shalt  }
.Lfunc_end2:
_tile_overlayer_lowered:
.L_overlay_start_2:
0x3c: {  	(tag) =	ssettag $0x2  }
0x3d: {  	s0 =	rddreg [dreg:$0x0];
	s2 =	stileid.u32  }
0x3e: {  	s1 =	rddreg [dreg:$0x1];
	p0 =	sne.s32 s2, $0x0  }
0x3f: {  	s3 =	rddreg [dreg:$0x2];
	[bflag:$0x3] =	sbarrier.arrive $0xFFFF;
	s2 =	simm.s32 @!p0 $0x1C03  }
0x40: {  	[timem:s3], [sflag:s2] =	dma.local @!p0 [hbm:s0], s1  }
0x41: {  	s0 =	simm.s32 @!p0 $0x3  }
0x42: {  	_ =	swait.ge @!p0 [sflag:s0], s1  }
0x43: {  	s1 =	ssub.s32 @!p0 $0x0, s1;
	[sflag:s0] =	ssyncset.done @!p0 $0x0  }
0x44: {  	[sflag:s0] =	ssyncadd.s32 @!p0 s1  }
0x45: {  	[bflag:$0x3] =	sbarrier.arrive $0xFFFF  }
0x46: {  	_ =	shalt  }

// kernel: scatter_offload_async_start
scs
__scs_entry_jumppad:
0x0: {  	(pc) =	sbr.rel $0x88, $3  }
0x1: {  	(tag) =	ssettag $0x0;
	lr =	simm.s32 $0x1  }
0x2: {  	[smem:$0x3F8E] =	sst lr;
	_ =	strace $0xD0000000  }
0x3: {  	_ = 	snop  }
0x4: {  	_ = 	snop  }
0x5: {  	_ = 	snop  }
0x6: {  	_ = 	snop  }
0x7: {  	_ = 	snop  }
__scs_overlays_trampoline_lowered:
0x8: {  	[smem:$0x3F9D] =	sst s0  }
0x9: {  	[smem:$0x3F9E] =	sst s1  }
0xa: {  	[smem:$0x3F9F] =	sst s2  }
0xb: {  	[smem:$0x3FA0] =	sst s3  }
0xc: {  	[smem:$0x3FA1] =	sst s4  }
0xd: {  	[smem:$0x3FA2] =	sst s5  }
0xe: {  	[smem:$0x3FA3] =	sst s6  }
0xf: {  	[smem:$0x3FA4] =	sst s7  }
0x10: {  	[smem:$0x3FA5] =	sst s8  }
0x11: {  	[smem:$0x3FA6] =	sst s9;
	s0 =	simm.s32 @!p0 $0x0  }
0x12: {  	s1 =	sld [smem:$0x3F8C];
	s0 =	simm.s32 @p0 $0x1  }
0x13: {  	[smem:$0x3FA7] =	sst s0;
	s0 =	simm.s32 @!p1 $0x0  }
0x14: {  	s2 =	sld [smem:$0x3F8B];
	s0 =	simm.s32 @p1 $0x1  }
0x15: {  	[smem:$0x3FA8] =	sst s0;
	s0 =	simm.s32 @!p2 $0x0  }
0x16: {  	s3 =	sld [smem:$0x3FDB];
	s0 =	simm.s32 @p2 $0x1  }
0x17: {  	s4 =	simm.s32 $0x1BF5;
	[smem:$0x3FAA] =	sst s0  }
0x18: {  	s0 =	sld [smem:$0x3F8D];
	_ =	swait.ge [sflag:s4], $0x0  }
0x19: {  	s7 =	sld [smem:$0x3F8E]  }
0x1a: {  	s8 =	sadd.s32 $0xFFFFE003, lr  }
0x1b: {  	s9 =	sadd.s32 $0xFFFFFEF7, lr;
	s5 =	simm.s32 $0xFFFFFFFF;
	p2 =	slt.u32 s8, $0xFFFFF086  }
0x1c: {  	p1 =	slt.u32 s9, $0xF7A;
	s5 =	simm.s32 @!p2 $0x0  }
0x1d: {  	s5 =	simm.s32 @p1 $0x1;
	p0 =	seq.s32 s7, s2  }
0x1e: {  	s7 =	smul.u32 @!p0 $0xF7A, s2;
	p2 =	seq.s32 @!p0 s5, $0x0  }
0x1f: {  	s9 =	smul.u32 $0xF7A, s1;
	s8 =	simm.s32 @!p0 $0x1BF5;
	p2 =	por !p2, p0  }
0x20: {  	[sflag:s8] =	ssyncset.s32 @!p0 $0xFFFFF086;
	s6 =	sadd.s32 @!p0 s3, s7;
	s7 =	simm.s32 @!p0 $0x108  }
0x21: {  	s3 =	sadd.s32 s3, s9;
	s6 =	sadd.s32 @!p0 $0x88, s6;
	s7 =	simm.s32 @p2 $0x1082  }
0x22: {  	[simem:s7], [sflag:s8] =	dma.local @!p0 [hbm:s6], $0xF7A  }
0x23: {  	s9 =	sor.u32 $0xD0000000, s2;
	s6 =	simm.s32 $0x108;
	_ =	swait.ge @!p0 [sflag:s8], $0x0  }
0x24: {  	s3 =	sadd.s32 $0x88, s3;
	s6 =	simm.s32 @!p1 $0x1082;
	[sflag:s4] =	ssyncset.s32 $0xFFFFF086  }
0x25: {  	[simem:s6], [sflag:s4] =	dma.local [hbm:s3], $0xF7A  }
0x26: {  	[smem:$0x3F8E] =	sst s1;
	(tag) =	ssettag s2;
	_ =	strace s9  }
0x27: {  	s1 =	sld [smem:$0x3F9E]  }
0x28: {  	s2 =	sld [smem:$0x3F9F]  }
0x29: {  	s4 =	sld [smem:$0x3FA1]  }
0x2a: {  	p0 =	seq.s32 s5, $0x0;
	s5 =	sld [smem:$0x3FA2]  }
0x2b: {  	s6 =	sld [smem:$0x3FA3]  }
0x2c: {  	s7 =	sld [smem:$0x3FA4]  }
0x2d: {  	s3 =	simm.s32 $0x108;
	s8 =	sld [smem:$0x3FA5]  }
0x2e: {  	s3 =	simm.s32 @!p0 $0x1082;
	s9 =	sld [smem:$0x3FA6]  }
0x2f: {  	lr =	sadd.s32 s0, s3;
	s0 =	sld [smem:$0x3F9D]  }
0x30: {  	s3 =	sld [smem:$0x3FA0]  }
0x31: {  	[smem:$0x3FA9] =	sst s10  }
0x32: {  	s10 =	sld [smem:$0x3FA7];
	_ =	sdelay $0x3  }
0x33: {  	p0 =	seq.s32 s10, $0x1;
	s10 =	sld [smem:$0x3FA9];
	_ =	sdelay $0x3  }
0x34: {  	[smem:$0x3FA9] =	sst s10  }
0x35: {  	s10 =	sld [smem:$0x3FA8];
	_ =	sdelay $0x3  }
0x36: {  	p1 =	seq.s32 s10, $0x1;
	s10 =	sld [smem:$0x3FA9];
	_ =	sdelay $0x3  }
0x37: {  	[smem:$0x3FA9] =	sst s10  }
0x38: {  	s10 =	sld [smem:$0x3FAA]  }
0x39: {  	_ = 	snop;
	(pc) =	sbr.ind lr, $3  }
0x3a: {  	_ = 	snop  }
0x3b: {  	_ = 	snop  }
0x3c: {  	p2 =	seq.s32 s10, $0x1;
	s10 =	sld [smem:$0x3FA9]  }
0x3d: {  	_ =	shalt  }
0x3e: {  	_ =	shalt  }
0x3f: {  	_ =	shalt  }
0x40: {  	_ =	shalt  }
0x41: {  	_ =	shalt  }
0x42: {  	_ =	shalt  }
0x43: {  	_ =	shalt  }
0x44: {  	_ =	shalt  }
0x45: {  	_ =	shalt  }
0x46: {  	_ =	shalt  }
0x47: {  	_ =	shalt  }
0x48: {  	_ =	shalt  }
0x49: {  	_ =	shalt  }
0x4a: {  	_ =	shalt  }
0x4b: {  	_ =	shalt  }
0x4c: {  	_ =	shalt  }
0x4d: {  	_ =	shalt  }
0x4e: {  	_ =	shalt  }
0x4f: {  	_ =	shalt  }
0x50: {  	_ =	shalt  }
0x51: {  	_ =	shalt  }
0x52: {  	_ =	shalt  }
0x53: {  	_ =	shalt  }
0x54: {  	_ =	shalt  }
0x55: {  	_ =	shalt  }
0x56: {  	_ =	shalt  }
0x57: {  	_ =	shalt  }
0x58: {  	_ =	shalt  }
0x59: {  	_ =	shalt  }
0x5a: {  	_ =	shalt  }
0x5b: {  	_ =	shalt  }
0x5c: {  	_ =	shalt  }
0x5d: {  	_ =	shalt  }
0x5e: {  	_ =	shalt  }
0x5f: {  	_ =	shalt  }
0x60: {  	_ =	shalt  }
0x61: {  	_ =	shalt  }
0x62: {  	_ =	shalt  }
0x63: {  	_ =	shalt  }
0x64: {  	_ =	shalt  }
0x65: {  	_ =	shalt  }
0x66: {  	_ =	shalt  }
0x67: {  	_ =	shalt  }
0x68: {  	_ =	shalt  }
0x69: {  	_ =	shalt  }
0x6a: {  	_ =	shalt  }
0x6b: {  	_ =	shalt  }
0x6c: {  	_ =	shalt  }
0x6d: {  	_ =	shalt  }
0x6e: {  	_ =	shalt  }
0x6f: {  	_ =	shalt  }
0x70: {  	_ =	shalt  }
0x71: {  	_ =	shalt  }
0x72: {  	_ =	shalt  }
0x73: {  	_ =	shalt  }
0x74: {  	_ =	shalt  }
0x75: {  	_ =	shalt  }
0x76: {  	_ =	shalt  }
0x77: {  	_ =	shalt  }
0x78: {  	_ =	shalt  }
0x79: {  	_ =	shalt  }
0x7a: {  	_ =	shalt  }
0x7b: {  	_ =	shalt  }
0x7c: {  	_ =	shalt  }
0x7d: {  	_ =	shalt  }
0x7e: {  	_ =	shalt  }
0x7f: {  	_ =	shalt  }
0x80: {  	_ =	shalt  }
0x81: {  	_ =	shalt  }
0x82: {  	_ =	shalt  }
0x83: {  	_ =	shalt  }
0x84: {  	_ =	shalt  }
0x85: {  	_ =	shalt  }
0x86: {  	_ =	shalt  }
0x87: {  	_ =	shalt  }
.Lfunc_end0:
.L_simem_size_0:
called_computation_lowered:
.L_overlay_start_0:
0x88: {  	s0 =	sld [smem:$0x3FD9]  }
0x89: {  	s1 =	sld [smem:$0x3FFE];
	_ =	sdelay $0x3  }
0x8a: {  	s0 =	sadd.s32 s1, s0  }
0x8b: {  	[smem:$0x3FB5] =	sst s0  }
0x8c: {  	_ = 	snop  }
0x8d: {  	s0 =	sld [smem:$0x3FD0];
	_ =	sdelay $0x2  }
0x8e: {  	s13 =	simm.s32 $0xB;
	s2 =	simm.s32 $0x10  }
0x8f: {  	[smem:s2], [sflag:s13] =	dma.local [hbm:s0], $0x1  }
0x90: {  	_ =	swait.eq [sflag:s13], $0x1  }
0x91: {  	[sflag:s13] =	ssyncset.done $0x0  }
0x92: {  	[sflag:s13] =	ssyncadd.s32 $0xFFFFFFFF  }
0x93: {  	s14 =	sld [smem:$0x10];
	(tm) =	ssettm $0x1  }
0x94: {  	s15 =	sld [smem:$0x3FFB];
	_ =	sdelay $0x3  }
0x95: {  	_ =	strace s15  }
0x96: {  	s1 =	sld [smem:$0x3FFC];
	_ =	sdelay $0x3  }
0x97: {  	_ =	strace s1  }
0x98: {  	s1 =	sld [smem:$0x3FFD];
	_ =	sdelay $0x3  }
0x99: {  	_ =	strace s1  }
0x9a: {  	_ =	strace $0x8FFFFFFF  }
0x9b: {  	s16 =	sld [smem:$0x3FDB];
	_ =	sdelay $0x1  }
0x9c: {  	s17 =	simm.s32 $_scs_section_size  }
0x9d: {  	s3 =	simm.s32 $_size__tile_overlayer_lowered;
	s4 =	simm.s32 $_tile_overlayer_lowered  }
0x9e: {  	s20 =	simm.s32 $0x1BFF;
	s19 =	sshll.u32 s4, $0x1;
	s1 =	sadd.s32 s17, s16  }
0x9f: {  	s5 =	simm.s32 $0x0;
	s18 =	sshll.u32 s3, $0x1;
	s3 =	sadd.s32 s19, s1  }
0xa0: {  	[timem:s5], [sflag:s20] =	dma.local [hbm:s3], s18  }
0xa1: {  	_ =	swait.ge [sflag:s20], s18  }
0xa2: {  	s2 =	ssub.s32 $0x0, s18;
	[sflag:s20] =	ssyncset.done $0x0  }
0xa3: {  	[sflag:s20] =	ssyncadd.s32 s2;
	_ =	sdelay $0x1  }
0xa4: {  	s21 =	simm.s32 $0x1B8B  }
0xa5: {  	_ =	swait.ge [sflag:s21], $0x1  }
0xa6: {  	[sflag:s21] =	ssyncset.done $0x0  }
0xa7: {  	s23 =	simm.s32 $0x1B8E;
	s22 =	sld [smem:$0x3FFE];
	[sflag:s21] =	ssyncadd.s32 $0xFFFFFFFF  }
0xa8: {  	s24 =	simm.s32 $execute0_lowered;
	[smem:$0x3FD2] =	sst s23  }
0xa9: {  	s3 =	sshll.u32 s24, $0x1;
	_ =	strace $0x80000049;
	[dreg:$0x1] =	wrdreg $0xFFFFFFFF  }
0xaa: {  	s25 =	simm.s32 $_size_execute0_lowered;
	s1 =	sadd.s32 s1, s3;
	[dreg:$0x0] =	wrdreg $0x0  }
0xab: {  	s3 =	sshll.u32 s25, $0x1;
	[dreg:$0x2] =	wrdreg s1  }
0xac: {  	[dreg:$0x3] =	wrdreg s3  }
0xad: {  	[dreg:$0x4] =	wrdreg $0xC0  }
0xae: {  	_ =	task [dreg:s5], $0x5FFFF  }
0xaf: {  	[dreg:$0x1] =	wrdreg $0xFFFFFFFF  }
0xb0: {  	[dreg:$0x0] =	wrdreg $0x60  }
0xb1: {  	[dreg:$0x2] =	wrdreg s14  }
0xb2: {  	[dreg:$0x3] =	wrdreg s22  }
0xb3: {  	[dreg:$0x4] =	wrdreg $0x9  }
0xb4: {  	_ =	task.clear_ibuf [dreg:s5], $0x5FFFF;
	_ =	strace $0x90000049  }
0xb5: {  	s26 =	simm.s32 $0x9;
	_ =	strace $0x8000004B  }
0xb6: {  	_ =	swait.ge [sflag:s26], $0x1  }
0xb7: {  	[sflag:s26] =	ssyncadd.s32 $0xFFFFFFFF  }
0xb8: {  	_ =	strace $0x9000004B  }
0xb9: {  	_ =	sfence  }
0xba: {  	s28 =	sld [smem:$0x0];
	_ =	sdelay $0x1  }
0xbb: {  	s29 =	srdreg.scid  }
0xbc: {  	s30 =	sshll.u32 s29, $0xD;
	s31 =	sshrl.u32 s29, $0x2  }
0xbd: {  	s2 =	sand.u32 $0x4000, s30;
	s1 =	sand.u32 $0x1, s29;
	s0 =	sadd.s32 s31, s28  }
0xbe: {  	s1 =	sor.u32 s2, s1;
	s0 =	sshll.u32 s0, $0x11  }
0xbf: {  	s0 =	sor.u32 s0, s1  }
0xc0: {  	s0 =	sadd.s32 $0x8F2B, s0  }
0xc1: {  	[sflag:s0] =	ssyncadd.remote.s32 $0x1  }
0xc2: {  	_ =	sfence.sel $0xFFFF  }
0xc3: {  	[dreg:$0x0] =	wrdreg $0xFFFFFFFF;
	(pc) =	sbr.abs _section_cstart, $3  }
0xc4: {  	[dreg:$0x1] =	wrdreg $0xFFFFFFFF  }
0xc5: {  	_ =	task.clear_ibuf [dreg:s5], $0x2FFFF;
	_ =	strace $0x9FFFFFFF  }
0xc6: {  	(tm) =	ssettm $0x7FFFFFFF  }
0xc7: {  	_ =	shalt  }
tec
execute0_lowered:
.L_overlay_start_1:
0x0: {  	(tag) =	ssettag $0x1  }
0x1: {  	s1 =	rddreg [dreg:$0x0]  }
0x2: {  	s0 =	rddreg [dreg:$0x1];
	_ =	strace $0x8000004A;
	s3 =	simm.s32 $0x1  }
0x3: {  	v1 =	vimm.s32 $0xFFFFFFFF;
	[sflag:s3] =	ssyncpa.u1 $0x0  }
0x4: {  	[tilespmem:$0x10] =	vst v1  }
0x5: {  	v0 =	vimm.s32 $0x80000000;
	[tilespmem:$0x20] =	vst v1  }
0x6: {  	[tilespmem:$0x30] =	vst v0  }
0x7: {  	s2 =	simm.s32 $0x2;
	[tilespmem:$0x40] =	vst v0  }
0x8: {  	s6 =	simm.s32 $0x7;
	s26 =	stileid.u32;
	s7 =	simm.s32 $0x8;
	[tilespmem:$0x50] =	vst v0  }
0x9: {  	s31 =	simm.s32 $0x9;
	s14 =	simm.s32 $0x0;
	s15 =	simm.s32 $0x100;
	[tilespmem:$0x60] =	vst v1  }
0xa: {  	s19 =	simm.s32 $0x4900;
	s20 =	simm.s32 $0xF;
	s21 =	simm.s32 $0x50;
	[tilespmem:$0x70] =	vst v1  }
0xb: {  	s22 =	simm.s32 $0x20FF;
	s23 =	simm.s32 $0x20;
	s24 =	simm.s32 $0x30;
	[tilespmem:$0x80] =	vst v1  }
0xc: {  	s25 =	simm.s32 $0x40FF;
	s30 =	simm.s32 $0x0;
	s4 =	sadd.s32 $0xFC2400, s0;
	v1 =	vimm.s32 $0x0;
	[tilespmem:$0xB0] =	vst v0  }
.Ltmp0:
0xd: {  	s29 =	simm.s32 $0x0;
	s5 =	sadd.s32 $0xFC3400, s0;
	[tilespmem:$0x90] =	vst v1;
	(pc) =	sbr.rel .LBB2_1-.Ltmp0, $4  }
0xe: {  	s8 =	sshll.u32 s26, $0xB;
	s10 =	sshll.u32 s26, $0x1;
	[tilespmem:$0xA0] =	vst v1;
	[sflag:s2] =	ssyncpa.u1 $0x0  }
0xf: {  	s12 =	sshllo.u32 s26, $0x1;
	s26 =	simm.s32 $0x80;
	[sflag:s6] =	ssyncpa.u1 $0x0  }
0x10: {  	vm0 =	vmmov $0xffff;
	v2 =	vlaneseq.u32;
	s9 =	sadd.s32 $0x800, s8;
	s11 =	sor.u32 $0x81, s10;
	[sflag:s7] =	ssyncpa.u1 $0x0  }
0x11: {  	vm1 =	vmxor vm1, vm1;
	vm2 =	vmmov $0x1;
	vm3 =	vcmask $0x3F3C;
	s13 =	sor.u32 $0x80, s10;
	s28 =	smov.u32 s8;
	[sflag:s31] =	ssyncpa.u1 $0x0  }
.LBB2_3:
0x12: {  	s0 =	sshrl.u32 s28, $0x3  }
0x13: {  	s2 =	sand.u32 $0x7, s28;
	s0 =	sadd.s32 s4, s0  }
0x14: {  	[tilespmem:s15], [sflag:$0x7] =	stream.linear.gather [hbm4b:s0+s2], $0x800, $0x38;
	[tilespmem:$0x4920] =	vst v63  }
.LBB2_4:
0x15: {  	s0 =	sadd.s32 $0x800, s28  }
0x16: {  	s2 =	smov.u32 s8;
	s29 =	sadd.s32 $0x1, s29;
	p0 =	slt.s32 s0, s9  }
0x17: {  	s2 =	smov.u32 @p0 s0;
	p0 =	sne.s32 s29, $0x4  }
.Ltmp1:
0x18: {  	_ = 	snop;
	(pc) =	sbr.rel @!p0 .LBB2_13-.Ltmp1, $2  }
0x19: {  	_ =	sdelay $0x2  }
0x1a: {  	s30 =	smov.u32 s28;
	s28 =	smov.u32 s2  }
.LBB2_1:
0x1b: {  	p0 =	sgt.s32 s29, $0x1  }
.Ltmp2:
0x1c: {  	_ = 	snop;
	(pc) =	sbr.rel @p0 .LBB2_11-.Ltmp2, $1  }
0x1d: {  	_ =	sdelay $0x3  }
0x1e: {  	p0 =	seq.s32 s29, $0x0  }
.Ltmp3:
0x1f: {  	_ = 	snop;
	(pc) =	sbr.rel @p0 .LBB2_3-.Ltmp3, $1  }
0x20: {  	_ =	sdelay $0x3  }
0x21: {  	_ =	swait.ge [sflag:s6], $0x800  }
0x22: {  	[sflag:s6] =	ssyncset.done $0x0  }
0x23: {  	[sflag:s6] =	ssyncadd.s32 $0xFFFFF800;
	(ifvalue) =	ssetifvalue $0xFFFFFFFF;
	v3 =	vld.msk [tilespmem:s15+$0x0 ss:$0x1], $0xffff;
	_ =	sdelay $0x4  }
0x24: {  	v4 =	vperm.xlane v3, v1  }
0x25: {  	vm4 =	vlt.u32 v3, $0x80  }
0x26: {  	v3 =	vnsel vm4, $0xFFFFFFFE, v3;
	vm4 =	vlt.u32 v4, $0x80  }
0x27: {  	[tilespmem:$0x70] =	vst v3;
	v3 =	vnsel vm4, $0xFFFFFFFE, v4  }
0x28: {  	s17 =	simm.s32 $0x8F0;
	[tilespmem:$0x80] =	vst v3  }
0x29: {  	v3 =	vld.msk [tilespmem:s17+$0x0 ss:$0x1], $0xffff;
	_ =	sdelay $0x4  }
0x2a: {  	(xrf1) =	vunique.msk.u32 $0xffff, v3;
	_ =	sdelay $0xd  }
0x2b: {  	v4 =	vimm.s32 $0xFFFFFFFF;
	v5, _, _ =	vpop (xrf1)  }
0x2c: {  	vm5 =	vne.s32 v3, v4;
	vm4 =	veq.s32 v5, v2  }
0x2d: {  	vm6 =	vlt.u32 v3, $0x80;
	vm4 =	vmand vm5, vm4  }
0x2e: {  	vm4 =	vmand vm6, vm4  }
0x2f: {  	v4 =	vnsel vm4, $0xFFFFFFFF, v3;
	_ =	sdelay $0x3  }
0x30: {  	s0 =	simm.s32 $0x20F0;
	(ifvalue) =	ssetifvalue $0xFFFFFFFF  }
0x31: {  	v3 =	vperm.xlane v3, v1;
	[tilespmem:s0], [sflag:$0x8] =	stream.indirect_vreg.gather [hbm4b:s1+s14], $0x1, v4, vm0, $0x4038;
	v4 =	vnsel vm6, $0xFFFFFFFE, v4;
	[tilespmem:$0x4920] =	vst v63  }
0x32: {  	s2 =	simm.s32 $0x0;
	s16 =	simm.s32 $0x8E0;
	[tilespmem:s17+$0x0] =	vst v4  }
.LBB2_6:
0x33: {  	v4 =	vld.msk [tilespmem:s16+$0x0 ss:$0x1], $0xffff;
	s2 =	sadd.s32 $0x10, s2;
	v5 =	vmov v3;
	s17 =	smov.u32 s16  }
0x34: {  	p0 =	slt.u32 s2, $0x7F0;
	_ =	sdelay $0x4  }
0x35: {  	v3 =	vperm.xlane v4, v1;
	(xrf1) =	vunique.msk.u32 $0xffff, v4;
	_ =	sdelay $0xd  }
0x36: {  	v6, _, _ =	vpop (xrf1)  }
0x37: {  	vm5 =	vne.s32 v4, v5;
	vm4 =	veq.s32 v6, v2  }
0x38: {  	vm6 =	vlt.u32 v4, $0x80;
	vm4 =	vmand vm5, vm4  }
0x39: {  	vm4 =	vmand vm6, vm4  }
0x3a: {  	v4 =	vnsel vm4, $0xFFFFFFFF, v4  }
.Ltmp4:
0x3b: {  	v5 =	vnsel vm6, $0xFFFFFFFE, v4;
	(pc) =	sbr.rel @p0 .LBB2_6-.Ltmp4, $3  }
0x3c: {  	_ =	sdelay $0x1  }
0x3d: {  	s16 =	sadd.s32 $0xFFFFFFF0, s16;
	s0 =	sadd.s32 $0xFFFFFFF0, s0;
	(ifvalue) =	ssetifvalue $0xFFFFFFFF  }
0x3e: {  	[tilespmem:s0], [sflag:$0x8] =	stream.indirect_vreg.gather [hbm4b:s1+s14], $0x1, v4, vm0, $0x4038;
	[tilespmem:s17+$0x0] =	vst v5  }
.Ltmp5:
0x3f: {  	(pc) =	sbr.rel .LBB2_4-.Ltmp5, $4  }
0x40: {  	_ = 	snop  }
0x41: {  	s0 =	sshrl.u32 s30, $0x3  }
0x42: {  	s2 =	simm.s32 $0x2900;
	s0 =	sadd.s32 s5, s0  }
0x43: {  	[tilespmem:s2], [sflag:$0x8] =	stream.linear.gather [hbm:s0], $0x800, $0x38;
	[tilespmem:$0x4920] =	vst v63  }
.LBB2_11:
0x44: {  	p0 =	seq.s32 s29, $0x2  }
.Ltmp6:
0x45: {  	_ = 	snop;
	(pc) =	sbr.rel @!p0 .LBB2_12-.Ltmp6, $1  }
0x46: {  	_ =	sdelay $0x3  }
0x47: {  	_ =	swait.ge [sflag:s7], $0x1000  }
0x48: {  	[sflag:s7] =	ssyncset.done $0x0  }
0x49: {  	s0 =	simm.s32 $0x8FF;
	[sflag:s7] =	ssyncadd.s32 $0xFFFFF000  }
0x4a: {  	[spmem:s11] =	stream.linear.scatter [tilespmem:s0], [sflag:$0x1], $0x1, $0x38;
	[tilespmem:$0x4920] =	vst v63  }
0x4b: {  	_ =	swait.ge [sflag:s3], $0x1  }
0x4c: {  	[sflag:s3] =	ssyncset.done $0x0  }
0x4d: {  	[sflag:s3] =	ssyncadd.s32 $0xFFFFFFFF  }
0x4e: {  	v4 =	vld [tilespmem:$0x10]  }
0x4f: {  	v5 =	vld [tilespmem:$0x70]  }
0x50: {  	v3 =	vld [tilespmem:$0x80];
	_ =	sdelay $0x2  }
0x51: {  	(v2sf) =	vpush v4, $0x0  }
0x52: {  	(v2sf) =	vpush v5, $0x0  }
0x53: {  	(v2sf) =	vpush v3, $0x0;
	_ =	sdelay $0xc  }
0x54: {  	s18 =	spop (v2sf)  }
0x55: {  	s2 =	spop (v2sf)  }
0x56: {  	s30 =	spop (v2sf)  }
0x57: {  	p0 =	seq.s32 s18, s2;
	p1 =	seq.s32 s30, s18  }
0x58: {  	p1 =	por p0, p1  }
0x59: {  	s2 =	simm.s32 $0x10;
	v4 =	vpsel p1, $0xFFFFFFFF, v4  }
0x5a: {  	[tilespmem:s2+$0x0] =	vst.msk $0x1, v4  }
0x5b: {  	v4 =	vld [tilespmem:$0x30]  }
0x5c: {  	v5 =	vld [tilespmem:$0x2900]  }
0x5d: {  	v6 =	vld [tilespmem:$0x40];
	_ =	sdelay $0x3  }
0x5e: {  	vm4 =	vmmov vm1;
	vm6 =	vmmov vm2;
	vm5 =	vgt.s32 v4, v5  }
0x5f: {  	s16 =	simm.s32 $0x2900;
	vm4 =	vmmov @p0 vm2;
	v5 =	vsel vm5, v4, v5;
	vm5 =	vgt.s32 v4, v6  }
0x60: {  	vm6 =	vmmov @p1 vm1;
	v4 =	vsel vm5, v4, v6;
	[tilespmem:s16+$0x0] =	vst.msk vm4, v5  }
0x61: {  	[tilespmem:s19+$0x0] =	vst.msk vm6, v4  }
0x62: {  	v4 =	vld [tilespmem:$0x20F0];
	_ =	sdelay $0x4  }
0x63: {  	v4 =	vshift.insert v4, v1, s20;
	_ =	sdelay $0x1  }
0x64: {  	v5 =	vimm.s32 $0x80000000;
	[tilespmem:s21+$0x0] =	vst.msk $0x1, v4  }
0x65: {  	[tilespmem:s22+$0x0] =	vst.msk $0x1, v5  }
0x66: {  	v4 =	vld [tilespmem:$0x8F0];
	_ =	sdelay $0x4  }
0x67: {  	v4 =	vshift.insert v4, v1, s20;
	_ =	sdelay $0x1  }
0x68: {  	[tilespmem:s23+$0x0] =	vst.msk $0x1, v4  }
0x69: {  	v6 =	vld [tilespmem:s16+$0x0]  }
0x6a: {  	s17 =	simm.s32 $0x100  }
0x6b: {  	v7 =	vld [tilespmem:s17+$0x0];
	_ =	sdelay $0x2  }
0x6c: {  	vm4 =	vgt.s32 v6, v5  }
0x6d: {  	v5 =	vsel vm4, v6, v5  }
0x6e: {  	vm4 =	vne.s32 v7, $0xFFFFFFFF;
	v5 =	vxor.u32 $0x80000000, v5  }
0x6f: {  	(xrf0) =	vmax.seg.scan.u32 vm4, v5  }
0x70: {  	s18 =	simm.s32 $0x1900  }
0x71: {  	v8 =	vld [tilespmem:s18+$0x0]  }
0x72: {  	v6 =	vld [tilespmem:$0xA0];
	_ =	sdelay $0x2  }
0x73: {  	v5 =	vperm.xlane v4, v1;
	v9, _, _ =	vpop (xrf0)  }
0x74: {  	vm6 =	veq.s32 v7, v3;
	v9 =	vxor.u32 $0x80000000, v9  }
0x75: {  	vm8 =	veq.s32 v7, v5;
	vm5 =	veq.s32 v6, $0x1;
	vm7 =	vgt.s32 v9, v8  }
0x76: {  	vm8 =	vmor vm8, vm6;
	v6 =	vsel vm7, v9, v8;
	vm7 =	vgt.u32 v7, $0xFFFFFFFD  }
0x77: {  	v10 =	vld [tilespmem:$0x90];
	vm9 =	vmand vm4, vm3;
	vm4 =	vmor vm5, vm6;
	vm5 =	vmor vm8, vm7  }
0x78: {  	v8 =	vsel vm5, $0xFFFFFFFF, v7;
	_ =	sdelay $0x1  }
0x79: {  	s31 =	simm.s32 $0x3900  }
0x7a: {  	s0 =	simm.s32 $0x0;
	s2 =	simm.s32 $0x2910;
	s16 =	simm.s32 $0x110;
	v11 =	vsel vm9, $0x80000000, v9;
	v6 =	vsel vm6, v9, v6  }
0x7b: {  	s17 =	simm.s32 $0x3910;
	s18 =	simm.s32 $0x1910;
	[tilespmem:s31+$0x0] =	vst v6;
	v6 =	vsel vm6, v9, v10;
	v7 =	vshift.insert v11, v0, s20;
	(ifvalue) =	ssetifvalue $0xFFFFFFFF  }
.LBB2_9:
0x7c: {  	[hbm4b:s1+s14] =	stream.indirect_vreg.scatter [tilespmem:s31], [sflag:$0x2], $0x1, v8, vm0, $0x4038;
	[tilespmem:$0x4920] =	vst v63  }
0x7d: {  	s0 =	sadd.s32 $0x10, s0;
	s31 =	smov.u32 s17;
	v8 =	vld [tilespmem:s2+$0x0]  }
0x7e: {  	p0 =	slt.u32 s0, $0x7F0  }
0x7f: {  	v9 =	vld [tilespmem:s16+$0x0];
	_ =	sdelay $0x2  }
0x80: {  	vm5 =	vgt.s32 v8, v7  }
0x81: {  	v7 =	vsel vm5, v8, v7  }
0x82: {  	vm5 =	vne.s32 v9, $0xFFFFFFFF;
	v7 =	vxor.u32 $0x80000000, v7  }
0x83: {  	(xrf0) =	vmax.seg.scan.u32 vm5, v7;
	_ =	sdelay $0x2  }
0x84: {  	v7 =	vld [tilespmem:s18+$0x0];
	_ =	sdelay $0x1  }
0x85: {  	vm6 =	veq.s32 v9, v3;
	vm7 =	veq.s32 v9, v5  }
0x86: {  	vm8 =	vgt.u32 v9, $0xFFFFFFFD;
	vm4 =	vmor vm4, vm6;
	vm7 =	vmor vm7, vm6;
	v8, _, _ =	vpop (xrf0)  }
0x87: {  	vm5 =	vmand vm5, vm3;
	vm7 =	vmor vm7, vm8;
	v10 =	vxor.u32 $0x80000000, v8  }
.Ltmp7:
0x88: {  	v8 =	vsel vm7, $0xFFFFFFFF, v9;
	vm7 =	vgt.s32 v10, v7;
	v9 =	vsel vm5, $0x80000000, v10;
	(pc) =	sbr.rel @p0 .LBB2_9-.Ltmp7, $4  }
0x89: {  	v6 =	vsel vm6, v10, v6;
	v11 =	vsel vm7, v10, v7;
	v7 =	vshift.insert v9, v0, s20  }
0x8a: {  	v9 =	vsel vm6, v10, v11  }
0x8b: {  	s2 =	sadd.s32 $0x10, s2;
	s16 =	sadd.s32 $0x10, s16;
	[tilespmem:s17+$0x0] =	vst v9  }
0x8c: {  	s18 =	sadd.s32 $0x10, s18;
	s17 =	sadd.s32 $0x10, s17;
	(ifvalue) =	ssetifvalue $0xFFFFFFFF  }
0x8d: {  	_ =	sdelay $0x3  }
0x8e: {  	[hbm4b:s1+s14] =	stream.indirect_vreg.scatter [tilespmem:s31], [sflag:$0x2], $0x1, v8, vm0, $0x4038;
	[tilespmem:$0x4920] =	vst v63  }
0x8f: {  	v3 =	vld [tilespmem:$0x40F0];
	_ =	sdelay $0x4  }
0x90: {  	v3 =	vshift.insert v3, v1, s20;
	_ =	sdelay $0x1  }
0x91: {  	[tilespmem:s24+$0x0] =	vst.msk $0x1, v3  }
0x92: {  	v3 =	vsel vm4, $0x1, v1;
	[tilespmem:$0x90] =	vst v6  }
0x93: {  	[tilespmem:$0xA0] =	vst v3  }
0x94: {  	[spmem:s12] =	stream.linear.scatter [tilespmem:s25], [sflag:$0x1], $0x1, $0x38;
	[tilespmem:$0x4920] =	vst v63  }
0x95: {  	v3 =	vmctz.xlane vm4;
	_ =	swait.ge [sflag:s3], $0x1  }
0x96: {  	(v2sf) =	vpush v4, $0x0  }
0x97: {  	(v2sf) =	vpush v3, $0x0;
	_ =	sdelay $0xd  }
0x98: {  	s0 =	spop (v2sf)  }
0x99: {  	s2 =	spop (v2sf)  }
0x9a: {  	[sflag:s3] =	ssyncset.done $0x0;
	p0 =	sne.s32 s30, s0;
	p1 =	slt.s32 s2, $0xF  }
0x9b: {  	[sflag:s3] =	ssyncadd.s32 $0xFFFFFFFF;
	v3 =	vimm.s32 @!p0 $0xFFFFFFFF;
	s2 =	simm.s32 @!p1 $0xF  }
0x9c: {  	[tilespmem:$0x80] =	vst @!p0 v3;
	s31 =	sadd.s32 $0x90, s2  }
0x9d: {  	[spmem:s10] =	stream.linear.scatter [tilespmem:s31], [sflag:$0x1], $0x1, $0x38;
	[tilespmem:$0x4920] =	vst v63  }
0x9e: {  	_ =	swait.ge [sflag:s3], $0x1  }
0x9f: {  	[sflag:s3] =	ssyncset.done $0x0  }
0xa0: {  	[sflag:s3] =	ssyncadd.s32 $0xFFFFFFFF  }
0xa1: {  	[spmem:s13] =	stream.linear.scatter [tilespmem:s26], [sflag:$0x1], $0x1, $0x38;
	[tilespmem:$0x4920] =	vst v63  }
0xa2: {  	_ =	swait.ge [sflag:s3], $0x1  }
0xa3: {  	[sflag:s3] =	ssyncset.done $0x0  }
0xa4: {  	[sflag:s3] =	ssyncadd.s32 $0xFFFFFFFF;
	(ifvalue) =	ssetifvalue $0xFFFFFFFF;
	v3 =	vld [tilespmem:$0x10];
	_ =	sdelay $0x3  }
.Ltmp8:
0xa5: {  	_ = 	snop;
	(pc) =	sbr.rel .LBB2_4-.Ltmp8, $3  }
0xa6: {  	_ =	sdelay $0x1  }
0xa7: {  	(ifvalue) =	ssetifvalue $0xFFFFFFFF  }
0xa8: {  	[hbm4b:s1+s14] =	stream.indirect_vreg.scatter [tilespmem:s19], [sflag:$0x9], $0x1, v3, vm0, $0x4038;
	[tilespmem:$0x4920] =	vst v63  }
.LBB2_12:
0xa9: {  	s0 =	simm.s32 $0x2  }
0xaa: {  	_ =	swait.ge [sflag:s0], $0x800  }
0xab: {  	[sflag:s0] =	ssyncset.done $0x0  }
0xac: {  	s31 =	simm.s32 $0x9;
	[sflag:s0] =	ssyncadd.s32 $0xFFFFF800  }
0xad: {  	_ =	swait.ge [sflag:s31], $0x10  }
0xae: {  	[sflag:s31] =	ssyncset.done $0x0  }
0xaf: {  	[sflag:s31] =	ssyncadd.s32 $0xFFFFFFF0  }
.LBB2_13:
0xb0: {  	_ =	sfence.sel $0x180000  }
0xb1: {  	s0 =	simm.s32 $0x7;
	[bflag:$0x0] =	sbarrier.arrive $0xFFFF  }
0xb2: {  	s26 =	simm.s32 $0x8;
	[sflag:s0] =	ssyncpa.u1 $0x1  }
0xb3: {  	s28 =	simm.s32 $0x9;
	[sflag:s26] =	ssyncpa.u1 $0x1  }
0xb4: {  	[sflag:s28] =	ssyncpa.u1 $0x1  }
0xb5: {  	_ =	sfence.stream.spmem  }
0xb6: {  	s29 =	simm.s32 $0x3;
	[bflag:$0x0] =	sbarrier.arrive $0xFFFF  }
0xb7: {  	s30 =	simm.s32 $0x4;
	[sflag:s29] =	ssyncpa.u1 $0x1  }
0xb8: {  	s31 =	simm.s32 $0x3C;
	s2 =	stileid.u32;
	[sflag:s30] =	ssyncpa.u1 $0x1  }
0xb9: {  	p0 =	sne.s32 s2, $0x0;
	[sflag:s31] =	ssyncpa.u1 $0x1  }
0xba: {  	s0 =	simm.s32 @p0 $0x1;
	_ =	sfence @p0  }
0xbb: {  	[sflag:s0] =	ssyncpa.u1 @p0 $0x1;
	s0 =	simm.s32 @p0 $0x2  }
0xbc: {  	[sflag:s0] =	ssyncpa.u1 @p0 $0x1  }
0xbd: {  	_ =	strace @p0 $0x9000004A  }
0xbe: {  	[bflag:$0x2] =	sbarrier.arrive @p0 $0xFFFF  }
0xbf: {  	_ =	shalt @p0  }
.LBB2_14:
0xc0: {  	_ =	sfence.stream.spmem;
	s0 =	simm.s32 $0x5  }
0xc1: {  	s2 =	simm.s32 $0x80;
	s3 =	simm.s32 $0xC0;
	[sflag:s0] =	ssyncpa.u1 $0x0  }
0xc2: {  	[tilespmem:s3], [sflag:$0x5] =	stream.linear.gather [spmem:s2], $0x20, $0x38;
	[tilespmem:$0x4920] =	vst v63  }
0xc3: {  	s30 =	simm.s32 $0xE0;
	s2 =	simm.s32 $0x0  }
0xc4: {  	[tilespmem:s30], [sflag:$0x5] =	stream.linear.gather [spmem:s2], $0x20, $0x38;
	[tilespmem:$0x4920] =	vst v63  }
.Ltmp9:
0xc5: {  	_ = 	snop;
	(pc) =	sbr.rel .LBB2_15-.Ltmp9, $4  }
0xc6: {  	_ =	swait.ge [sflag:s0], $0x40  }
0xc7: {  	[sflag:s0] =	ssyncset.done $0x0  }
0xc8: {  	s31 =	simm.s32 $0x6;
	[sflag:s0] =	ssyncadd.s32 $0xFFFFFFC0  }
0xc9: {  	s3 =	simm.s32 $0x0;
	[sflag:s31] =	ssyncpa.u1 $0x0  }
.LBB2_20:
0xca: {  	p0 =	sgt.u32 s4, $0x7F  }
0xcb: {  	s0 =	sshrl.u32 @!p0 s4, $0x3  }
0xcc: {  	s4 =	sand.u32 @!p0 $0x7, s4;
	s5 =	simm.s32 @!p0 $0xB0;
	s0 =	sadd.s32 @!p0 s1, s0  }
0xcd: {  	[tilespmem:s5], [sflag:$0x6] =	stream.linear.gather @!p0 [hbm4b:s0+s4], $0x1, $0x38;
	[tilespmem:$0x4920] =	vst v63  }
0xce: {  	s0 =	simm.s32 @!p0 $0x6  }
0xcf: {  	_ =	swait.ge @!p0 [sflag:s0], $0x1  }
0xd0: {  	[sflag:s0] =	ssyncset.done @!p0 $0x0  }
0xd1: {  	[sflag:s0] =	ssyncadd.s32 @!p0 $0xFFFFFFFF  }
0xd2: {  	v1 =	vld.msk @!p0 [tilespmem:$0xB0], $0x1  }
0xd3: {  	v2 =	vld.msk @!p0 [tilespmem:s3+$0xE0], $0x1;
	_ =	sdelay $0x4  }
0xd4: {  	vm0 =	vgt.s32 @!p0 v2, v1  }
0xd5: {  	v1 =	vsel @!p0 vm0, v2, v1  }
0xd6: {  	[tilespmem:s3+$0xE0] =	vst.msk @!p0 $0x1, v1  }
0xd7: {  	[tilespmem:s2+$0xC0] =	vst.msk $0x1, v0  }
0xd8: {  	v0 =	vld.msk [tilespmem:s3+$0xE0], $0x1;
	_ =	sdelay $0x4  }
0xd9: {  	[tilespmem:s2+$0xE0] =	vst.msk $0x1, v0;
	s2 =	sadd.s32 $0x1, s2  }
.LBB2_22:
0xda: {  	s3 =	sadd.s32 $0x1, s3  }
0xdb: {  	p0 =	sne.s32 s3, $0x20  }
.Ltmp10:
0xdc: {  	_ = 	snop;
	(pc) =	sbr.rel @!p0 .LBB2_23-.Ltmp10, $1  }
0xdd: {  	_ =	sdelay $0x3  }
.LBB2_15:
0xde: {  	v0 =	vld.msk [tilespmem:s3+$0xC0], $0x1;
	_ =	sdelay $0x4  }
0xdf: {  	(v2sf) =	vpush v0, $0x0;
	_ =	sdelay $0xe  }
0xe0: {  	s4 =	spop (v2sf)  }
0xe1: {  	p0 =	seq.s32 s4, $0xFFFFFFFF  }
.Ltmp11:
0xe2: {  	_ = 	snop;
	(pc) =	sbr.rel @p0 .LBB2_22-.Ltmp11, $1  }
0xe3: {  	_ =	sdelay $0x3  }
0xe4: {  	p0 =	slt.s32 s2, $0x1  }
.Ltmp12:
0xe5: {  	_ = 	snop;
	(pc) =	sbr.rel @p0 .LBB2_20-.Ltmp12, $1  }
0xe6: {  	_ =	sdelay $0x3  }
0xe7: {  	s0 =	simm.s32 $0xC0;
	p0 =	por $0x0, $0x0  }
0xe8: {  	v1 =	vld.msk @!p0 [tilespmem:s0+$0x0], $0x1;
	_ =	sdelay $0x4  }
0xe9: {  	(v2sf) =	vpush @!p0 v1, $0x0;
	_ =	sdelay $0xd  }
0xea: {  	p2 =	sne.s32 s2, $0x1  }
.Ltmp13:
0xeb: {  	s5 =	spop @!p0 (v2sf);
	(pc) =	sbr.rel @!p2 .LBB2_19-.Ltmp13, $4  }
0xec: {  	p1 =	seq.s32 @!p0 s4, s5  }
0xed: {  	s5 =	simm.s32 $0x0;
	p1 =	por !p1, p0  }
0xee: {  	s7 =	simm.s32 $0xFFFFFFFF;
	s5 =	simm.s32 @p1 $0xFFFFFFFF  }
0xef: {  	s6 =	simm.s32 $0x1;
	s5 =	smov.u32 @p0 s7  }
.LBB2_18:
0xf0: {  	s7 =	smov.u32 s5;
	p0 =	sne.s32 s5, $0xFFFFFFFF  }
0xf1: {  	s0 =	sadd.s32 $0x1, s0;
	s5 =	smov.u32 s6;
	s6 =	sadd.s32 $0x1, s6  }
0xf2: {  	p1 =	sne.s32 s2, s6;
	v1 =	vld.msk @!p0 [tilespmem:s0+$0x0], $0x1;
	_ =	sdelay $0x4  }
0xf3: {  	(v2sf) =	vpush @!p0 v1, $0x0;
	_ =	sdelay $0xe  }
.Ltmp14:
0xf4: {  	s8 =	spop @!p0 (v2sf);
	(pc) =	sbr.rel @p1 .LBB2_18-.Ltmp14, $4  }
0xf5: {  	p2 =	seq.s32 @!p0 s4, s8  }
0xf6: {  	p2 =	por !p2, p0  }
0xf7: {  	s5 =	simm.s32 @p2 $0xFFFFFFFF  }
0xf8: {  	s5 =	smov.u32 @p0 s7  }
.LBB2_19:
0xf9: {  	p0 =	sne.s32 s5, $0xFFFFFFFF  }
.Ltmp15:
0xfa: {  	_ = 	snop;
	(pc) =	sbr.rel @!p0 .LBB2_20-.Ltmp15, $1  }
0xfb: {  	_ =	sdelay $0x3  }
0xfc: {  	v0 =	vld.msk [tilespmem:s3+$0xE0], $0x1  }
0xfd: {  	v1 =	vld.msk [tilespmem:s5+$0xE0], $0x1;
	_ =	sdelay $0x2  }
.Ltmp16:
0xfe: {  	_ = 	snop;
	(pc) =	sbr.rel .LBB2_22-.Ltmp16, $4  }
0xff: {  	_ = 	snop  }
0x100: {  	vm0 =	vgt.s32 v1, v0  }
0x101: {  	v0 =	vsel vm0, v1, v0  }
0x102: {  	[tilespmem:s5+$0xE0] =	vst.msk $0x1, v0  }
.LBB2_23:
0x103: {  	p0 =	slt.s32 s2, $0x1  }
.Ltmp17:
0x104: {  	_ = 	snop;
	(pc) =	sbr.rel @p0 .LBB2_27-.Ltmp17, $3  }
0x105: {  	_ =	sdelay $0x1  }
0x106: {  	s0 =	simm.s32 $0x6  }
0x107: {  	[sflag:s0] =	ssyncpa.u1 $0x1;
	s0 =	simm.s32 $0x0  }
0x108: {  	s3 =	simm.s32 $0xC0  }
0x109: {  	v0 =	vld.msk [tilespmem:s3+$0x0], $0x1;
	_ =	sdelay $0x4  }
0x10a: {  	(v2sf) =	vpush v0, $0x0;
	_ =	sdelay $0xe  }
0x10b: {  	s2 =	sadd.s32 $0xFFFFFFFF, s2;
	s4 =	spop (v2sf)  }
0x10c: {  	p1 =	sne.s32 s2, $0x0;
	p0 =	sgt.u32 s4, $0x7F  }
.Ltmp18:
0x10d: {  	s5 =	sshrl.u32 @!p0 s4, $0x3;
	(pc) =	sbr.rel @!p1 .LBB2_26-.Ltmp18, $4  }
0x10e: {  	s3 =	simm.s32 $0xE0;
	s4 =	sand.u32 @!p0 $0x7, s4;
	s5 =	sadd.s32 @!p0 s1, s5  }
0x10f: {  	[hbm4b:s5+s4] =	stream.linear.scatter @!p0 [tilespmem:s3], [sflag:$0x5], $0x1, $0x38;
	[tilespmem:$0x4920] =	vst v63  }
0x110: {  	s5 =	simm.s32 $0x0  }
0x111: {  	s4 =	simm.s32 $0xC1;
	s5 =	simm.s32 @!p0 $0x4  }
.LBB2_25:
0x112: {  	v0 =	vld.msk [tilespmem:s4+$0x0], $0x1;
	s2 =	sadd.s32 $0xFFFFFFFF, s2;
	s0 =	sadd.s32 s0, s5  }
0x113: {  	p0 =	sne.s32 s2, $0x0;
	_ =	sdelay $0x3  }
0x114: {  	(v2sf) =	vpush v0, $0x0;
	_ =	sdelay $0xe  }
.Ltmp19:
0x115: {  	s6 =	spop (v2sf);
	(pc) =	sbr.rel @p0 .LBB2_25-.Ltmp19, $4  }
0x116: {  	s5 =	simm.s32 $0x0;
	p1 =	sgt.u32 s6, $0x7F  }
0x117: {  	s3 =	sadd.s32 $0x1, s3;
	s5 =	simm.s32 @!p1 $0x4;
	s7 =	sshrl.u32 @!p1 s6, $0x3  }
0x118: {  	s4 =	sadd.s32 $0x1, s4;
	s6 =	sand.u32 @!p1 $0x7, s6;
	s7 =	sadd.s32 @!p1 s1, s7  }
0x119: {  	[hbm4b:s7+s6] =	stream.linear.scatter @!p1 [tilespmem:s3], [sflag:$0x5], $0x1, $0x38;
	[tilespmem:$0x4920] =	vst v63  }
.LBB2_26:
0x11a: {  	s0 =	sadd.s32 s0, s5  }
0x11b: {  	s0 =	sshrl.u32 s0, $0x2  }
.LBB2_27:
0x11c: {  	s1 =	simm.s32 $0x5  }
0x11d: {  	_ =	swait.ge [sflag:s1], s0  }
0x11e: {  	s28 =	ssub.s32 $0x0, s0;
	[sflag:s1] =	ssyncset.done $0x0  }
0x11f: {  	[sflag:s1] =	ssyncadd.s32 s28  }
0x120: {  	[sflag:s1] =	ssyncpa.u1 $0x1  }
0x121: {  	s29 =	simm.s32 $0x1;
	_ =	sfence  }
0x122: {  	s30 =	simm.s32 $0x2;
	[sflag:s29] =	ssyncpa.u1 $0x1  }
0x123: {  	[sflag:s30] =	ssyncpa.u1 $0x1  }
0x124: {  	_ =	strace $0x9000004A  }
0x125: {  	[bflag:$0x2] =	sbarrier.arrive $0xFFFF  }
0x126: {  	s31 =	rddreg [dreg:$0x2]  }
0x127: {  	s0 =	sadd.s32 $0x100000, s31  }
0x128: {  	[sflag:s0] =	ssyncadd.tile.s32 $0x1;
	_ =	shalt  }
.Lfunc_end2:
_tile_overlayer_lowered:
.L_overlay_start_2:
0x129: {  	(tag) =	ssettag $0x2  }
0x12a: {  	s0 =	rddreg [dreg:$0x0];
	s2 =	stileid.u32  }
0x12b: {  	s1 =	rddreg [dreg:$0x1];
	p0 =	sne.s32 s2, $0x0  }
0x12c: {  	s3 =	rddreg [dreg:$0x2];
	[bflag:$0x3] =	sbarrier.arrive $0xFFFF;
	s2 =	simm.s32 @!p0 $0x1C01  }
0x12d: {  	[timem:s3], [sflag:s2] =	dma.local @!p0 [hbm:s0], s1  }
0x12e: {  	s0 =	simm.s32 @!p0 $0x1  }
0x12f: {  	_ =	swait.ge @!p0 [sflag:s0], s1  }
0x130: {  	s1 =	ssub.s32 @!p0 $0x0, s1;
	[sflag:s0] =	ssyncset.done @!p0 $0x0  }
0x131: {  	[sflag:s0] =	ssyncadd.s32 @!p0 s1  }
0x132: {  	[bflag:$0x3] =	sbarrier.arrive $0xFFFF  }
0x133: {  	_ =	shalt  }

</sc_bundles>
